<compile_context>
chip_gen: v7x
topology: tpu7x:2x2x1
jax: 0.10.2.dev20260603
libtpu: 0.0.44.dev20260713+nightly
codegen_flags: <defaults>
</compile_context>

<pallas_src>
import functools

import jax
import jax.numpy as jnp
from jax import lax
from jax.experimental import pallas as pl
from jax.experimental.pallas import tpu as pltpu
from jax.experimental.pallas import tpu_sc as plsc

MAXQ = 9.0
NTYPES = 5
HID = 128
NGR = 2048
NNODE = 100000
CHUNK = 128
NWORK = 32
NPAD = 102400
BLK = 4096
SPLITS = ((0, 13), (53248, 12))


def _silu(x):
    y = 0.5 * x
    return y + y * jnp.tanh(y)


def _make_mlp_body(off):
    def body(remapt_ref, auxt_ref, wa_ref, w1_ref, w2_ref, mass_ref,
             valst_ref):
        i = pl.program_id(0)
        aux = auxt_ref[...]
        q = aux[0:1, :]
        qn = q * (1.0 / MAXQ)
        r0 = remapt_ref[...]
        r1 = r0 * qn
        r2 = r1 * qn
        rr = jnp.concatenate([r0, r1, r2], axis=0)
        h = _silu(jnp.dot(wa_ref[...], rr, preferred_element_type=jnp.float32))
        hext = jnp.concatenate([h, jnp.ones((8, BLK), jnp.float32)], axis=0)
        h = _silu(jnp.dot(w1_ref[...], hext,
                          preferred_element_type=jnp.float32))
        s8 = jnp.dot(w2_ref[...], h, preferred_element_type=jnp.float32)
        s = s8[0:1, :] + mass_ref[0, NTYPES]
        m = jnp.zeros((1, BLK), jnp.float32)
        for t in range(NTYPES):
            m = m + mass_ref[0, t] * jnp.where(q == float(t), 1.0, 0.0)
        cid = lax.broadcasted_iota(jnp.int32, (1, BLK), 1) + (i * BLK + off)
        valid = cid < NNODE
        s = jnp.where(valid, s, 0.0)
        m = jnp.where(valid, m, 0.0)
        pos = aux[1:4, :]
        valst_ref[...] = jnp.concatenate(
            [s * pos, s, m * pos, m, jnp.zeros((8, BLK), jnp.float32)], axis=0)
    return body


def _make_segsum_body(nch):
    npw = nch * CHUNK
    vstr = npw + 8

    def body(valst_hbm, batch_hbm, out_hbm, vt, idx_v, vals_v, zv, acc_sh,
             dsem):
        cid = lax.axis_index("c")
        sid = lax.axis_index("s")
        wid = sid * 2 + cid
        base = wid * npw
        pltpu.sync_copy(batch_hbm.at[pl.ds(wid * nch, nch), :], idx_v)
        cps = [pltpu.async_copy(valst_hbm.at[k, pl.ds(base, npw)],
                                vt.at[pl.ds(k * vstr, npw)], dsem)
               for k in range(16)]
        arows = NGR // 16

        @plsc.parallel_loop(0, arows, 1, unroll=8)
        def _zero(r):
            zv[r, :] = jnp.zeros((16,), jnp.float32)

        pltpu.sync_copy(zv, acc_sh.at[pl.ds(sid * arows, arows), :])
        for c in cps:
            c.wait()
        iotan = lax.iota(jnp.int32, 16) * vstr

        @plsc.parallel_loop(0, npw, 1, unroll=16)
        def _rebuild(j):
            vals_v[j, :] = plsc.load_gather(vt, [iotan + j])

        plsc.subcore_barrier()

        def scat(j, carry):
            pltpu.sync_copy(vals_v.at[pl.ds(j * CHUNK, CHUNK), :],
                            acc_sh.at[idx_v.at[j]], add=True)
            return carry

        lax.fori_loop(0, nch, scat, 0)
        plsc.subcore_barrier()
        pltpu.sync_copy(acc_sh.at[pl.ds(sid * arows, arows), :],
                        out_hbm.at[cid, pl.ds(sid * arows, arows), :])

    return body


@functools.cache
def _make_segsum(nch):
    npw = nch * CHUNK
    return pl.kernel(
        _make_segsum_body(nch),
        mesh=plsc.VectorSubcoreMesh(core_axis_name="c", subcore_axis_name="s"),
        out_type=jax.ShapeDtypeStruct((2, NGR, 16), jnp.float32),
        scratch_types=[
            pltpu.VMEM((16 * (npw + 8),), jnp.float32),
            pltpu.VMEM((nch, CHUNK), jnp.int32),
            pltpu.VMEM((npw, 16), jnp.float32),
            pltpu.VMEM((NGR // 16, 16), jnp.float32),
            pltpu.VMEM_SHARED((NGR, 16), jnp.float32),
            pltpu.SemaphoreType.DMA,
        ],
        compiler_params=pltpu.CompilerParams(use_tc_tiling_on_sc=False,
                                             needs_layout_passes=False),
    )


def _combine_body(a_ref, b_ref, out_ref):
    s = (a_ref[0, :, :] + a_ref[1, :, :]
         + b_ref[0, :, :] + b_ref[1, :, :])
    s1 = s[:, 0:3]
    hs = s[:, 3:4]
    num = s[:, 4:7]
    den = s[:, 7:8]
    c = num / (den + 1e-12)
    o = s1 - c * hs
    out_ref[...] = jnp.sqrt(jnp.sum(o * o, axis=1, keepdims=True))


def _run_mlp(off, nblk, remapt, auxt, wa, w1p, w2t, mass_p):
    ob = off // BLK
    return pl.pallas_call(
        _make_mlp_body(off),
        grid=(nblk,),
        in_specs=[
            pl.BlockSpec((8, BLK), lambda i: (0, ob + i)),
            pl.BlockSpec((8, BLK), lambda i: (0, ob + i)),
            pl.BlockSpec((HID, 24), lambda i: (0, 0)),
            pl.BlockSpec((HID, 136), lambda i: (0, 0)),
            pl.BlockSpec((8, HID), lambda i: (0, 0)),
            pl.BlockSpec((1, 8), lambda i: (0, 0)),
        ],
        out_specs=pl.BlockSpec((16, BLK), lambda i: (0, i)),
        out_shape=jax.ShapeDtypeStruct((16, nblk * BLK), jnp.float32),
        compiler_params=pltpu.CompilerParams(
            dimension_semantics=("arbitrary",)),
    )(remapt, auxt, wa, w1p, w2t, mass_p)


def kernel(node_type, remap_node_type, pos, batch, W_emb, b_emb, W_net, b_net,
           W1, b1, W2, b2, atomic_mass):
    n = node_type.shape[0]
    pad = NPAD - n
    remapt = jnp.pad(
        jnp.concatenate([remap_node_type.T, jnp.ones((1, n), jnp.float32)],
                        axis=0), ((0, 2), (0, pad)))
    auxt = jnp.pad(
        jnp.concatenate([node_type.astype(jnp.float32).reshape(1, n), pos.T],
                        axis=0), ((0, 4), (0, pad)))
    batch_p = jnp.pad(batch.astype(jnp.int32), (0, pad)).reshape(
        NPAD // CHUNK, CHUNK)
    m0 = W_emb @ W_net
    bias_row = b_emb @ W_net + b_net
    wa = jnp.pad(m0.reshape(NTYPES, 3, HID).transpose(2, 1, 0),
                 ((0, 0), (0, 0), (0, 3)))
    wa = wa.at[:, 0, NTYPES].set(bias_row).reshape(HID, 24)
    w1p = jnp.concatenate(
        [W1.T, b1.reshape(HID, 1), jnp.zeros((HID, 7), jnp.float32)],
        axis=1)
    w2t = jnp.pad(W2.T, ((0, 7), (0, 0)))
    mass_p = jnp.concatenate(
        [atomic_mass, b2, jnp.zeros((2,), jnp.float32)]).reshape(1, 8)

    sums = []
    for off, nch in SPLITS:
        size = nch * CHUNK * NWORK
        valst = _run_mlp(off, size // BLK, remapt, auxt, wa, w1p, w2t, mass_p)
        bslice = lax.slice_in_dim(batch_p, off // CHUNK,
                                  (off + size) // CHUNK, axis=0)
        sums.append(_make_segsum(nch)(valst, bslice))

    out = pl.pallas_call(
        _combine_body,
        out_shape=jax.ShapeDtypeStruct((NGR, 1), jnp.float32),
    )(sums[0], sums[1])
    return (out, pos)

# --- scband reference (transcript-rebuilt; emitter-appended) ---
"""Pipeline reference for scband-qm9-prop-pred-module-2259152797780 (READ-ONLY COPY).

The authoritative reference and input builder live on the scoring server;
editing this copy changes nothing except your own understanding.
"""

import jax, jax.numpy as jnp
import numpy as np

MAX_CHARGE = 9.0
NUM_TYPES = 5
HID = 128
NG = 2048
N = 100000


def setup_inputs(seed: int = 0) -> dict:
    key = jax.random.key(seed)
    ks = jax.random.split(key, 13)
    inp = {}
    inp["node_type"] = jax.random.randint(ks[0], (N,), 0, NUM_TYPES)
    inp["remap_node_type"] = jax.random.uniform(ks[1], (N, NUM_TYPES), dtype=jnp.float32)
    inp["pos"] = jax.random.normal(ks[2], (N, 3), dtype=jnp.float32)
    inp["batch"] = jnp.sort(jax.random.randint(ks[3], (N,), 0, NG))
    inp["W_emb"] = jax.random.normal(ks[4], (NUM_TYPES * 3, HID), dtype=jnp.float32) * 0.1
    inp["b_emb"] = jnp.zeros((HID,), dtype=jnp.float32)
    inp["W_net"] = jax.random.normal(ks[5], (HID, HID), dtype=jnp.float32) * 0.05
    inp["b_net"] = jnp.zeros((HID,), dtype=jnp.float32)
    inp["W1"] = jax.random.normal(ks[6], (HID, HID), dtype=jnp.float32) * 0.05
    inp["b1"] = jnp.zeros((HID,), dtype=jnp.float32)
    inp["W2"] = jax.random.normal(ks[7], (HID, 1), dtype=jnp.float32) * 0.05
    inp["b2"] = jnp.zeros((1,), dtype=jnp.float32)
    inp["atomic_mass"] = jax.random.uniform(ks[8], (NUM_TYPES,), dtype=jnp.float32) * 18.0 + 1.0
    return inp


def reference(node_type, remap_node_type, pos, batch, W_emb, b_emb, W_net, b_net, W1, b1, W2, b2, atomic_mass):
    # charge features: stack of (charge/max_charge)**p for p in 0..2
    charge = node_type.astype(jnp.float32)
    charge_feat = jnp.stack([(charge / MAX_CHARGE) ** p for p in range(0, 3)], axis=1)  # [N, 3]
    # node_feat = remap_node_type[:, :, None] * charge_feat[:, None, :] -> [N, NUM_TYPES*3]
    node_feat = (remap_node_type[:, :, None] * charge_feat[:, None, :]).reshape(pos.shape[0], -1)
    # node embedding (stand-in for node_emb + equivariant net scalar channel)
    f = node_feat @ W_emb + b_emb
    h = jax.nn.silu(f @ W_net + b_net)
    # pre_out_block: Linear -> SiLU -> Linear(1)
    h = jax.nn.silu(h @ W1 + b1)
    h = h @ W2 + b2  # [N, 1]
    # net returns updated coordinates; with pos_type='gt' the gt positions are used
    x = pos
    # dipole branch: center of mass per graph via segment reduce
    mass = atomic_mass[node_type][:, None]  # [N, 1]
    num = jax.ops.segment_sum(mass * pos, batch, num_segments=NG)  # [NG, 3]
    den = jax.ops.segment_sum(mass, batch, num_segments=NG)  # [NG, 1]
    c = num / (den + 1e-12)
    h = h * (pos - c[batch])  # [N, 3]
    # readout: scatter sum over graphs
    out = jax.ops.segment_sum(h, batch, num_segments=NG)  # [NG, 3]
    out = jnp.linalg.norm(out, axis=-1, keepdims=True)  # [NG, 1]
    return (out, x)

if __name__ == "__main__":
    import jax
    _d = setup_inputs()
    print(jax.jit(kernel)(*tuple(_d.values())))

</pallas_src>

<mosaic_0001>
#map = affine_map<(d0, d1) -> (0, 0)>
#map1 = affine_map<(d0, d1) -> (0, 0, 0)>
module attributes {stable_mosaic.version = 14 : i64} {
  func.func @body(%arg0: i32, %arg1: i32, %arg2: memref<16x49152xf32, #tpu.memory_space<hbm>>, %arg3: memref<384x128xi32, #tpu.memory_space<hbm>>, %arg4: memref<2x2048x16xf32, #tpu.memory_space<hbm>>, %arg5: memref<24704xf32, #tpu.memory_space<vmem>>, %arg6: memref<12x128xi32, #tpu.memory_space<vmem>>, %arg7: memref<1536x16xf32, #tpu.memory_space<vmem>>, %arg8: memref<128x16xf32, #tpu.memory_space<vmem>>, %arg9: memref<2048x16xf32, #tpu.memory_space<vmem_shared>>, %arg10: memref<!tpu.dma_semaphore, #tpu.memory_space<semaphore_mem>>) attributes {dimension_semantics = [#tpu.dimension_semantics<core_parallel>, #tpu.dimension_semantics<subcore_parallel>], iteration_bounds = array<i64: 2, 16>, scalar_prefetch = 0 : i64, scratch_operands = 6 : i64, tpu.core_type = #tpu.core_type<sc_vector_subcore>, window_params = [{transform_indices = #map}, {transform_indices = #map}, {transform_indices = #map1}]} {
    %mul3A = arith.constant 2 : i32
    %mul3A_0 = arith.muli %arg1, %mul3A : i32
    %add3A = arith.addi %mul3A_0, %arg0 : i32
    %mul3A_1 = arith.constant 1536 : i32
    %mul3A_2 = arith.muli %add3A, %mul3A_1 : i32
    %mul3A_3 = arith.constant 12 : i32
    %mul3A_4 = arith.muli %add3A, %mul3A_3 : i32
    "tpu.region"() ({
      %run_scoped3A = tpu.sem_alloc : memref<!tpu.dma_semaphore, #tpu.memory_space<semaphore_mem>>
      %dma_start3A_311 = arith.constant 0 : i32
      %dma_start3A_312 = tpu.memref_slice %arg3[%mul3A_4, %dma_start3A_311] : memref<384x128xi32, #tpu.memory_space<hbm>> -> memref<12x128xi32, #tpu.memory_space<hbm>>
      %dma_start3A_313 = arith.constant 0 : i32
      %dma_start3A_314 = tpu.memref_slice %arg3[%mul3A_4, %dma_start3A_313] : memref<384x128xi32, #tpu.memory_space<hbm>> -> memref<12x128xi32, #tpu.memory_space<hbm>>
      tpu.enqueue_dma source(%dma_start3A_314 : memref<12x128xi32, #tpu.memory_space<hbm>>) target(%arg6 : memref<12x128xi32, #tpu.memory_space<vmem>>) target_semaphore(%run_scoped3A : memref<!tpu.dma_semaphore, #tpu.memory_space<semaphore_mem>>)
      %dma_wait3A_315 = arith.constant 0 : i32
      %dma_wait3A_316 = tpu.memref_slice %arg3[%mul3A_4, %dma_wait3A_315] : memref<384x128xi32, #tpu.memory_space<hbm>> -> memref<12x128xi32, #tpu.memory_space<hbm>>
      %dma_wait3A_317 = arith.constant 0 : i32
      %dma_wait3A_318 = tpu.memref_slice %arg3[%mul3A_4, %dma_wait3A_317] : memref<384x128xi32, #tpu.memory_space<hbm>> -> memref<12x128xi32, #tpu.memory_space<hbm>>
      tpu.wait_dma2 semaphore(%run_scoped3A : memref<!tpu.dma_semaphore, #tpu.memory_space<semaphore_mem>>) src(%dma_wait3A_318 : memref<12x128xi32, #tpu.memory_space<hbm>>) dst(%arg6 : memref<12x128xi32, #tpu.memory_space<vmem>>)
      tpu.yield
    }) : () -> ()
    %dma_start3A = arith.constant 0 : i32
    %dma_start3A_5 = arith.constant 0 : i32
    %dma_start3A_6 = tpu.memref_slice %arg5[%dma_start3A_5] : memref<24704xf32, #tpu.memory_space<vmem>> -> memref<1536xf32, #tpu.memory_space<vmem>>
    %dma_start3A_7 = tpu.memref_slice %arg2[%dma_start3A, %mul3A_2] : memref<16x49152xf32, #tpu.memory_space<hbm>> -> memref<1x1536xf32, #tpu.memory_space<hbm>>
    %dma_start3A_8 = tpu.memref_squeeze %dma_start3A_7 : memref<1x1536xf32, #tpu.memory_space<hbm>> -> memref<1536xf32, #tpu.memory_space<hbm>>
    %dma_start3A_9 = arith.constant 0 : i32
    %dma_start3A_10 = tpu.memref_slice %arg5[%dma_start3A_9] : memref<24704xf32, #tpu.memory_space<vmem>> -> memref<1536xf32, #tpu.memory_space<vmem>>
    %dma_start3A_11 = tpu.memref_slice %arg2[%dma_start3A, %mul3A_2] : memref<16x49152xf32, #tpu.memory_space<hbm>> -> memref<1x1536xf32, #tpu.memory_space<hbm>>
    %dma_start3A_12 = tpu.memref_squeeze %dma_start3A_11 : memref<1x1536xf32, #tpu.memory_space<hbm>> -> memref<1536xf32, #tpu.memory_space<hbm>>
    tpu.enqueue_dma source(%dma_start3A_12 : memref<1536xf32, #tpu.memory_space<hbm>>) target(%dma_start3A_10 : memref<1536xf32, #tpu.memory_space<vmem>>) target_semaphore(%arg10 : memref<!tpu.dma_semaphore, #tpu.memory_space<semaphore_mem>>)
    %dma_start3A_13 = arith.constant 1 : i32
    %dma_start3A_14 = arith.constant 1544 : i32
    %dma_start3A_15 = tpu.memref_slice %arg5[%dma_start3A_14] : memref<24704xf32, #tpu.memory_space<vmem>> -> memref<1536xf32, #tpu.memory_space<vmem>>
    %dma_start3A_16 = tpu.memref_slice %arg2[%dma_start3A_13, %mul3A_2] : memref<16x49152xf32, #tpu.memory_space<hbm>> -> memref<1x1536xf32, #tpu.memory_space<hbm>>
    %dma_start3A_17 = tpu.memref_squeeze %dma_start3A_16 : memref<1x1536xf32, #tpu.memory_space<hbm>> -> memref<1536xf32, #tpu.memory_space<hbm>>
    %dma_start3A_18 = arith.constant 1544 : i32
    %dma_start3A_19 = tpu.memref_slice %arg5[%dma_start3A_18] : memref<24704xf32, #tpu.memory_space<vmem>> -> memref<1536xf32, #tpu.memory_space<vmem>>
    %dma_start3A_20 = tpu.memref_slice %arg2[%dma_start3A_13, %mul3A_2] : memref<16x49152xf32, #tpu.memory_space<hbm>> -> memref<1x1536xf32, #tpu.memory_space<hbm>>
    %dma_start3A_21 = tpu.memref_squeeze %dma_start3A_20 : memref<1x1536xf32, #tpu.memory_space<hbm>> -> memref<1536xf32, #tpu.memory_space<hbm>>
    tpu.enqueue_dma source(%dma_start3A_21 : memref<1536xf32, #tpu.memory_space<hbm>>) target(%dma_start3A_19 : memref<1536xf32, #tpu.memory_space<vmem>>) target_semaphore(%arg10 : memref<!tpu.dma_semaphore, #tpu.memory_space<semaphore_mem>>)
    %dma_start3A_22 = arith.constant 2 : i32
    %dma_start3A_23 = arith.constant 3088 : i32
    %dma_start3A_24 = tpu.memref_slice %arg5[%dma_start3A_23] : memref<24704xf32, #tpu.memory_space<vmem>> -> memref<1536xf32, #tpu.memory_space<vmem>>
    %dma_start3A_25 = tpu.memref_slice %arg2[%dma_start3A_22, %mul3A_2] : memref<16x49152xf32, #tpu.memory_space<hbm>> -> memref<1x1536xf32, #tpu.memory_space<hbm>>
    %dma_start3A_26 = tpu.memref_squeeze %dma_start3A_25 : memref<1x1536xf32, #tpu.memory_space<hbm>> -> memref<1536xf32, #tpu.memory_space<hbm>>
    %dma_start3A_27 = arith.constant 3088 : i32
    %dma_start3A_28 = tpu.memref_slice %arg5[%dma_start3A_27] : memref<24704xf32, #tpu.memory_space<vmem>> -> memref<1536xf32, #tpu.memory_space<vmem>>
    %dma_start3A_29 = tpu.memref_slice %arg2[%dma_start3A_22, %mul3A_2] : memref<16x49152xf32, #tpu.memory_space<hbm>> -> memref<1x1536xf32, #tpu.memory_space<hbm>>
    %dma_start3A_30 = tpu.memref_squeeze %dma_start3A_29 : memref<1x1536xf32, #tpu.memory_space<hbm>> -> memref<1536xf32, #tpu.memory_space<hbm>>
    tpu.enqueue_dma source(%dma_start3A_30 : memref<1536xf32, #tpu.memory_space<hbm>>) target(%dma_start3A_28 : memref<1536xf32, #tpu.memory_space<vmem>>) target_semaphore(%arg10 : memref<!tpu.dma_semaphore, #tpu.memory_space<semaphore_mem>>)
    %dma_start3A_31 = arith.constant 3 : i32
    %dma_start3A_32 = arith.constant 4632 : i32
    %dma_start3A_33 = tpu.memref_slice %arg5[%dma_start3A_32] : memref<24704xf32, #tpu.memory_space<vmem>> -> memref<1536xf32, #tpu.memory_space<vmem>>
    %dma_start3A_34 = tpu.memref_slice %arg2[%dma_start3A_31, %mul3A_2] : memref<16x49152xf32, #tpu.memory_space<hbm>> -> memref<1x1536xf32, #tpu.memory_space<hbm>>
    %dma_start3A_35 = tpu.memref_squeeze %dma_start3A_34 : memref<1x1536xf32, #tpu.memory_space<hbm>> -> memref<1536xf32, #tpu.memory_space<hbm>>
    %dma_start3A_36 = arith.constant 4632 : i32
    %dma_start3A_37 = tpu.memref_slice %arg5[%dma_start3A_36] : memref<24704xf32, #tpu.memory_space<vmem>> -> memref<1536xf32, #tpu.memory_space<vmem>>
    %dma_start3A_38 = tpu.memref_slice %arg2[%dma_start3A_31, %mul3A_2] : memref<16x49152xf32, #tpu.memory_space<hbm>> -> memref<1x1536xf32, #tpu.memory_space<hbm>>
    %dma_start3A_39 = tpu.memref_squeeze %dma_start3A_38 : memref<1x1536xf32, #tpu.memory_space<hbm>> -> memref<1536xf32, #tpu.memory_space<hbm>>
    tpu.enqueue_dma source(%dma_start3A_39 : memref<1536xf32, #tpu.memory_space<hbm>>) target(%dma_start3A_37 : memref<1536xf32, #tpu.memory_space<vmem>>) target_semaphore(%arg10 : memref<!tpu.dma_semaphore, #tpu.memory_space<semaphore_mem>>)
    %dma_start3A_40 = arith.constant 4 : i32
    %dma_start3A_41 = arith.constant 6176 : i32
    %dma_start3A_42 = tpu.memref_slice %arg5[%dma_start3A_41] : memref<24704xf32, #tpu.memory_space<vmem>> -> memref<1536xf32, #tpu.memory_space<vmem>>
    %dma_start3A_43 = tpu.memref_slice %arg2[%dma_start3A_40, %mul3A_2] : memref<16x49152xf32, #tpu.memory_space<hbm>> -> memref<1x1536xf32, #tpu.memory_space<hbm>>
    %dma_start3A_44 = tpu.memref_squeeze %dma_start3A_43 : memref<1x1536xf32, #tpu.memory_space<hbm>> -> memref<1536xf32, #tpu.memory_space<hbm>>
    %dma_start3A_45 = arith.constant 6176 : i32
    %dma_start3A_46 = tpu.memref_slice %arg5[%dma_start3A_45] : memref<24704xf32, #tpu.memory_space<vmem>> -> memref<1536xf32, #tpu.memory_space<vmem>>
    %dma_start3A_47 = tpu.memref_slice %arg2[%dma_start3A_40, %mul3A_2] : memref<16x49152xf32, #tpu.memory_space<hbm>> -> memref<1x1536xf32, #tpu.memory_space<hbm>>
    %dma_start3A_48 = tpu.memref_squeeze %dma_start3A_47 : memref<1x1536xf32, #tpu.memory_space<hbm>> -> memref<1536xf32, #tpu.memory_space<hbm>>
    tpu.enqueue_dma source(%dma_start3A_48 : memref<1536xf32, #tpu.memory_space<hbm>>) target(%dma_start3A_46 : memref<1536xf32, #tpu.memory_space<vmem>>) target_semaphore(%arg10 : memref<!tpu.dma_semaphore, #tpu.memory_space<semaphore_mem>>)
    %dma_start3A_49 = arith.constant 5 : i32
    %dma_start3A_50 = arith.constant 7720 : i32
    %dma_start3A_51 = tpu.memref_slice %arg5[%dma_start3A_50] : memref<24704xf32, #tpu.memory_space<vmem>> -> memref<1536xf32, #tpu.memory_space<vmem>>
    %dma_start3A_52 = tpu.memref_slice %arg2[%dma_start3A_49, %mul3A_2] : memref<16x49152xf32, #tpu.memory_space<hbm>> -> memref<1x1536xf32, #tpu.memory_space<hbm>>
    %dma_start3A_53 = tpu.memref_squeeze %dma_start3A_52 : memref<1x1536xf32, #tpu.memory_space<hbm>> -> memref<1536xf32, #tpu.memory_space<hbm>>
    %dma_start3A_54 = arith.constant 7720 : i32
    %dma_start3A_55 = tpu.memref_slice %arg5[%dma_start3A_54] : memref<24704xf32, #tpu.memory_space<vmem>> -> memref<1536xf32, #tpu.memory_space<vmem>>
    %dma_start3A_56 = tpu.memref_slice %arg2[%dma_start3A_49, %mul3A_2] : memref<16x49152xf32, #tpu.memory_space<hbm>> -> memref<1x1536xf32, #tpu.memory_space<hbm>>
    %dma_start3A_57 = tpu.memref_squeeze %dma_start3A_56 : memref<1x1536xf32, #tpu.memory_space<hbm>> -> memref<1536xf32, #tpu.memory_space<hbm>>
    tpu.enqueue_dma source(%dma_start3A_57 : memref<1536xf32, #tpu.memory_space<hbm>>) target(%dma_start3A_55 : memref<1536xf32, #tpu.memory_space<vmem>>) target_semaphore(%arg10 : memref<!tpu.dma_semaphore, #tpu.memory_space<semaphore_mem>>)
    %dma_start3A_58 = arith.constant 6 : i32
    %dma_start3A_59 = arith.constant 9264 : i32
    %dma_start3A_60 = tpu.memref_slice %arg5[%dma_start3A_59] : memref<24704xf32, #tpu.memory_space<vmem>> -> memref<1536xf32, #tpu.memory_space<vmem>>
    %dma_start3A_61 = tpu.memref_slice %arg2[%dma_start3A_58, %mul3A_2] : memref<16x49152xf32, #tpu.memory_space<hbm>> -> memref<1x1536xf32, #tpu.memory_space<hbm>>
    %dma_start3A_62 = tpu.memref_squeeze %dma_start3A_61 : memref<1x1536xf32, #tpu.memory_space<hbm>> -> memref<1536xf32, #tpu.memory_space<hbm>>
    %dma_start3A_63 = arith.constant 9264 : i32
    %dma_start3A_64 = tpu.memref_slice %arg5[%dma_start3A_63] : memref<24704xf32, #tpu.memory_space<vmem>> -> memref<1536xf32, #tpu.memory_space<vmem>>
    %dma_start3A_65 = tpu.memref_slice %arg2[%dma_start3A_58, %mul3A_2] : memref<16x49152xf32, #tpu.memory_space<hbm>> -> memref<1x1536xf32, #tpu.memory_space<hbm>>
    %dma_start3A_66 = tpu.memref_squeeze %dma_start3A_65 : memref<1x1536xf32, #tpu.memory_space<hbm>> -> memref<1536xf32, #tpu.memory_space<hbm>>
    tpu.enqueue_dma source(%dma_start3A_66 : memref<1536xf32, #tpu.memory_space<hbm>>) target(%dma_start3A_64 : memref<1536xf32, #tpu.memory_space<vmem>>) target_semaphore(%arg10 : memref<!tpu.dma_semaphore, #tpu.memory_space<semaphore_mem>>)
    %dma_start3A_67 = arith.constant 7 : i32
    %dma_start3A_68 = arith.constant 10808 : i32
    %dma_start3A_69 = tpu.memref_slice %arg5[%dma_start3A_68] : memref<24704xf32, #tpu.memory_space<vmem>> -> memref<1536xf32, #tpu.memory_space<vmem>>
    %dma_start3A_70 = tpu.memref_slice %arg2[%dma_start3A_67, %mul3A_2] : memref<16x49152xf32, #tpu.memory_space<hbm>> -> memref<1x1536xf32, #tpu.memory_space<hbm>>
    %dma_start3A_71 = tpu.memref_squeeze %dma_start3A_70 : memref<1x1536xf32, #tpu.memory_space<hbm>> -> memref<1536xf32, #tpu.memory_space<hbm>>
    %dma_start3A_72 = arith.constant 10808 : i32
    %dma_start3A_73 = tpu.memref_slice %arg5[%dma_start3A_72] : memref<24704xf32, #tpu.memory_space<vmem>> -> memref<1536xf32, #tpu.memory_space<vmem>>
    %dma_start3A_74 = tpu.memref_slice %arg2[%dma_start3A_67, %mul3A_2] : memref<16x49152xf32, #tpu.memory_space<hbm>> -> memref<1x1536xf32, #tpu.memory_space<hbm>>
    %dma_start3A_75 = tpu.memref_squeeze %dma_start3A_74 : memref<1x1536xf32, #tpu.memory_space<hbm>> -> memref<1536xf32, #tpu.memory_space<hbm>>
    tpu.enqueue_dma source(%dma_start3A_75 : memref<1536xf32, #tpu.memory_space<hbm>>) target(%dma_start3A_73 : memref<1536xf32, #tpu.memory_space<vmem>>) target_semaphore(%arg10 : memref<!tpu.dma_semaphore, #tpu.memory_space<semaphore_mem>>)
    %dma_start3A_76 = arith.constant 8 : i32
    %dma_start3A_77 = arith.constant 12352 : i32
    %dma_start3A_78 = tpu.memref_slice %arg5[%dma_start3A_77] : memref<24704xf32, #tpu.memory_space<vmem>> -> memref<1536xf32, #tpu.memory_space<vmem>>
    %dma_start3A_79 = tpu.memref_slice %arg2[%dma_start3A_76, %mul3A_2] : memref<16x49152xf32, #tpu.memory_space<hbm>> -> memref<1x1536xf32, #tpu.memory_space<hbm>>
    %dma_start3A_80 = tpu.memref_squeeze %dma_start3A_79 : memref<1x1536xf32, #tpu.memory_space<hbm>> -> memref<1536xf32, #tpu.memory_space<hbm>>
    %dma_start3A_81 = arith.constant 12352 : i32
    %dma_start3A_82 = tpu.memref_slice %arg5[%dma_start3A_81] : memref<24704xf32, #tpu.memory_space<vmem>> -> memref<1536xf32, #tpu.memory_space<vmem>>
    %dma_start3A_83 = tpu.memref_slice %arg2[%dma_start3A_76, %mul3A_2] : memref<16x49152xf32, #tpu.memory_space<hbm>> -> memref<1x1536xf32, #tpu.memory_space<hbm>>
    %dma_start3A_84 = tpu.memref_squeeze %dma_start3A_83 : memref<1x1536xf32, #tpu.memory_space<hbm>> -> memref<1536xf32, #tpu.memory_space<hbm>>
    tpu.enqueue_dma source(%dma_start3A_84 : memref<1536xf32, #tpu.memory_space<hbm>>) target(%dma_start3A_82 : memref<1536xf32, #tpu.memory_space<vmem>>) target_semaphore(%arg10 : memref<!tpu.dma_semaphore, #tpu.memory_space<semaphore_mem>>)
    %dma_start3A_85 = arith.constant 9 : i32
    %dma_start3A_86 = arith.constant 13896 : i32
    %dma_start3A_87 = tpu.memref_slice %arg5[%dma_start3A_86] : memref<24704xf32, #tpu.memory_space<vmem>> -> memref<1536xf32, #tpu.memory_space<vmem>>
    %dma_start3A_88 = tpu.memref_slice %arg2[%dma_start3A_85, %mul3A_2] : memref<16x49152xf32, #tpu.memory_space<hbm>> -> memref<1x1536xf32, #tpu.memory_space<hbm>>
    %dma_start3A_89 = tpu.memref_squeeze %dma_start3A_88 : memref<1x1536xf32, #tpu.memory_space<hbm>> -> memref<1536xf32, #tpu.memory_space<hbm>>
    %dma_start3A_90 = arith.constant 13896 : i32
    %dma_start3A_91 = tpu.memref_slice %arg5[%dma_start3A_90] : memref<24704xf32, #tpu.memory_space<vmem>> -> memref<1536xf32, #tpu.memory_space<vmem>>
    %dma_start3A_92 = tpu.memref_slice %arg2[%dma_start3A_85, %mul3A_2] : memref<16x49152xf32, #tpu.memory_space<hbm>> -> memref<1x1536xf32, #tpu.memory_space<hbm>>
    %dma_start3A_93 = tpu.memref_squeeze %dma_start3A_92 : memref<1x1536xf32, #tpu.memory_space<hbm>> -> memref<1536xf32, #tpu.memory_space<hbm>>
    tpu.enqueue_dma source(%dma_start3A_93 : memref<1536xf32, #tpu.memory_space<hbm>>) target(%dma_start3A_91 : memref<1536xf32, #tpu.memory_space<vmem>>) target_semaphore(%arg10 : memref<!tpu.dma_semaphore, #tpu.memory_space<semaphore_mem>>)
    %dma_start3A_94 = arith.constant 10 : i32
    %dma_start3A_95 = arith.constant 15440 : i32
    %dma_start3A_96 = tpu.memref_slice %arg5[%dma_start3A_95] : memref<24704xf32, #tpu.memory_space<vmem>> -> memref<1536xf32, #tpu.memory_space<vmem>>
    %dma_start3A_97 = tpu.memref_slice %arg2[%dma_start3A_94, %mul3A_2] : memref<16x49152xf32, #tpu.memory_space<hbm>> -> memref<1x1536xf32, #tpu.memory_space<hbm>>
    %dma_start3A_98 = tpu.memref_squeeze %dma_start3A_97 : memref<1x1536xf32, #tpu.memory_space<hbm>> -> memref<1536xf32, #tpu.memory_space<hbm>>
    %dma_start3A_99 = arith.constant 15440 : i32
    %dma_start3A_100 = tpu.memref_slice %arg5[%dma_start3A_99] : memref<24704xf32, #tpu.memory_space<vmem>> -> memref<1536xf32, #tpu.memory_space<vmem>>
    %dma_start3A_101 = tpu.memref_slice %arg2[%dma_start3A_94, %mul3A_2] : memref<16x49152xf32, #tpu.memory_space<hbm>> -> memref<1x1536xf32, #tpu.memory_space<hbm>>
    %dma_start3A_102 = tpu.memref_squeeze %dma_start3A_101 : memref<1x1536xf32, #tpu.memory_space<hbm>> -> memref<1536xf32, #tpu.memory_space<hbm>>
    tpu.enqueue_dma source(%dma_start3A_102 : memref<1536xf32, #tpu.memory_space<hbm>>) target(%dma_start3A_100 : memref<1536xf32, #tpu.memory_space<vmem>>) target_semaphore(%arg10 : memref<!tpu.dma_semaphore, #tpu.memory_space<semaphore_mem>>)
    %dma_start3A_103 = arith.constant 11 : i32
    %dma_start3A_104 = arith.constant 16984 : i32
    %dma_start3A_105 = tpu.memref_slice %arg5[%dma_start3A_104] : memref<24704xf32, #tpu.memory_space<vmem>> -> memref<1536xf32, #tpu.memory_space<vmem>>
    %dma_start3A_106 = tpu.memref_slice %arg2[%dma_start3A_103, %mul3A_2] : memref<16x49152xf32, #tpu.memory_space<hbm>> -> memref<1x1536xf32, #tpu.memory_space<hbm>>
    %dma_start3A_107 = tpu.memref_squeeze %dma_start3A_106 : memref<1x1536xf32, #tpu.memory_space<hbm>> -> memref<1536xf32, #tpu.memory_space<hbm>>
    %dma_start3A_108 = arith.constant 16984 : i32
    %dma_start3A_109 = tpu.memref_slice %arg5[%dma_start3A_108] : memref<24704xf32, #tpu.memory_space<vmem>> -> memref<1536xf32, #tpu.memory_space<vmem>>
    %dma_start3A_110 = tpu.memref_slice %arg2[%dma_start3A_103, %mul3A_2] : memref<16x49152xf32, #tpu.memory_space<hbm>> -> memref<1x1536xf32, #tpu.memory_space<hbm>>
    %dma_start3A_111 = tpu.memref_squeeze %dma_start3A_110 : memref<1x1536xf32, #tpu.memory_space<hbm>> -> memref<1536xf32, #tpu.memory_space<hbm>>
    tpu.enqueue_dma source(%dma_start3A_111 : memref<1536xf32, #tpu.memory_space<hbm>>) target(%dma_start3A_109 : memref<1536xf32, #tpu.memory_space<vmem>>) target_semaphore(%arg10 : memref<!tpu.dma_semaphore, #tpu.memory_space<semaphore_mem>>)
    %dma_start3A_112 = arith.constant 12 : i32
    %dma_start3A_113 = arith.constant 18528 : i32
    %dma_start3A_114 = tpu.memref_slice %arg5[%dma_start3A_113] : memref<24704xf32, #tpu.memory_space<vmem>> -> memref<1536xf32, #tpu.memory_space<vmem>>
    %dma_start3A_115 = tpu.memref_slice %arg2[%dma_start3A_112, %mul3A_2] : memref<16x49152xf32, #tpu.memory_space<hbm>> -> memref<1x1536xf32, #tpu.memory_space<hbm>>
    %dma_start3A_116 = tpu.memref_squeeze %dma_start3A_115 : memref<1x1536xf32, #tpu.memory_space<hbm>> -> memref<1536xf32, #tpu.memory_space<hbm>>
    %dma_start3A_117 = arith.constant 18528 : i32
    %dma_start3A_118 = tpu.memref_slice %arg5[%dma_start3A_117] : memref<24704xf32, #tpu.memory_space<vmem>> -> memref<1536xf32, #tpu.memory_space<vmem>>
    %dma_start3A_119 = tpu.memref_slice %arg2[%dma_start3A_112, %mul3A_2] : memref<16x49152xf32, #tpu.memory_space<hbm>> -> memref<1x1536xf32, #tpu.memory_space<hbm>>
    %dma_start3A_120 = tpu.memref_squeeze %dma_start3A_119 : memref<1x1536xf32, #tpu.memory_space<hbm>> -> memref<1536xf32, #tpu.memory_space<hbm>>
    tpu.enqueue_dma source(%dma_start3A_120 : memref<1536xf32, #tpu.memory_space<hbm>>) target(%dma_start3A_118 : memref<1536xf32, #tpu.memory_space<vmem>>) target_semaphore(%arg10 : memref<!tpu.dma_semaphore, #tpu.memory_space<semaphore_mem>>)
    %dma_start3A_121 = arith.constant 13 : i32
    %dma_start3A_122 = arith.constant 20072 : i32
    %dma_start3A_123 = tpu.memref_slice %arg5[%dma_start3A_122] : memref<24704xf32, #tpu.memory_space<vmem>> -> memref<1536xf32, #tpu.memory_space<vmem>>
    %dma_start3A_124 = tpu.memref_slice %arg2[%dma_start3A_121, %mul3A_2] : memref<16x49152xf32, #tpu.memory_space<hbm>> -> memref<1x1536xf32, #tpu.memory_space<hbm>>
    %dma_start3A_125 = tpu.memref_squeeze %dma_start3A_124 : memref<1x1536xf32, #tpu.memory_space<hbm>> -> memref<1536xf32, #tpu.memory_space<hbm>>
    %dma_start3A_126 = arith.constant 20072 : i32
    %dma_start3A_127 = tpu.memref_slice %arg5[%dma_start3A_126] : memref<24704xf32, #tpu.memory_space<vmem>> -> memref<1536xf32, #tpu.memory_space<vmem>>
    %dma_start3A_128 = tpu.memref_slice %arg2[%dma_start3A_121, %mul3A_2] : memref<16x49152xf32, #tpu.memory_space<hbm>> -> memref<1x1536xf32, #tpu.memory_space<hbm>>
    %dma_start3A_129 = tpu.memref_squeeze %dma_start3A_128 : memref<1x1536xf32, #tpu.memory_space<hbm>> -> memref<1536xf32, #tpu.memory_space<hbm>>
    tpu.enqueue_dma source(%dma_start3A_129 : memref<1536xf32, #tpu.memory_space<hbm>>) target(%dma_start3A_127 : memref<1536xf32, #tpu.memory_space<vmem>>) target_semaphore(%arg10 : memref<!tpu.dma_semaphore, #tpu.memory_space<semaphore_mem>>)
    %dma_start3A_130 = arith.constant 14 : i32
    %dma_start3A_131 = arith.constant 21616 : i32
    %dma_start3A_132 = tpu.memref_slice %arg5[%dma_start3A_131] : memref<24704xf32, #tpu.memory_space<vmem>> -> memref<1536xf32, #tpu.memory_space<vmem>>
    %dma_start3A_133 = tpu.memref_slice %arg2[%dma_start3A_130, %mul3A_2] : memref<16x49152xf32, #tpu.memory_space<hbm>> -> memref<1x1536xf32, #tpu.memory_space<hbm>>
    %dma_start3A_134 = tpu.memref_squeeze %dma_start3A_133 : memref<1x1536xf32, #tpu.memory_space<hbm>> -> memref<1536xf32, #tpu.memory_space<hbm>>
    %dma_start3A_135 = arith.constant 21616 : i32
    %dma_start3A_136 = tpu.memref_slice %arg5[%dma_start3A_135] : memref<24704xf32, #tpu.memory_space<vmem>> -> memref<1536xf32, #tpu.memory_space<vmem>>
    %dma_start3A_137 = tpu.memref_slice %arg2[%dma_start3A_130, %mul3A_2] : memref<16x49152xf32, #tpu.memory_space<hbm>> -> memref<1x1536xf32, #tpu.memory_space<hbm>>
    %dma_start3A_138 = tpu.memref_squeeze %dma_start3A_137 : memref<1x1536xf32, #tpu.memory_space<hbm>> -> memref<1536xf32, #tpu.memory_space<hbm>>
    tpu.enqueue_dma source(%dma_start3A_138 : memref<1536xf32, #tpu.memory_space<hbm>>) target(%dma_start3A_136 : memref<1536xf32, #tpu.memory_space<vmem>>) target_semaphore(%arg10 : memref<!tpu.dma_semaphore, #tpu.memory_space<semaphore_mem>>)
    %dma_start3A_139 = arith.constant 15 : i32
    %dma_start3A_140 = arith.constant 23160 : i32
    %dma_start3A_141 = tpu.memref_slice %arg5[%dma_start3A_140] : memref<24704xf32, #tpu.memory_space<vmem>> -> memref<1536xf32, #tpu.memory_space<vmem>>
    %dma_start3A_142 = tpu.memref_slice %arg2[%dma_start3A_139, %mul3A_2] : memref<16x49152xf32, #tpu.memory_space<hbm>> -> memref<1x1536xf32, #tpu.memory_space<hbm>>
    %dma_start3A_143 = tpu.memref_squeeze %dma_start3A_142 : memref<1x1536xf32, #tpu.memory_space<hbm>> -> memref<1536xf32, #tpu.memory_space<hbm>>
    %dma_start3A_144 = arith.constant 23160 : i32
    %dma_start3A_145 = tpu.memref_slice %arg5[%dma_start3A_144] : memref<24704xf32, #tpu.memory_space<vmem>> -> memref<1536xf32, #tpu.memory_space<vmem>>
    %dma_start3A_146 = tpu.memref_slice %arg2[%dma_start3A_139, %mul3A_2] : memref<16x49152xf32, #tpu.memory_space<hbm>> -> memref<1x1536xf32, #tpu.memory_space<hbm>>
    %dma_start3A_147 = tpu.memref_squeeze %dma_start3A_146 : memref<1x1536xf32, #tpu.memory_space<hbm>> -> memref<1536xf32, #tpu.memory_space<hbm>>
    tpu.enqueue_dma source(%dma_start3A_147 : memref<1536xf32, #tpu.memory_space<hbm>>) target(%dma_start3A_145 : memref<1536xf32, #tpu.memory_space<vmem>>) target_semaphore(%arg10 : memref<!tpu.dma_semaphore, #tpu.memory_space<semaphore_mem>>)
    %parallel_loop3A = arith.constant 0 : i32
    %parallel_loop3A_148 = arith.constant 128 : i32
    %parallel_loop3A_149 = arith.constant 1 : i32
    scf.for %parallel_loop3A_311 = %parallel_loop3A to %parallel_loop3A_148 step %parallel_loop3A_149  : i32 {
      %parallel_loop3A_312 = arith.constant 0.000000e+00 : f32
      %parallel_loop3A_313 = vector.broadcast %parallel_loop3A_312 : f32 to vector<16xf32>
      %parallel_loop3A_314 = arith.index_cast %parallel_loop3A_311 : i32 to index
      %parallel_loop3A_315 = arith.constant 0 : index
      %parallel_loop3A_316 = tpu.vector_load %arg8[%parallel_loop3A_314, %parallel_loop3A_315] {strides = array<i32>} : memref<128x16xf32, #tpu.memory_space<vmem>>, vector<16xf32>,
      tpu.vector_store %arg8[%parallel_loop3A_314, %parallel_loop3A_315], %parallel_loop3A_313 {strides = array<i32>} : memref<128x16xf32, #tpu.memory_space<vmem>>, vector<16xf32>,
    } {sc.loop_unroll_factor = 8 : i64, sc.parallel_access}
    %mul3A_150 = arith.constant 128 : i32
    %mul3A_151 = arith.muli %arg1, %mul3A_150 : i32
    "tpu.region"() ({
      %run_scoped3A = tpu.sem_alloc : memref<!tpu.dma_semaphore, #tpu.memory_space<semaphore_mem>>
      %dma_start3A_311 = arith.constant 0 : i32
      %dma_start3A_312 = tpu.memref_slice %arg9[%mul3A_151, %dma_start3A_311] : memref<2048x16xf32, #tpu.memory_space<vmem_shared>> -> memref<128x16xf32, #tpu.memory_space<vmem_shared>>
      %dma_start3A_313 = arith.constant 0 : i32
      %dma_start3A_314 = tpu.memref_slice %arg9[%mul3A_151, %dma_start3A_313] : memref<2048x16xf32, #tpu.memory_space<vmem_shared>> -> memref<128x16xf32, #tpu.memory_space<vmem_shared>>
      tpu.enqueue_dma source(%arg8 : memref<128x16xf32, #tpu.memory_space<vmem>>) target(%dma_start3A_314 : memref<128x16xf32, #tpu.memory_space<vmem_shared>>) target_semaphore(%run_scoped3A : memref<!tpu.dma_semaphore, #tpu.memory_space<semaphore_mem>>)
      %dma_wait3A_315 = arith.constant 0 : i32
      %dma_wait3A_316 = tpu.memref_slice %arg9[%mul3A_151, %dma_wait3A_315] : memref<2048x16xf32, #tpu.memory_space<vmem_shared>> -> memref<128x16xf32, #tpu.memory_space<vmem_shared>>
      %dma_wait3A_317 = arith.constant 0 : i32
      %dma_wait3A_318 = tpu.memref_slice %arg9[%mul3A_151, %dma_wait3A_317] : memref<2048x16xf32, #tpu.memory_space<vmem_shared>> -> memref<128x16xf32, #tpu.memory_space<vmem_shared>>
      tpu.wait_dma2 semaphore(%run_scoped3A : memref<!tpu.dma_semaphore, #tpu.memory_space<semaphore_mem>>) src(%arg8 : memref<128x16xf32, #tpu.memory_space<vmem>>) dst(%dma_wait3A_318 : memref<128x16xf32, #tpu.memory_space<vmem_shared>>)
      tpu.yield
    }) : () -> ()
    %dma_wait3A = arith.constant 0 : i32
    %dma_wait3A_152 = arith.constant 0 : i32
    %dma_wait3A_153 = tpu.memref_slice %arg5[%dma_wait3A_152] : memref<24704xf32, #tpu.memory_space<vmem>> -> memref<1536xf32, #tpu.memory_space<vmem>>
    %dma_wait3A_154 = tpu.memref_slice %arg2[%dma_wait3A, %mul3A_2] : memref<16x49152xf32, #tpu.memory_space<hbm>> -> memref<1x1536xf32, #tpu.memory_space<hbm>>
    %dma_wait3A_155 = tpu.memref_squeeze %dma_wait3A_154 : memref<1x1536xf32, #tpu.memory_space<hbm>> -> memref<1536xf32, #tpu.memory_space<hbm>>
    %dma_wait3A_156 = arith.constant 0 : i32
    %dma_wait3A_157 = tpu.memref_slice %arg5[%dma_wait3A_156] : memref<24704xf32, #tpu.memory_space<vmem>> -> memref<1536xf32, #tpu.memory_space<vmem>>
    %dma_wait3A_158 = tpu.memref_slice %arg2[%dma_wait3A, %mul3A_2] : memref<16x49152xf32, #tpu.memory_space<hbm>> -> memref<1x1536xf32, #tpu.memory_space<hbm>>
    %dma_wait3A_159 = tpu.memref_squeeze %dma_wait3A_158 : memref<1x1536xf32, #tpu.memory_space<hbm>> -> memref<1536xf32, #tpu.memory_space<hbm>>
    tpu.wait_dma2 semaphore(%arg10 : memref<!tpu.dma_semaphore, #tpu.memory_space<semaphore_mem>>) src(%dma_wait3A_159 : memref<1536xf32, #tpu.memory_space<hbm>>) dst(%dma_wait3A_157 : memref<1536xf32, #tpu.memory_space<vmem>>)
    %dma_wait3A_160 = arith.constant 1 : i32
    %dma_wait3A_161 = arith.constant 1544 : i32
    %dma_wait3A_162 = tpu.memref_slice %arg5[%dma_wait3A_161] : memref<24704xf32, #tpu.memory_space<vmem>> -> memref<1536xf32, #tpu.memory_space<vmem>>
    %dma_wait3A_163 = tpu.memref_slice %arg2[%dma_wait3A_160, %mul3A_2] : memref<16x49152xf32, #tpu.memory_space<hbm>> -> memref<1x1536xf32, #tpu.memory_space<hbm>>
    %dma_wait3A_164 = tpu.memref_squeeze %dma_wait3A_163 : memref<1x1536xf32, #tpu.memory_space<hbm>> -> memref<1536xf32, #tpu.memory_space<hbm>>
    %dma_wait3A_165 = arith.constant 1544 : i32
    %dma_wait3A_166 = tpu.memref_slice %arg5[%dma_wait3A_165] : memref<24704xf32, #tpu.memory_space<vmem>> -> memref<1536xf32, #tpu.memory_space<vmem>>
    %dma_wait3A_167 = tpu.memref_slice %arg2[%dma_wait3A_160, %mul3A_2] : memref<16x49152xf32, #tpu.memory_space<hbm>> -> memref<1x1536xf32, #tpu.memory_space<hbm>>
    %dma_wait3A_168 = tpu.memref_squeeze %dma_wait3A_167 : memref<1x1536xf32, #tpu.memory_space<hbm>> -> memref<1536xf32, #tpu.memory_space<hbm>>
    tpu.wait_dma2 semaphore(%arg10 : memref<!tpu.dma_semaphore, #tpu.memory_space<semaphore_mem>>) src(%dma_wait3A_168 : memref<1536xf32, #tpu.memory_space<hbm>>) dst(%dma_wait3A_166 : memref<1536xf32, #tpu.memory_space<vmem>>)
    %dma_wait3A_169 = arith.constant 2 : i32
    %dma_wait3A_170 = arith.constant 3088 : i32
    %dma_wait3A_171 = tpu.memref_slice %arg5[%dma_wait3A_170] : memref<24704xf32, #tpu.memory_space<vmem>> -> memref<1536xf32, #tpu.memory_space<vmem>>
    %dma_wait3A_172 = tpu.memref_slice %arg2[%dma_wait3A_169, %mul3A_2] : memref<16x49152xf32, #tpu.memory_space<hbm>> -> memref<1x1536xf32, #tpu.memory_space<hbm>>
    %dma_wait3A_173 = tpu.memref_squeeze %dma_wait3A_172 : memref<1x1536xf32, #tpu.memory_space<hbm>> -> memref<1536xf32, #tpu.memory_space<hbm>>
    %dma_wait3A_174 = arith.constant 3088 : i32
    %dma_wait3A_175 = tpu.memref_slice %arg5[%dma_wait3A_174] : memref<24704xf32, #tpu.memory_space<vmem>> -> memref<1536xf32, #tpu.memory_space<vmem>>
    %dma_wait3A_176 = tpu.memref_slice %arg2[%dma_wait3A_169, %mul3A_2] : memref<16x49152xf32, #tpu.memory_space<hbm>> -> memref<1x1536xf32, #tpu.memory_space<hbm>>
    %dma_wait3A_177 = tpu.memref_squeeze %dma_wait3A_176 : memref<1x1536xf32, #tpu.memory_space<hbm>> -> memref<1536xf32, #tpu.memory_space<hbm>>
    tpu.wait_dma2 semaphore(%arg10 : memref<!tpu.dma_semaphore, #tpu.memory_space<semaphore_mem>>) src(%dma_wait3A_177 : memref<1536xf32, #tpu.memory_space<hbm>>) dst(%dma_wait3A_175 : memref<1536xf32, #tpu.memory_space<vmem>>)
    %dma_wait3A_178 = arith.constant 3 : i32
    %dma_wait3A_179 = arith.constant 4632 : i32
    %dma_wait3A_180 = tpu.memref_slice %arg5[%dma_wait3A_179] : memref<24704xf32, #tpu.memory_space<vmem>> -> memref<1536xf32, #tpu.memory_space<vmem>>
    %dma_wait3A_181 = tpu.memref_slice %arg2[%dma_wait3A_178, %mul3A_2] : memref<16x49152xf32, #tpu.memory_space<hbm>> -> memref<1x1536xf32, #tpu.memory_space<hbm>>
    %dma_wait3A_182 = tpu.memref_squeeze %dma_wait3A_181 : memref<1x1536xf32, #tpu.memory_space<hbm>> -> memref<1536xf32, #tpu.memory_space<hbm>>
    %dma_wait3A_183 = arith.constant 4632 : i32
    %dma_wait3A_184 = tpu.memref_slice %arg5[%dma_wait3A_183] : memref<24704xf32, #tpu.memory_space<vmem>> -> memref<1536xf32, #tpu.memory_space<vmem>>
    %dma_wait3A_185 = tpu.memref_slice %arg2[%dma_wait3A_178, %mul3A_2] : memref<16x49152xf32, #tpu.memory_space<hbm>> -> memref<1x1536xf32, #tpu.memory_space<hbm>>
    %dma_wait3A_186 = tpu.memref_squeeze %dma_wait3A_185 : memref<1x1536xf32, #tpu.memory_space<hbm>> -> memref<1536xf32, #tpu.memory_space<hbm>>
    tpu.wait_dma2 semaphore(%arg10 : memref<!tpu.dma_semaphore, #tpu.memory_space<semaphore_mem>>) src(%dma_wait3A_186 : memref<1536xf32, #tpu.memory_space<hbm>>) dst(%dma_wait3A_184 : memref<1536xf32, #tpu.memory_space<vmem>>)
    %dma_wait3A_187 = arith.constant 4 : i32
    %dma_wait3A_188 = arith.constant 6176 : i32
    %dma_wait3A_189 = tpu.memref_slice %arg5[%dma_wait3A_188] : memref<24704xf32, #tpu.memory_space<vmem>> -> memref<1536xf32, #tpu.memory_space<vmem>>
    %dma_wait3A_190 = tpu.memref_slice %arg2[%dma_wait3A_187, %mul3A_2] : memref<16x49152xf32, #tpu.memory_space<hbm>> -> memref<1x1536xf32, #tpu.memory_space<hbm>>
    %dma_wait3A_191 = tpu.memref_squeeze %dma_wait3A_190 : memref<1x1536xf32, #tpu.memory_space<hbm>> -> memref<1536xf32, #tpu.memory_space<hbm>>
    %dma_wait3A_192 = arith.constant 6176 : i32
    %dma_wait3A_193 = tpu.memref_slice %arg5[%dma_wait3A_192] : memref<24704xf32, #tpu.memory_space<vmem>> -> memref<1536xf32, #tpu.memory_space<vmem>>
    %dma_wait3A_194 = tpu.memref_slice %arg2[%dma_wait3A_187, %mul3A_2] : memref<16x49152xf32, #tpu.memory_space<hbm>> -> memref<1x1536xf32, #tpu.memory_space<hbm>>
    %dma_wait3A_195 = tpu.memref_squeeze %dma_wait3A_194 : memref<1x1536xf32, #tpu.memory_space<hbm>> -> memref<1536xf32, #tpu.memory_space<hbm>>
    tpu.wait_dma2 semaphore(%arg10 : memref<!tpu.dma_semaphore, #tpu.memory_space<semaphore_mem>>) src(%dma_wait3A_195 : memref<1536xf32, #tpu.memory_space<hbm>>) dst(%dma_wait3A_193 : memref<1536xf32, #tpu.memory_space<vmem>>)
    %dma_wait3A_196 = arith.constant 5 : i32
    %dma_wait3A_197 = arith.constant 7720 : i32
    %dma_wait3A_198 = tpu.memref_slice %arg5[%dma_wait3A_197] : memref<24704xf32, #tpu.memory_space<vmem>> -> memref<1536xf32, #tpu.memory_space<vmem>>
    %dma_wait3A_199 = tpu.memref_slice %arg2[%dma_wait3A_196, %mul3A_2] : memref<16x49152xf32, #tpu.memory_space<hbm>> -> memref<1x1536xf32, #tpu.memory_space<hbm>>
    %dma_wait3A_200 = tpu.memref_squeeze %dma_wait3A_199 : memref<1x1536xf32, #tpu.memory_space<hbm>> -> memref<1536xf32, #tpu.memory_space<hbm>>
    %dma_wait3A_201 = arith.constant 7720 : i32
    %dma_wait3A_202 = tpu.memref_slice %arg5[%dma_wait3A_201] : memref<24704xf32, #tpu.memory_space<vmem>> -> memref<1536xf32, #tpu.memory_space<vmem>>
    %dma_wait3A_203 = tpu.memref_slice %arg2[%dma_wait3A_196, %mul3A_2] : memref<16x49152xf32, #tpu.memory_space<hbm>> -> memref<1x1536xf32, #tpu.memory_space<hbm>>
    %dma_wait3A_204 = tpu.memref_squeeze %dma_wait3A_203 : memref<1x1536xf32, #tpu.memory_space<hbm>> -> memref<1536xf32, #tpu.memory_space<hbm>>
    tpu.wait_dma2 semaphore(%arg10 : memref<!tpu.dma_semaphore, #tpu.memory_space<semaphore_mem>>) src(%dma_wait3A_204 : memref<1536xf32, #tpu.memory_space<hbm>>) dst(%dma_wait3A_202 : memref<1536xf32, #tpu.memory_space<vmem>>)
    %dma_wait3A_205 = arith.constant 6 : i32
    %dma_wait3A_206 = arith.constant 9264 : i32
    %dma_wait3A_207 = tpu.memref_slice %arg5[%dma_wait3A_206] : memref<24704xf32, #tpu.memory_space<vmem>> -> memref<1536xf32, #tpu.memory_space<vmem>>
    %dma_wait3A_208 = tpu.memref_slice %arg2[%dma_wait3A_205, %mul3A_2] : memref<16x49152xf32, #tpu.memory_space<hbm>> -> memref<1x1536xf32, #tpu.memory_space<hbm>>
    %dma_wait3A_209 = tpu.memref_squeeze %dma_wait3A_208 : memref<1x1536xf32, #tpu.memory_space<hbm>> -> memref<1536xf32, #tpu.memory_space<hbm>>
    %dma_wait3A_210 = arith.constant 9264 : i32
    %dma_wait3A_211 = tpu.memref_slice %arg5[%dma_wait3A_210] : memref<24704xf32, #tpu.memory_space<vmem>> -> memref<1536xf32, #tpu.memory_space<vmem>>
    %dma_wait3A_212 = tpu.memref_slice %arg2[%dma_wait3A_205, %mul3A_2] : memref<16x49152xf32, #tpu.memory_space<hbm>> -> memref<1x1536xf32, #tpu.memory_space<hbm>>
    %dma_wait3A_213 = tpu.memref_squeeze %dma_wait3A_212 : memref<1x1536xf32, #tpu.memory_space<hbm>> -> memref<1536xf32, #tpu.memory_space<hbm>>
    tpu.wait_dma2 semaphore(%arg10 : memref<!tpu.dma_semaphore, #tpu.memory_space<semaphore_mem>>) src(%dma_wait3A_213 : memref<1536xf32, #tpu.memory_space<hbm>>) dst(%dma_wait3A_211 : memref<1536xf32, #tpu.memory_space<vmem>>)
    %dma_wait3A_214 = arith.constant 7 : i32
    %dma_wait3A_215 = arith.constant 10808 : i32
    %dma_wait3A_216 = tpu.memref_slice %arg5[%dma_wait3A_215] : memref<24704xf32, #tpu.memory_space<vmem>> -> memref<1536xf32, #tpu.memory_space<vmem>>
    %dma_wait3A_217 = tpu.memref_slice %arg2[%dma_wait3A_214, %mul3A_2] : memref<16x49152xf32, #tpu.memory_space<hbm>> -> memref<1x1536xf32, #tpu.memory_space<hbm>>
    %dma_wait3A_218 = tpu.memref_squeeze %dma_wait3A_217 : memref<1x1536xf32, #tpu.memory_space<hbm>> -> memref<1536xf32, #tpu.memory_space<hbm>>
    %dma_wait3A_219 = arith.constant 10808 : i32
    %dma_wait3A_220 = tpu.memref_slice %arg5[%dma_wait3A_219] : memref<24704xf32, #tpu.memory_space<vmem>> -> memref<1536xf32, #tpu.memory_space<vmem>>
    %dma_wait3A_221 = tpu.memref_slice %arg2[%dma_wait3A_214, %mul3A_2] : memref<16x49152xf32, #tpu.memory_space<hbm>> -> memref<1x1536xf32, #tpu.memory_space<hbm>>
    %dma_wait3A_222 = tpu.memref_squeeze %dma_wait3A_221 : memref<1x1536xf32, #tpu.memory_space<hbm>> -> memref<1536xf32, #tpu.memory_space<hbm>>
    tpu.wait_dma2 semaphore(%arg10 : memref<!tpu.dma_semaphore, #tpu.memory_space<semaphore_mem>>) src(%dma_wait3A_222 : memref<1536xf32, #tpu.memory_space<hbm>>) dst(%dma_wait3A_220 : memref<1536xf32, #tpu.memory_space<vmem>>)
    %dma_wait3A_223 = arith.constant 8 : i32
    %dma_wait3A_224 = arith.constant 12352 : i32
    %dma_wait3A_225 = tpu.memref_slice %arg5[%dma_wait3A_224] : memref<24704xf32, #tpu.memory_space<vmem>> -> memref<1536xf32, #tpu.memory_space<vmem>>
    %dma_wait3A_226 = tpu.memref_slice %arg2[%dma_wait3A_223, %mul3A_2] : memref<16x49152xf32, #tpu.memory_space<hbm>> -> memref<1x1536xf32, #tpu.memory_space<hbm>>
    %dma_wait3A_227 = tpu.memref_squeeze %dma_wait3A_226 : memref<1x1536xf32, #tpu.memory_space<hbm>> -> memref<1536xf32, #tpu.memory_space<hbm>>
    %dma_wait3A_228 = arith.constant 12352 : i32
    %dma_wait3A_229 = tpu.memref_slice %arg5[%dma_wait3A_228] : memref<24704xf32, #tpu.memory_space<vmem>> -> memref<1536xf32, #tpu.memory_space<vmem>>
    %dma_wait3A_230 = tpu.memref_slice %arg2[%dma_wait3A_223, %mul3A_2] : memref<16x49152xf32, #tpu.memory_space<hbm>> -> memref<1x1536xf32, #tpu.memory_space<hbm>>
    %dma_wait3A_231 = tpu.memref_squeeze %dma_wait3A_230 : memref<1x1536xf32, #tpu.memory_space<hbm>> -> memref<1536xf32, #tpu.memory_space<hbm>>
    tpu.wait_dma2 semaphore(%arg10 : memref<!tpu.dma_semaphore, #tpu.memory_space<semaphore_mem>>) src(%dma_wait3A_231 : memref<1536xf32, #tpu.memory_space<hbm>>) dst(%dma_wait3A_229 : memref<1536xf32, #tpu.memory_space<vmem>>)
    %dma_wait3A_232 = arith.constant 9 : i32
    %dma_wait3A_233 = arith.constant 13896 : i32
    %dma_wait3A_234 = tpu.memref_slice %arg5[%dma_wait3A_233] : memref<24704xf32, #tpu.memory_space<vmem>> -> memref<1536xf32, #tpu.memory_space<vmem>>
    %dma_wait3A_235 = tpu.memref_slice %arg2[%dma_wait3A_232, %mul3A_2] : memref<16x49152xf32, #tpu.memory_space<hbm>> -> memref<1x1536xf32, #tpu.memory_space<hbm>>
    %dma_wait3A_236 = tpu.memref_squeeze %dma_wait3A_235 : memref<1x1536xf32, #tpu.memory_space<hbm>> -> memref<1536xf32, #tpu.memory_space<hbm>>
    %dma_wait3A_237 = arith.constant 13896 : i32
    %dma_wait3A_238 = tpu.memref_slice %arg5[%dma_wait3A_237] : memref<24704xf32, #tpu.memory_space<vmem>> -> memref<1536xf32, #tpu.memory_space<vmem>>
    %dma_wait3A_239 = tpu.memref_slice %arg2[%dma_wait3A_232, %mul3A_2] : memref<16x49152xf32, #tpu.memory_space<hbm>> -> memref<1x1536xf32, #tpu.memory_space<hbm>>
    %dma_wait3A_240 = tpu.memref_squeeze %dma_wait3A_239 : memref<1x1536xf32, #tpu.memory_space<hbm>> -> memref<1536xf32, #tpu.memory_space<hbm>>
    tpu.wait_dma2 semaphore(%arg10 : memref<!tpu.dma_semaphore, #tpu.memory_space<semaphore_mem>>) src(%dma_wait3A_240 : memref<1536xf32, #tpu.memory_space<hbm>>) dst(%dma_wait3A_238 : memref<1536xf32, #tpu.memory_space<vmem>>)
    %dma_wait3A_241 = arith.constant 10 : i32
    %dma_wait3A_242 = arith.constant 15440 : i32
    %dma_wait3A_243 = tpu.memref_slice %arg5[%dma_wait3A_242] : memref<24704xf32, #tpu.memory_space<vmem>> -> memref<1536xf32, #tpu.memory_space<vmem>>
    %dma_wait3A_244 = tpu.memref_slice %arg2[%dma_wait3A_241, %mul3A_2] : memref<16x49152xf32, #tpu.memory_space<hbm>> -> memref<1x1536xf32, #tpu.memory_space<hbm>>
    %dma_wait3A_245 = tpu.memref_squeeze %dma_wait3A_244 : memref<1x1536xf32, #tpu.memory_space<hbm>> -> memref<1536xf32, #tpu.memory_space<hbm>>
    %dma_wait3A_246 = arith.constant 15440 : i32
    %dma_wait3A_247 = tpu.memref_slice %arg5[%dma_wait3A_246] : memref<24704xf32, #tpu.memory_space<vmem>> -> memref<1536xf32, #tpu.memory_space<vmem>>
    %dma_wait3A_248 = tpu.memref_slice %arg2[%dma_wait3A_241, %mul3A_2] : memref<16x49152xf32, #tpu.memory_space<hbm>> -> memref<1x1536xf32, #tpu.memory_space<hbm>>
    %dma_wait3A_249 = tpu.memref_squeeze %dma_wait3A_248 : memref<1x1536xf32, #tpu.memory_space<hbm>> -> memref<1536xf32, #tpu.memory_space<hbm>>
    tpu.wait_dma2 semaphore(%arg10 : memref<!tpu.dma_semaphore, #tpu.memory_space<semaphore_mem>>) src(%dma_wait3A_249 : memref<1536xf32, #tpu.memory_space<hbm>>) dst(%dma_wait3A_247 : memref<1536xf32, #tpu.memory_space<vmem>>)
    %dma_wait3A_250 = arith.constant 11 : i32
    %dma_wait3A_251 = arith.constant 16984 : i32
    %dma_wait3A_252 = tpu.memref_slice %arg5[%dma_wait3A_251] : memref<24704xf32, #tpu.memory_space<vmem>> -> memref<1536xf32, #tpu.memory_space<vmem>>
    %dma_wait3A_253 = tpu.memref_slice %arg2[%dma_wait3A_250, %mul3A_2] : memref<16x49152xf32, #tpu.memory_space<hbm>> -> memref<1x1536xf32, #tpu.memory_space<hbm>>
    %dma_wait3A_254 = tpu.memref_squeeze %dma_wait3A_253 : memref<1x1536xf32, #tpu.memory_space<hbm>> -> memref<1536xf32, #tpu.memory_space<hbm>>
    %dma_wait3A_255 = arith.constant 16984 : i32
    %dma_wait3A_256 = tpu.memref_slice %arg5[%dma_wait3A_255] : memref<24704xf32, #tpu.memory_space<vmem>> -> memref<1536xf32, #tpu.memory_space<vmem>>
    %dma_wait3A_257 = tpu.memref_slice %arg2[%dma_wait3A_250, %mul3A_2] : memref<16x49152xf32, #tpu.memory_space<hbm>> -> memref<1x1536xf32, #tpu.memory_space<hbm>>
    %dma_wait3A_258 = tpu.memref_squeeze %dma_wait3A_257 : memref<1x1536xf32, #tpu.memory_space<hbm>> -> memref<1536xf32, #tpu.memory_space<hbm>>
    tpu.wait_dma2 semaphore(%arg10 : memref<!tpu.dma_semaphore, #tpu.memory_space<semaphore_mem>>) src(%dma_wait3A_258 : memref<1536xf32, #tpu.memory_space<hbm>>) dst(%dma_wait3A_256 : memref<1536xf32, #tpu.memory_space<vmem>>)
    %dma_wait3A_259 = arith.constant 12 : i32
    %dma_wait3A_260 = arith.constant 18528 : i32
    %dma_wait3A_261 = tpu.memref_slice %arg5[%dma_wait3A_260] : memref<24704xf32, #tpu.memory_space<vmem>> -> memref<1536xf32, #tpu.memory_space<vmem>>
    %dma_wait3A_262 = tpu.memref_slice %arg2[%dma_wait3A_259, %mul3A_2] : memref<16x49152xf32, #tpu.memory_space<hbm>> -> memref<1x1536xf32, #tpu.memory_space<hbm>>
    %dma_wait3A_263 = tpu.memref_squeeze %dma_wait3A_262 : memref<1x1536xf32, #tpu.memory_space<hbm>> -> memref<1536xf32, #tpu.memory_space<hbm>>
    %dma_wait3A_264 = arith.constant 18528 : i32
    %dma_wait3A_265 = tpu.memref_slice %arg5[%dma_wait3A_264] : memref<24704xf32, #tpu.memory_space<vmem>> -> memref<1536xf32, #tpu.memory_space<vmem>>
    %dma_wait3A_266 = tpu.memref_slice %arg2[%dma_wait3A_259, %mul3A_2] : memref<16x49152xf32, #tpu.memory_space<hbm>> -> memref<1x1536xf32, #tpu.memory_space<hbm>>
    %dma_wait3A_267 = tpu.memref_squeeze %dma_wait3A_266 : memref<1x1536xf32, #tpu.memory_space<hbm>> -> memref<1536xf32, #tpu.memory_space<hbm>>
    tpu.wait_dma2 semaphore(%arg10 : memref<!tpu.dma_semaphore, #tpu.memory_space<semaphore_mem>>) src(%dma_wait3A_267 : memref<1536xf32, #tpu.memory_space<hbm>>) dst(%dma_wait3A_265 : memref<1536xf32, #tpu.memory_space<vmem>>)
    %dma_wait3A_268 = arith.constant 13 : i32
    %dma_wait3A_269 = arith.constant 20072 : i32
    %dma_wait3A_270 = tpu.memref_slice %arg5[%dma_wait3A_269] : memref<24704xf32, #tpu.memory_space<vmem>> -> memref<1536xf32, #tpu.memory_space<vmem>>
    %dma_wait3A_271 = tpu.memref_slice %arg2[%dma_wait3A_268, %mul3A_2] : memref<16x49152xf32, #tpu.memory_space<hbm>> -> memref<1x1536xf32, #tpu.memory_space<hbm>>
    %dma_wait3A_272 = tpu.memref_squeeze %dma_wait3A_271 : memref<1x1536xf32, #tpu.memory_space<hbm>> -> memref<1536xf32, #tpu.memory_space<hbm>>
    %dma_wait3A_273 = arith.constant 20072 : i32
    %dma_wait3A_274 = tpu.memref_slice %arg5[%dma_wait3A_273] : memref<24704xf32, #tpu.memory_space<vmem>> -> memref<1536xf32, #tpu.memory_space<vmem>>
    %dma_wait3A_275 = tpu.memref_slice %arg2[%dma_wait3A_268, %mul3A_2] : memref<16x49152xf32, #tpu.memory_space<hbm>> -> memref<1x1536xf32, #tpu.memory_space<hbm>>
    %dma_wait3A_276 = tpu.memref_squeeze %dma_wait3A_275 : memref<1x1536xf32, #tpu.memory_space<hbm>> -> memref<1536xf32, #tpu.memory_space<hbm>>
    tpu.wait_dma2 semaphore(%arg10 : memref<!tpu.dma_semaphore, #tpu.memory_space<semaphore_mem>>) src(%dma_wait3A_276 : memref<1536xf32, #tpu.memory_space<hbm>>) dst(%dma_wait3A_274 : memref<1536xf32, #tpu.memory_space<vmem>>)
    %dma_wait3A_277 = arith.constant 14 : i32
    %dma_wait3A_278 = arith.constant 21616 : i32
    %dma_wait3A_279 = tpu.memref_slice %arg5[%dma_wait3A_278] : memref<24704xf32, #tpu.memory_space<vmem>> -> memref<1536xf32, #tpu.memory_space<vmem>>
    %dma_wait3A_280 = tpu.memref_slice %arg2[%dma_wait3A_277, %mul3A_2] : memref<16x49152xf32, #tpu.memory_space<hbm>> -> memref<1x1536xf32, #tpu.memory_space<hbm>>
    %dma_wait3A_281 = tpu.memref_squeeze %dma_wait3A_280 : memref<1x1536xf32, #tpu.memory_space<hbm>> -> memref<1536xf32, #tpu.memory_space<hbm>>
    %dma_wait3A_282 = arith.constant 21616 : i32
    %dma_wait3A_283 = tpu.memref_slice %arg5[%dma_wait3A_282] : memref<24704xf32, #tpu.memory_space<vmem>> -> memref<1536xf32, #tpu.memory_space<vmem>>
    %dma_wait3A_284 = tpu.memref_slice %arg2[%dma_wait3A_277, %mul3A_2] : memref<16x49152xf32, #tpu.memory_space<hbm>> -> memref<1x1536xf32, #tpu.memory_space<hbm>>
    %dma_wait3A_285 = tpu.memref_squeeze %dma_wait3A_284 : memref<1x1536xf32, #tpu.memory_space<hbm>> -> memref<1536xf32, #tpu.memory_space<hbm>>
    tpu.wait_dma2 semaphore(%arg10 : memref<!tpu.dma_semaphore, #tpu.memory_space<semaphore_mem>>) src(%dma_wait3A_285 : memref<1536xf32, #tpu.memory_space<hbm>>) dst(%dma_wait3A_283 : memref<1536xf32, #tpu.memory_space<vmem>>)
    %dma_wait3A_286 = arith.constant 15 : i32
    %dma_wait3A_287 = arith.constant 23160 : i32
    %dma_wait3A_288 = tpu.memref_slice %arg5[%dma_wait3A_287] : memref<24704xf32, #tpu.memory_space<vmem>> -> memref<1536xf32, #tpu.memory_space<vmem>>
    %dma_wait3A_289 = tpu.memref_slice %arg2[%dma_wait3A_286, %mul3A_2] : memref<16x49152xf32, #tpu.memory_space<hbm>> -> memref<1x1536xf32, #tpu.memory_space<hbm>>
    %dma_wait3A_290 = tpu.memref_squeeze %dma_wait3A_289 : memref<1x1536xf32, #tpu.memory_space<hbm>> -> memref<1536xf32, #tpu.memory_space<hbm>>
    %dma_wait3A_291 = arith.constant 23160 : i32
    %dma_wait3A_292 = tpu.memref_slice %arg5[%dma_wait3A_291] : memref<24704xf32, #tpu.memory_space<vmem>> -> memref<1536xf32, #tpu.memory_space<vmem>>
    %dma_wait3A_293 = tpu.memref_slice %arg2[%dma_wait3A_286, %mul3A_2] : memref<16x49152xf32, #tpu.memory_space<hbm>> -> memref<1x1536xf32, #tpu.memory_space<hbm>>
    %dma_wait3A_294 = tpu.memref_squeeze %dma_wait3A_293 : memref<1x1536xf32, #tpu.memory_space<hbm>> -> memref<1536xf32, #tpu.memory_space<hbm>>
    tpu.wait_dma2 semaphore(%arg10 : memref<!tpu.dma_semaphore, #tpu.memory_space<semaphore_mem>>) src(%dma_wait3A_294 : memref<1536xf32, #tpu.memory_space<hbm>>) dst(%dma_wait3A_292 : memref<1536xf32, #tpu.memory_space<vmem>>)
    %iota3A = tpu.iota {dimensions = array<i32: 0>} : vector<16xi32>
    %mul3A_295 = arith.constant 1544 : i32
    %mul3A_296 = vector.broadcast %mul3A_295 : i32 to vector<16xi32>
    %mul3A_297 = arith.muli %iota3A, %mul3A_296 : vector<16xi32>
    %parallel_loop3A_298 = arith.constant 0 : i32
    %parallel_loop3A_299 = arith.constant 1536 : i32
    %parallel_loop3A_300 = arith.constant 1 : i32
    scf.for %parallel_loop3A_311 = %parallel_loop3A_298 to %parallel_loop3A_299 step %parallel_loop3A_300  : i32 {
      %parallel_loop3A_312 = vector.broadcast %parallel_loop3A_311 : i32 to vector<16xi32>
      %parallel_loop3A_313 = arith.addi %mul3A_297, %parallel_loop3A_312 : vector<16xi32>
      %parallel_loop3A_314 = tpu.vector_load_idx %arg5[%parallel_loop3A_313] : memref<24704xf32, #tpu.memory_space<vmem>>[vector<16xi32>], vector<16xf32>,
      %parallel_loop3A_315 = arith.index_cast %parallel_loop3A_311 : i32 to index
      %parallel_loop3A_316 = arith.constant 0 : index
      %parallel_loop3A_317 = tpu.vector_load %arg7[%parallel_loop3A_315, %parallel_loop3A_316] {strides = array<i32>} : memref<1536x16xf32, #tpu.memory_space<vmem>>, vector<16xf32>,
      tpu.vector_store %arg7[%parallel_loop3A_315, %parallel_loop3A_316], %parallel_loop3A_314 {strides = array<i32>} : memref<1536x16xf32, #tpu.memory_space<vmem>>, vector<16xf32>,
    } {sc.loop_unroll_factor = 16 : i64, sc.parallel_access}
    %barrier3A = arith.constant 0 : index
    tpu.barrier barrier_id(%barrier3A)
    %scan3A = arith.constant 0 : i32
    %scan3A_301 = arith.constant 0 : i32
    %scan3A_302 = arith.constant 12 : i32
    %scan3A_303 = arith.addi %scan3A_301, %scan3A_302 : i32
    %scan3A_304 = arith.constant 1 : i32
    scf.for %scan3A_311 = %scan3A_301 to %scan3A_303 step %scan3A_304  : i32 {
      %mul3A_312 = arith.constant 128 : i32
      %mul3A_313 = arith.muli %scan3A_311, %mul3A_312 : i32
      "tpu.region"() ({
        %run_scoped3A = tpu.sem_alloc : memref<!tpu.dma_semaphore, #tpu.memory_space<semaphore_mem>>
        %dma_start3A_314 = arith.constant 0 : i32
        %dma_start3A_315 = tpu.memref_slice %arg7[%mul3A_313, %dma_start3A_314] : memref<1536x16xf32, #tpu.memory_space<vmem>> -> memref<128x16xf32, #tpu.memory_space<vmem>>
        %dma_start3A_316 = arith.constant 0 : i32
        %dma_start3A_317 = tpu.memref_slice %arg6[%scan3A_311, %dma_start3A_316] : memref<12x128xi32, #tpu.memory_space<vmem>> -> memref<1x128xi32, #tpu.memory_space<vmem>>
        %dma_start3A_318 = tpu.memref_squeeze %dma_start3A_317 : memref<1x128xi32, #tpu.memory_space<vmem>> -> memref<128xi32, #tpu.memory_space<vmem>>
        %dma_start3A_319 = arith.constant 0 : i32
        %dma_start3A_320 = arith.constant 0 : i32
        %dma_start3A_321 = tpu.memref_slice %arg9[%dma_start3A_319, %dma_start3A_320] : memref<2048x16xf32, #tpu.memory_space<vmem_shared>> -> memref<2048x16xf32, #tpu.memory_space<vmem_shared>>
        tpu.enqueue_indirect_dma source(%dma_start3A_315 : memref<128x16xf32, #tpu.memory_space<vmem>>) target(%dma_start3A_321 : memref<2048x16xf32, #tpu.memory_space<vmem_shared>>) offsets(%dma_start3A_318 : memref<128xi32, #tpu.memory_space<vmem>>) semaphore(%run_scoped3A : memref<!tpu.dma_semaphore, #tpu.memory_space<semaphore_mem>>) {add = true}
        %dma_wait3A_322 = arith.constant 0 : i32
        %dma_wait3A_323 = tpu.memref_slice %arg7[%mul3A_313, %dma_wait3A_322] : memref<1536x16xf32, #tpu.memory_space<vmem>> -> memref<128x16xf32, #tpu.memory_space<vmem>>
        %dma_wait3A_324 = arith.constant 0 : i32
        %dma_wait3A_325 = tpu.memref_slice %arg6[%scan3A_311, %dma_wait3A_324] : memref<12x128xi32, #tpu.memory_space<vmem>> -> memref<1x128xi32, #tpu.memory_space<vmem>>
        %dma_wait3A_326 = tpu.memref_squeeze %dma_wait3A_325 : memref<1x128xi32, #tpu.memory_space<vmem>> -> memref<128xi32, #tpu.memory_space<vmem>>
        %dma_wait3A_327 = arith.constant 0 : i32
        %dma_wait3A_328 = arith.constant 0 : i32
        %dma_wait3A_329 = tpu.memref_slice %arg9[%dma_wait3A_327, %dma_wait3A_328] : memref<2048x16xf32, #tpu.memory_space<vmem_shared>> -> memref<2048x16xf32, #tpu.memory_space<vmem_shared>>
        tpu.wait_indirect_dma semaphore(%run_scoped3A : memref<!tpu.dma_semaphore, #tpu.memory_space<semaphore_mem>>) src(%dma_wait3A_323 : memref<128x16xf32, #tpu.memory_space<vmem>>) dst(%dma_wait3A_329 : memref<2048x16xf32, #tpu.memory_space<vmem_shared>>)
        tpu.yield
      }) : () -> ()
    }
    %scan3A_305 = arith.constant 12 : i32
    %barrier3A_306 = arith.constant 0 : index
    tpu.barrier barrier_id(%barrier3A_306)
    %mul3A_307 = arith.constant 128 : i32
    %mul3A_308 = arith.muli %arg1, %mul3A_307 : i32
    %mul3A_309 = arith.constant 128 : i32
    %mul3A_310 = arith.muli %arg1, %mul3A_309 : i32
    "tpu.region"() ({
      %run_scoped3A = tpu.sem_alloc : memref<!tpu.dma_semaphore, #tpu.memory_space<semaphore_mem>>
      %dma_start3A_311 = arith.constant 0 : i32
      %dma_start3A_312 = tpu.memref_slice %arg4[%arg0, %mul3A_310, %dma_start3A_311] : memref<2x2048x16xf32, #tpu.memory_space<hbm>> -> memref<1x128x16xf32, #tpu.memory_space<hbm>>
      %dma_start3A_313 = tpu.memref_squeeze %dma_start3A_312 : memref<1x128x16xf32, #tpu.memory_space<hbm>> -> memref<128x16xf32, #tpu.memory_space<hbm>>
      %dma_start3A_314 = arith.constant 0 : i32
      %dma_start3A_315 = tpu.memref_slice %arg9[%mul3A_308, %dma_start3A_314] : memref<2048x16xf32, #tpu.memory_space<vmem_shared>> -> memref<128x16xf32, #tpu.memory_space<vmem_shared>>
      tpu.enqueue_dma source(%dma_start3A_315 : memref<128x16xf32, #tpu.memory_space<vmem_shared>>) target(%dma_start3A_313 : memref<128x16xf32, #tpu.memory_space<hbm>>) target_semaphore(%run_scoped3A : memref<!tpu.dma_semaphore, #tpu.memory_space<semaphore_mem>>)
      %dma_wait3A_316 = arith.constant 0 : i32
      %dma_wait3A_317 = tpu.memref_slice %arg4[%arg0, %mul3A_310, %dma_wait3A_316] : memref<2x2048x16xf32, #tpu.memory_space<hbm>> -> memref<1x128x16xf32, #tpu.memory_space<hbm>>
      %dma_wait3A_318 = tpu.memref_squeeze %dma_wait3A_317 : memref<1x128x16xf32, #tpu.memory_space<hbm>> -> memref<128x16xf32, #tpu.memory_space<hbm>>
      %dma_wait3A_319 = arith.constant 0 : i32
      %dma_wait3A_320 = tpu.memref_slice %arg9[%mul3A_308, %dma_wait3A_319] : memref<2048x16xf32, #tpu.memory_space<vmem_shared>> -> memref<128x16xf32, #tpu.memory_space<vmem_shared>>
      tpu.wait_dma2 semaphore(%run_scoped3A : memref<!tpu.dma_semaphore, #tpu.memory_space<semaphore_mem>>) src(%dma_wait3A_320 : memref<128x16xf32, #tpu.memory_space<vmem_shared>>) dst(%dma_wait3A_318 : memref<128x16xf32, #tpu.memory_space<hbm>>)
      tpu.yield
    }) : () -> ()
    return
  }
}

#map = affine_map<(d0, d1) -> (0, 0)>
#map1 = affine_map<(d0, d1) -> (0, 0, 0)>
module attributes {stable_mosaic.version = 14 : i64} {
  func.func @body(%arg0: i32, %arg1: i32, %arg2: memref<16x53248xf32, #tpu.memory_space<hbm>>, %arg3: memref<416x128xi32, #tpu.memory_space<hbm>>, %arg4: memref<2x2048x16xf32, #tpu.memory_space<hbm>>, %arg5: memref<26752xf32, #tpu.memory_space<vmem>>, %arg6: memref<13x128xi32, #tpu.memory_space<vmem>>, %arg7: memref<1664x16xf32, #tpu.memory_space<vmem>>, %arg8: memref<128x16xf32, #tpu.memory_space<vmem>>, %arg9: memref<2048x16xf32, #tpu.memory_space<vmem_shared>>, %arg10: memref<!tpu.dma_semaphore, #tpu.memory_space<semaphore_mem>>) attributes {dimension_semantics = [#tpu.dimension_semantics<core_parallel>, #tpu.dimension_semantics<subcore_parallel>], iteration_bounds = array<i64: 2, 16>, scalar_prefetch = 0 : i64, scratch_operands = 6 : i64, tpu.core_type = #tpu.core_type<sc_vector_subcore>, window_params = [{transform_indices = #map}, {transform_indices = #map}, {transform_indices = #map1}]} {
    %mul3A = arith.constant 2 : i32
    %mul3A_0 = arith.muli %arg1, %mul3A : i32
    %add3A = arith.addi %mul3A_0, %arg0 : i32
    %mul3A_1 = arith.constant 1664 : i32
    %mul3A_2 = arith.muli %add3A, %mul3A_1 : i32
    %mul3A_3 = arith.constant 13 : i32
    %mul3A_4 = arith.muli %add3A, %mul3A_3 : i32
    "tpu.region"() ({
      %run_scoped3A = tpu.sem_alloc : memref<!tpu.dma_semaphore, #tpu.memory_space<semaphore_mem>>
      %dma_start3A_311 = arith.constant 0 : i32
      %dma_start3A_312 = tpu.memref_slice %arg3[%mul3A_4, %dma_start3A_311] : memref<416x128xi32, #tpu.memory_space<hbm>> -> memref<13x128xi32, #tpu.memory_space<hbm>>
      %dma_start3A_313 = arith.constant 0 : i32
      %dma_start3A_314 = tpu.memref_slice %arg3[%mul3A_4, %dma_start3A_313] : memref<416x128xi32, #tpu.memory_space<hbm>> -> memref<13x128xi32, #tpu.memory_space<hbm>>
      tpu.enqueue_dma source(%dma_start3A_314 : memref<13x128xi32, #tpu.memory_space<hbm>>) target(%arg6 : memref<13x128xi32, #tpu.memory_space<vmem>>) target_semaphore(%run_scoped3A : memref<!tpu.dma_semaphore, #tpu.memory_space<semaphore_mem>>)
      %dma_wait3A_315 = arith.constant 0 : i32
      %dma_wait3A_316 = tpu.memref_slice %arg3[%mul3A_4, %dma_wait3A_315] : memref<416x128xi32, #tpu.memory_space<hbm>> -> memref<13x128xi32, #tpu.memory_space<hbm>>
      %dma_wait3A_317 = arith.constant 0 : i32
      %dma_wait3A_318 = tpu.memref_slice %arg3[%mul3A_4, %dma_wait3A_317] : memref<416x128xi32, #tpu.memory_space<hbm>> -> memref<13x128xi32, #tpu.memory_space<hbm>>
      tpu.wait_dma2 semaphore(%run_scoped3A : memref<!tpu.dma_semaphore, #tpu.memory_space<semaphore_mem>>) src(%dma_wait3A_318 : memref<13x128xi32, #tpu.memory_space<hbm>>) dst(%arg6 : memref<13x128xi32, #tpu.memory_space<vmem>>)
      tpu.yield
    }) : () -> ()
    %dma_start3A = arith.constant 0 : i32
    %dma_start3A_5 = arith.constant 0 : i32
    %dma_start3A_6 = tpu.memref_slice %arg5[%dma_start3A_5] : memref<26752xf32, #tpu.memory_space<vmem>> -> memref<1664xf32, #tpu.memory_space<vmem>>
    %dma_start3A_7 = tpu.memref_slice %arg2[%dma_start3A, %mul3A_2] : memref<16x53248xf32, #tpu.memory_space<hbm>> -> memref<1x1664xf32, #tpu.memory_space<hbm>>
    %dma_start3A_8 = tpu.memref_squeeze %dma_start3A_7 : memref<1x1664xf32, #tpu.memory_space<hbm>> -> memref<1664xf32, #tpu.memory_space<hbm>>
    %dma_start3A_9 = arith.constant 0 : i32
    %dma_start3A_10 = tpu.memref_slice %arg5[%dma_start3A_9] : memref<26752xf32, #tpu.memory_space<vmem>> -> memref<1664xf32, #tpu.memory_space<vmem>>
    %dma_start3A_11 = tpu.memref_slice %arg2[%dma_start3A, %mul3A_2] : memref<16x53248xf32, #tpu.memory_space<hbm>> -> memref<1x1664xf32, #tpu.memory_space<hbm>>
    %dma_start3A_12 = tpu.memref_squeeze %dma_start3A_11 : memref<1x1664xf32, #tpu.memory_space<hbm>> -> memref<1664xf32, #tpu.memory_space<hbm>>
    tpu.enqueue_dma source(%dma_start3A_12 : memref<1664xf32, #tpu.memory_space<hbm>>) target(%dma_start3A_10 : memref<1664xf32, #tpu.memory_space<vmem>>) target_semaphore(%arg10 : memref<!tpu.dma_semaphore, #tpu.memory_space<semaphore_mem>>)
    %dma_start3A_13 = arith.constant 1 : i32
    %dma_start3A_14 = arith.constant 1672 : i32
    %dma_start3A_15 = tpu.memref_slice %arg5[%dma_start3A_14] : memref<26752xf32, #tpu.memory_space<vmem>> -> memref<1664xf32, #tpu.memory_space<vmem>>
    %dma_start3A_16 = tpu.memref_slice %arg2[%dma_start3A_13, %mul3A_2] : memref<16x53248xf32, #tpu.memory_space<hbm>> -> memref<1x1664xf32, #tpu.memory_space<hbm>>
    %dma_start3A_17 = tpu.memref_squeeze %dma_start3A_16 : memref<1x1664xf32, #tpu.memory_space<hbm>> -> memref<1664xf32, #tpu.memory_space<hbm>>
    %dma_start3A_18 = arith.constant 1672 : i32
    %dma_start3A_19 = tpu.memref_slice %arg5[%dma_start3A_18] : memref<26752xf32, #tpu.memory_space<vmem>> -> memref<1664xf32, #tpu.memory_space<vmem>>
    %dma_start3A_20 = tpu.memref_slice %arg2[%dma_start3A_13, %mul3A_2] : memref<16x53248xf32, #tpu.memory_space<hbm>> -> memref<1x1664xf32, #tpu.memory_space<hbm>>
    %dma_start3A_21 = tpu.memref_squeeze %dma_start3A_20 : memref<1x1664xf32, #tpu.memory_space<hbm>> -> memref<1664xf32, #tpu.memory_space<hbm>>
    tpu.enqueue_dma source(%dma_start3A_21 : memref<1664xf32, #tpu.memory_space<hbm>>) target(%dma_start3A_19 : memref<1664xf32, #tpu.memory_space<vmem>>) target_semaphore(%arg10 : memref<!tpu.dma_semaphore, #tpu.memory_space<semaphore_mem>>)
    %dma_start3A_22 = arith.constant 2 : i32
    %dma_start3A_23 = arith.constant 3344 : i32
    %dma_start3A_24 = tpu.memref_slice %arg5[%dma_start3A_23] : memref<26752xf32, #tpu.memory_space<vmem>> -> memref<1664xf32, #tpu.memory_space<vmem>>
    %dma_start3A_25 = tpu.memref_slice %arg2[%dma_start3A_22, %mul3A_2] : memref<16x53248xf32, #tpu.memory_space<hbm>> -> memref<1x1664xf32, #tpu.memory_space<hbm>>
    %dma_start3A_26 = tpu.memref_squeeze %dma_start3A_25 : memref<1x1664xf32, #tpu.memory_space<hbm>> -> memref<1664xf32, #tpu.memory_space<hbm>>
    %dma_start3A_27 = arith.constant 3344 : i32
    %dma_start3A_28 = tpu.memref_slice %arg5[%dma_start3A_27] : memref<26752xf32, #tpu.memory_space<vmem>> -> memref<1664xf32, #tpu.memory_space<vmem>>
    %dma_start3A_29 = tpu.memref_slice %arg2[%dma_start3A_22, %mul3A_2] : memref<16x53248xf32, #tpu.memory_space<hbm>> -> memref<1x1664xf32, #tpu.memory_space<hbm>>
    %dma_start3A_30 = tpu.memref_squeeze %dma_start3A_29 : memref<1x1664xf32, #tpu.memory_space<hbm>> -> memref<1664xf32, #tpu.memory_space<hbm>>
    tpu.enqueue_dma source(%dma_start3A_30 : memref<1664xf32, #tpu.memory_space<hbm>>) target(%dma_start3A_28 : memref<1664xf32, #tpu.memory_space<vmem>>) target_semaphore(%arg10 : memref<!tpu.dma_semaphore, #tpu.memory_space<semaphore_mem>>)
    %dma_start3A_31 = arith.constant 3 : i32
    %dma_start3A_32 = arith.constant 5016 : i32
    %dma_start3A_33 = tpu.memref_slice %arg5[%dma_start3A_32] : memref<26752xf32, #tpu.memory_space<vmem>> -> memref<1664xf32, #tpu.memory_space<vmem>>
    %dma_start3A_34 = tpu.memref_slice %arg2[%dma_start3A_31, %mul3A_2] : memref<16x53248xf32, #tpu.memory_space<hbm>> -> memref<1x1664xf32, #tpu.memory_space<hbm>>
    %dma_start3A_35 = tpu.memref_squeeze %dma_start3A_34 : memref<1x1664xf32, #tpu.memory_space<hbm>> -> memref<1664xf32, #tpu.memory_space<hbm>>
    %dma_start3A_36 = arith.constant 5016 : i32
    %dma_start3A_37 = tpu.memref_slice %arg5[%dma_start3A_36] : memref<26752xf32, #tpu.memory_space<vmem>> -> memref<1664xf32, #tpu.memory_space<vmem>>
    %dma_start3A_38 = tpu.memref_slice %arg2[%dma_start3A_31, %mul3A_2] : memref<16x53248xf32, #tpu.memory_space<hbm>> -> memref<1x1664xf32, #tpu.memory_space<hbm>>
    %dma_start3A_39 = tpu.memref_squeeze %dma_start3A_38 : memref<1x1664xf32, #tpu.memory_space<hbm>> -> memref<1664xf32, #tpu.memory_space<hbm>>
    tpu.enqueue_dma source(%dma_start3A_39 : memref<1664xf32, #tpu.memory_space<hbm>>) target(%dma_start3A_37 : memref<1664xf32, #tpu.memory_space<vmem>>) target_semaphore(%arg10 : memref<!tpu.dma_semaphore, #tpu.memory_space<semaphore_mem>>)
    %dma_start3A_40 = arith.constant 4 : i32
    %dma_start3A_41 = arith.constant 6688 : i32
    %dma_start3A_42 = tpu.memref_slice %arg5[%dma_start3A_41] : memref<26752xf32, #tpu.memory_space<vmem>> -> memref<1664xf32, #tpu.memory_space<vmem>>
    %dma_start3A_43 = tpu.memref_slice %arg2[%dma_start3A_40, %mul3A_2] : memref<16x53248xf32, #tpu.memory_space<hbm>> -> memref<1x1664xf32, #tpu.memory_space<hbm>>
    %dma_start3A_44 = tpu.memref_squeeze %dma_start3A_43 : memref<1x1664xf32, #tpu.memory_space<hbm>> -> memref<1664xf32, #tpu.memory_space<hbm>>
    %dma_start3A_45 = arith.constant 6688 : i32
    %dma_start3A_46 = tpu.memref_slice %arg5[%dma_start3A_45] : memref<26752xf32, #tpu.memory_space<vmem>> -> memref<1664xf32, #tpu.memory_space<vmem>>
    %dma_start3A_47 = tpu.memref_slice %arg2[%dma_start3A_40, %mul3A_2] : memref<16x53248xf32, #tpu.memory_space<hbm>> -> memref<1x1664xf32, #tpu.memory_space<hbm>>
    %dma_start3A_48 = tpu.memref_squeeze %dma_start3A_47 : memref<1x1664xf32, #tpu.memory_space<hbm>> -> memref<1664xf32, #tpu.memory_space<hbm>>
    tpu.enqueue_dma source(%dma_start3A_48 : memref<1664xf32, #tpu.memory_space<hbm>>) target(%dma_start3A_46 : memref<1664xf32, #tpu.memory_space<vmem>>) target_semaphore(%arg10 : memref<!tpu.dma_semaphore, #tpu.memory_space<semaphore_mem>>)
    %dma_start3A_49 = arith.constant 5 : i32
    %dma_start3A_50 = arith.constant 8360 : i32
    %dma_start3A_51 = tpu.memref_slice %arg5[%dma_start3A_50] : memref<26752xf32, #tpu.memory_space<vmem>> -> memref<1664xf32, #tpu.memory_space<vmem>>
    %dma_start3A_52 = tpu.memref_slice %arg2[%dma_start3A_49, %mul3A_2] : memref<16x53248xf32, #tpu.memory_space<hbm>> -> memref<1x1664xf32, #tpu.memory_space<hbm>>
    %dma_start3A_53 = tpu.memref_squeeze %dma_start3A_52 : memref<1x1664xf32, #tpu.memory_space<hbm>> -> memref<1664xf32, #tpu.memory_space<hbm>>
    %dma_start3A_54 = arith.constant 8360 : i32
    %dma_start3A_55 = tpu.memref_slice %arg5[%dma_start3A_54] : memref<26752xf32, #tpu.memory_space<vmem>> -> memref<1664xf32, #tpu.memory_space<vmem>>
    %dma_start3A_56 = tpu.memref_slice %arg2[%dma_start3A_49, %mul3A_2] : memref<16x53248xf32, #tpu.memory_space<hbm>> -> memref<1x1664xf32, #tpu.memory_space<hbm>>
    %dma_start3A_57 = tpu.memref_squeeze %dma_start3A_56 : memref<1x1664xf32, #tpu.memory_space<hbm>> -> memref<1664xf32, #tpu.memory_space<hbm>>
    tpu.enqueue_dma source(%dma_start3A_57 : memref<1664xf32, #tpu.memory_space<hbm>>) target(%dma_start3A_55 : memref<1664xf32, #tpu.memory_space<vmem>>) target_semaphore(%arg10 : memref<!tpu.dma_semaphore, #tpu.memory_space<semaphore_mem>>)
    %dma_start3A_58 = arith.constant 6 : i32
    %dma_start3A_59 = arith.constant 10032 : i32
    %dma_start3A_60 = tpu.memref_slice %arg5[%dma_start3A_59] : memref<26752xf32, #tpu.memory_space<vmem>> -> memref<1664xf32, #tpu.memory_space<vmem>>
    %dma_start3A_61 = tpu.memref_slice %arg2[%dma_start3A_58, %mul3A_2] : memref<16x53248xf32, #tpu.memory_space<hbm>> -> memref<1x1664xf32, #tpu.memory_space<hbm>>
    %dma_start3A_62 = tpu.memref_squeeze %dma_start3A_61 : memref<1x1664xf32, #tpu.memory_space<hbm>> -> memref<1664xf32, #tpu.memory_space<hbm>>
    %dma_start3A_63 = arith.constant 10032 : i32
    %dma_start3A_64 = tpu.memref_slice %arg5[%dma_start3A_63] : memref<26752xf32, #tpu.memory_space<vmem>> -> memref<1664xf32, #tpu.memory_space<vmem>>
    %dma_start3A_65 = tpu.memref_slice %arg2[%dma_start3A_58, %mul3A_2] : memref<16x53248xf32, #tpu.memory_space<hbm>> -> memref<1x1664xf32, #tpu.memory_space<hbm>>
    %dma_start3A_66 = tpu.memref_squeeze %dma_start3A_65 : memref<1x1664xf32, #tpu.memory_space<hbm>> -> memref<1664xf32, #tpu.memory_space<hbm>>
    tpu.enqueue_dma source(%dma_start3A_66 : memref<1664xf32, #tpu.memory_space<hbm>>) target(%dma_start3A_64 : memref<1664xf32, #tpu.memory_space<vmem>>) target_semaphore(%arg10 : memref<!tpu.dma_semaphore, #tpu.memory_space<semaphore_mem>>)
    %dma_start3A_67 = arith.constant 7 : i32
    %dma_start3A_68 = arith.constant 11704 : i32
    %dma_start3A_69 = tpu.memref_slice %arg5[%dma_start3A_68] : memref<26752xf32, #tpu.memory_space<vmem>> -> memref<1664xf32, #tpu.memory_space<vmem>>
    %dma_start3A_70 = tpu.memref_slice %arg2[%dma_start3A_67, %mul3A_2] : memref<16x53248xf32, #tpu.memory_space<hbm>> -> memref<1x1664xf32, #tpu.memory_space<hbm>>
    %dma_start3A_71 = tpu.memref_squeeze %dma_start3A_70 : memref<1x1664xf32, #tpu.memory_space<hbm>> -> memref<1664xf32, #tpu.memory_space<hbm>>
    %dma_start3A_72 = arith.constant 11704 : i32
    %dma_start3A_73 = tpu.memref_slice %arg5[%dma_start3A_72] : memref<26752xf32, #tpu.memory_space<vmem>> -> memref<1664xf32, #tpu.memory_space<vmem>>
    %dma_start3A_74 = tpu.memref_slice %arg2[%dma_start3A_67, %mul3A_2] : memref<16x53248xf32, #tpu.memory_space<hbm>> -> memref<1x1664xf32, #tpu.memory_space<hbm>>
    %dma_start3A_75 = tpu.memref_squeeze %dma_start3A_74 : memref<1x1664xf32, #tpu.memory_space<hbm>> -> memref<1664xf32, #tpu.memory_space<hbm>>
    tpu.enqueue_dma source(%dma_start3A_75 : memref<1664xf32, #tpu.memory_space<hbm>>) target(%dma_start3A_73 : memref<1664xf32, #tpu.memory_space<vmem>>) target_semaphore(%arg10 : memref<!tpu.dma_semaphore, #tpu.memory_space<semaphore_mem>>)
    %dma_start3A_76 = arith.constant 8 : i32
    %dma_start3A_77 = arith.constant 13376 : i32
    %dma_start3A_78 = tpu.memref_slice %arg5[%dma_start3A_77] : memref<26752xf32, #tpu.memory_space<vmem>> -> memref<1664xf32, #tpu.memory_space<vmem>>
    %dma_start3A_79 = tpu.memref_slice %arg2[%dma_start3A_76, %mul3A_2] : memref<16x53248xf32, #tpu.memory_space<hbm>> -> memref<1x1664xf32, #tpu.memory_space<hbm>>
    %dma_start3A_80 = tpu.memref_squeeze %dma_start3A_79 : memref<1x1664xf32, #tpu.memory_space<hbm>> -> memref<1664xf32, #tpu.memory_space<hbm>>
    %dma_start3A_81 = arith.constant 13376 : i32
    %dma_start3A_82 = tpu.memref_slice %arg5[%dma_start3A_81] : memref<26752xf32, #tpu.memory_space<vmem>> -> memref<1664xf32, #tpu.memory_space<vmem>>
    %dma_start3A_83 = tpu.memref_slice %arg2[%dma_start3A_76, %mul3A_2] : memref<16x53248xf32, #tpu.memory_space<hbm>> -> memref<1x1664xf32, #tpu.memory_space<hbm>>
    %dma_start3A_84 = tpu.memref_squeeze %dma_start3A_83 : memref<1x1664xf32, #tpu.memory_space<hbm>> -> memref<1664xf32, #tpu.memory_space<hbm>>
    tpu.enqueue_dma source(%dma_start3A_84 : memref<1664xf32, #tpu.memory_space<hbm>>) target(%dma_start3A_82 : memref<1664xf32, #tpu.memory_space<vmem>>) target_semaphore(%arg10 : memref<!tpu.dma_semaphore, #tpu.memory_space<semaphore_mem>>)
    %dma_start3A_85 = arith.constant 9 : i32
    %dma_start3A_86 = arith.constant 15048 : i32
    %dma_start3A_87 = tpu.memref_slice %arg5[%dma_start3A_86] : memref<26752xf32, #tpu.memory_space<vmem>> -> memref<1664xf32, #tpu.memory_space<vmem>>
    %dma_start3A_88 = tpu.memref_slice %arg2[%dma_start3A_85, %mul3A_2] : memref<16x53248xf32, #tpu.memory_space<hbm>> -> memref<1x1664xf32, #tpu.memory_space<hbm>>
    %dma_start3A_89 = tpu.memref_squeeze %dma_start3A_88 : memref<1x1664xf32, #tpu.memory_space<hbm>> -> memref<1664xf32, #tpu.memory_space<hbm>>
    %dma_start3A_90 = arith.constant 15048 : i32
    %dma_start3A_91 = tpu.memref_slice %arg5[%dma_start3A_90] : memref<26752xf32, #tpu.memory_space<vmem>> -> memref<1664xf32, #tpu.memory_space<vmem>>
    %dma_start3A_92 = tpu.memref_slice %arg2[%dma_start3A_85, %mul3A_2] : memref<16x53248xf32, #tpu.memory_space<hbm>> -> memref<1x1664xf32, #tpu.memory_space<hbm>>
    %dma_start3A_93 = tpu.memref_squeeze %dma_start3A_92 : memref<1x1664xf32, #tpu.memory_space<hbm>> -> memref<1664xf32, #tpu.memory_space<hbm>>
    tpu.enqueue_dma source(%dma_start3A_93 : memref<1664xf32, #tpu.memory_space<hbm>>) target(%dma_start3A_91 : memref<1664xf32, #tpu.memory_space<vmem>>) target_semaphore(%arg10 : memref<!tpu.dma_semaphore, #tpu.memory_space<semaphore_mem>>)
    %dma_start3A_94 = arith.constant 10 : i32
    %dma_start3A_95 = arith.constant 16720 : i32
    %dma_start3A_96 = tpu.memref_slice %arg5[%dma_start3A_95] : memref<26752xf32, #tpu.memory_space<vmem>> -> memref<1664xf32, #tpu.memory_space<vmem>>
    %dma_start3A_97 = tpu.memref_slice %arg2[%dma_start3A_94, %mul3A_2] : memref<16x53248xf32, #tpu.memory_space<hbm>> -> memref<1x1664xf32, #tpu.memory_space<hbm>>
    %dma_start3A_98 = tpu.memref_squeeze %dma_start3A_97 : memref<1x1664xf32, #tpu.memory_space<hbm>> -> memref<1664xf32, #tpu.memory_space<hbm>>
    %dma_start3A_99 = arith.constant 16720 : i32
    %dma_start3A_100 = tpu.memref_slice %arg5[%dma_start3A_99] : memref<26752xf32, #tpu.memory_space<vmem>> -> memref<1664xf32, #tpu.memory_space<vmem>>
    %dma_start3A_101 = tpu.memref_slice %arg2[%dma_start3A_94, %mul3A_2] : memref<16x53248xf32, #tpu.memory_space<hbm>> -> memref<1x1664xf32, #tpu.memory_space<hbm>>
    %dma_start3A_102 = tpu.memref_squeeze %dma_start3A_101 : memref<1x1664xf32, #tpu.memory_space<hbm>> -> memref<1664xf32, #tpu.memory_space<hbm>>
    tpu.enqueue_dma source(%dma_start3A_102 : memref<1664xf32, #tpu.memory_space<hbm>>) target(%dma_start3A_100 : memref<1664xf32, #tpu.memory_space<vmem>>) target_semaphore(%arg10 : memref<!tpu.dma_semaphore, #tpu.memory_space<semaphore_mem>>)
    %dma_start3A_103 = arith.constant 11 : i32
    %dma_start3A_104 = arith.constant 18392 : i32
    %dma_start3A_105 = tpu.memref_slice %arg5[%dma_start3A_104] : memref<26752xf32, #tpu.memory_space<vmem>> -> memref<1664xf32, #tpu.memory_space<vmem>>
    %dma_start3A_106 = tpu.memref_slice %arg2[%dma_start3A_103, %mul3A_2] : memref<16x53248xf32, #tpu.memory_space<hbm>> -> memref<1x1664xf32, #tpu.memory_space<hbm>>
    %dma_start3A_107 = tpu.memref_squeeze %dma_start3A_106 : memref<1x1664xf32, #tpu.memory_space<hbm>> -> memref<1664xf32, #tpu.memory_space<hbm>>
    %dma_start3A_108 = arith.constant 18392 : i32
    %dma_start3A_109 = tpu.memref_slice %arg5[%dma_start3A_108] : memref<26752xf32, #tpu.memory_space<vmem>> -> memref<1664xf32, #tpu.memory_space<vmem>>
    %dma_start3A_110 = tpu.memref_slice %arg2[%dma_start3A_103, %mul3A_2] : memref<16x53248xf32, #tpu.memory_space<hbm>> -> memref<1x1664xf32, #tpu.memory_space<hbm>>
    %dma_start3A_111 = tpu.memref_squeeze %dma_start3A_110 : memref<1x1664xf32, #tpu.memory_space<hbm>> -> memref<1664xf32, #tpu.memory_space<hbm>>
    tpu.enqueue_dma source(%dma_start3A_111 : memref<1664xf32, #tpu.memory_space<hbm>>) target(%dma_start3A_109 : memref<1664xf32, #tpu.memory_space<vmem>>) target_semaphore(%arg10 : memref<!tpu.dma_semaphore, #tpu.memory_space<semaphore_mem>>)
    %dma_start3A_112 = arith.constant 12 : i32
    %dma_start3A_113 = arith.constant 20064 : i32
    %dma_start3A_114 = tpu.memref_slice %arg5[%dma_start3A_113] : memref<26752xf32, #tpu.memory_space<vmem>> -> memref<1664xf32, #tpu.memory_space<vmem>>
    %dma_start3A_115 = tpu.memref_slice %arg2[%dma_start3A_112, %mul3A_2] : memref<16x53248xf32, #tpu.memory_space<hbm>> -> memref<1x1664xf32, #tpu.memory_space<hbm>>
    %dma_start3A_116 = tpu.memref_squeeze %dma_start3A_115 : memref<1x1664xf32, #tpu.memory_space<hbm>> -> memref<1664xf32, #tpu.memory_space<hbm>>
    %dma_start3A_117 = arith.constant 20064 : i32
    %dma_start3A_118 = tpu.memref_slice %arg5[%dma_start3A_117] : memref<26752xf32, #tpu.memory_space<vmem>> -> memref<1664xf32, #tpu.memory_space<vmem>>
    %dma_start3A_119 = tpu.memref_slice %arg2[%dma_start3A_112, %mul3A_2] : memref<16x53248xf32, #tpu.memory_space<hbm>> -> memref<1x1664xf32, #tpu.memory_space<hbm>>
    %dma_start3A_120 = tpu.memref_squeeze %dma_start3A_119 : memref<1x1664xf32, #tpu.memory_space<hbm>> -> memref<1664xf32, #tpu.memory_space<hbm>>
    tpu.enqueue_dma source(%dma_start3A_120 : memref<1664xf32, #tpu.memory_space<hbm>>) target(%dma_start3A_118 : memref<1664xf32, #tpu.memory_space<vmem>>) target_semaphore(%arg10 : memref<!tpu.dma_semaphore, #tpu.memory_space<semaphore_mem>>)
    %dma_start3A_121 = arith.constant 13 : i32
    %dma_start3A_122 = arith.constant 21736 : i32
    %dma_start3A_123 = tpu.memref_slice %arg5[%dma_start3A_122] : memref<26752xf32, #tpu.memory_space<vmem>> -> memref<1664xf32, #tpu.memory_space<vmem>>
    %dma_start3A_124 = tpu.memref_slice %arg2[%dma_start3A_121, %mul3A_2] : memref<16x53248xf32, #tpu.memory_space<hbm>> -> memref<1x1664xf32, #tpu.memory_space<hbm>>
    %dma_start3A_125 = tpu.memref_squeeze %dma_start3A_124 : memref<1x1664xf32, #tpu.memory_space<hbm>> -> memref<1664xf32, #tpu.memory_space<hbm>>
    %dma_start3A_126 = arith.constant 21736 : i32
    %dma_start3A_127 = tpu.memref_slice %arg5[%dma_start3A_126] : memref<26752xf32, #tpu.memory_space<vmem>> -> memref<1664xf32, #tpu.memory_space<vmem>>
    %dma_start3A_128 = tpu.memref_slice %arg2[%dma_start3A_121, %mul3A_2] : memref<16x53248xf32, #tpu.memory_space<hbm>> -> memref<1x1664xf32, #tpu.memory_space<hbm>>
    %dma_start3A_129 = tpu.memref_squeeze %dma_start3A_128 : memref<1x1664xf32, #tpu.memory_space<hbm>> -> memref<1664xf32, #tpu.memory_space<hbm>>
    tpu.enqueue_dma source(%dma_start3A_129 : memref<1664xf32, #tpu.memory_space<hbm>>) target(%dma_start3A_127 : memref<1664xf32, #tpu.memory_space<vmem>>) target_semaphore(%arg10 : memref<!tpu.dma_semaphore, #tpu.memory_space<semaphore_mem>>)
    %dma_start3A_130 = arith.constant 14 : i32
    %dma_start3A_131 = arith.constant 23408 : i32
    %dma_start3A_132 = tpu.memref_slice %arg5[%dma_start3A_131] : memref<26752xf32, #tpu.memory_space<vmem>> -> memref<1664xf32, #tpu.memory_space<vmem>>
    %dma_start3A_133 = tpu.memref_slice %arg2[%dma_start3A_130, %mul3A_2] : memref<16x53248xf32, #tpu.memory_space<hbm>> -> memref<1x1664xf32, #tpu.memory_space<hbm>>
    %dma_start3A_134 = tpu.memref_squeeze %dma_start3A_133 : memref<1x1664xf32, #tpu.memory_space<hbm>> -> memref<1664xf32, #tpu.memory_space<hbm>>
    %dma_start3A_135 = arith.constant 23408 : i32
    %dma_start3A_136 = tpu.memref_slice %arg5[%dma_start3A_135] : memref<26752xf32, #tpu.memory_space<vmem>> -> memref<1664xf32, #tpu.memory_space<vmem>>
    %dma_start3A_137 = tpu.memref_slice %arg2[%dma_start3A_130, %mul3A_2] : memref<16x53248xf32, #tpu.memory_space<hbm>> -> memref<1x1664xf32, #tpu.memory_space<hbm>>
    %dma_start3A_138 = tpu.memref_squeeze %dma_start3A_137 : memref<1x1664xf32, #tpu.memory_space<hbm>> -> memref<1664xf32, #tpu.memory_space<hbm>>
    tpu.enqueue_dma source(%dma_start3A_138 : memref<1664xf32, #tpu.memory_space<hbm>>) target(%dma_start3A_136 : memref<1664xf32, #tpu.memory_space<vmem>>) target_semaphore(%arg10 : memref<!tpu.dma_semaphore, #tpu.memory_space<semaphore_mem>>)
    %dma_start3A_139 = arith.constant 15 : i32
    %dma_start3A_140 = arith.constant 25080 : i32
    %dma_start3A_141 = tpu.memref_slice %arg5[%dma_start3A_140] : memref<26752xf32, #tpu.memory_space<vmem>> -> memref<1664xf32, #tpu.memory_space<vmem>>
    %dma_start3A_142 = tpu.memref_slice %arg2[%dma_start3A_139, %mul3A_2] : memref<16x53248xf32, #tpu.memory_space<hbm>> -> memref<1x1664xf32, #tpu.memory_space<hbm>>
    %dma_start3A_143 = tpu.memref_squeeze %dma_start3A_142 : memref<1x1664xf32, #tpu.memory_space<hbm>> -> memref<1664xf32, #tpu.memory_space<hbm>>
    %dma_start3A_144 = arith.constant 25080 : i32
    %dma_start3A_145 = tpu.memref_slice %arg5[%dma_start3A_144] : memref<26752xf32, #tpu.memory_space<vmem>> -> memref<1664xf32, #tpu.memory_space<vmem>>
    %dma_start3A_146 = tpu.memref_slice %arg2[%dma_start3A_139, %mul3A_2] : memref<16x53248xf32, #tpu.memory_space<hbm>> -> memref<1x1664xf32, #tpu.memory_space<hbm>>
    %dma_start3A_147 = tpu.memref_squeeze %dma_start3A_146 : memref<1x1664xf32, #tpu.memory_space<hbm>> -> memref<1664xf32, #tpu.memory_space<hbm>>
    tpu.enqueue_dma source(%dma_start3A_147 : memref<1664xf32, #tpu.memory_space<hbm>>) target(%dma_start3A_145 : memref<1664xf32, #tpu.memory_space<vmem>>) target_semaphore(%arg10 : memref<!tpu.dma_semaphore, #tpu.memory_space<semaphore_mem>>)
    %parallel_loop3A = arith.constant 0 : i32
    %parallel_loop3A_148 = arith.constant 128 : i32
    %parallel_loop3A_149 = arith.constant 1 : i32
    scf.for %parallel_loop3A_311 = %parallel_loop3A to %parallel_loop3A_148 step %parallel_loop3A_149  : i32 {
      %parallel_loop3A_312 = arith.constant 0.000000e+00 : f32
      %parallel_loop3A_313 = vector.broadcast %parallel_loop3A_312 : f32 to vector<16xf32>
      %parallel_loop3A_314 = arith.index_cast %parallel_loop3A_311 : i32 to index
      %parallel_loop3A_315 = arith.constant 0 : index
      %parallel_loop3A_316 = tpu.vector_load %arg8[%parallel_loop3A_314, %parallel_loop3A_315] {strides = array<i32>} : memref<128x16xf32, #tpu.memory_space<vmem>>, vector<16xf32>,
      tpu.vector_store %arg8[%parallel_loop3A_314, %parallel_loop3A_315], %parallel_loop3A_313 {strides = array<i32>} : memref<128x16xf32, #tpu.memory_space<vmem>>, vector<16xf32>,
    } {sc.loop_unroll_factor = 8 : i64, sc.parallel_access}
    %mul3A_150 = arith.constant 128 : i32
    %mul3A_151 = arith.muli %arg1, %mul3A_150 : i32
    "tpu.region"() ({
      %run_scoped3A = tpu.sem_alloc : memref<!tpu.dma_semaphore, #tpu.memory_space<semaphore_mem>>
      %dma_start3A_311 = arith.constant 0 : i32
      %dma_start3A_312 = tpu.memref_slice %arg9[%mul3A_151, %dma_start3A_311] : memref<2048x16xf32, #tpu.memory_space<vmem_shared>> -> memref<128x16xf32, #tpu.memory_space<vmem_shared>>
      %dma_start3A_313 = arith.constant 0 : i32
      %dma_start3A_314 = tpu.memref_slice %arg9[%mul3A_151, %dma_start3A_313] : memref<2048x16xf32, #tpu.memory_space<vmem_shared>> -> memref<128x16xf32, #tpu.memory_space<vmem_shared>>
      tpu.enqueue_dma source(%arg8 : memref<128x16xf32, #tpu.memory_space<vmem>>) target(%dma_start3A_314 : memref<128x16xf32, #tpu.memory_space<vmem_shared>>) target_semaphore(%run_scoped3A : memref<!tpu.dma_semaphore, #tpu.memory_space<semaphore_mem>>)
      %dma_wait3A_315 = arith.constant 0 : i32
      %dma_wait3A_316 = tpu.memref_slice %arg9[%mul3A_151, %dma_wait3A_315] : memref<2048x16xf32, #tpu.memory_space<vmem_shared>> -> memref<128x16xf32, #tpu.memory_space<vmem_shared>>
      %dma_wait3A_317 = arith.constant 0 : i32
      %dma_wait3A_318 = tpu.memref_slice %arg9[%mul3A_151, %dma_wait3A_317] : memref<2048x16xf32, #tpu.memory_space<vmem_shared>> -> memref<128x16xf32, #tpu.memory_space<vmem_shared>>
      tpu.wait_dma2 semaphore(%run_scoped3A : memref<!tpu.dma_semaphore, #tpu.memory_space<semaphore_mem>>) src(%arg8 : memref<128x16xf32, #tpu.memory_space<vmem>>) dst(%dma_wait3A_318 : memref<128x16xf32, #tpu.memory_space<vmem_shared>>)
      tpu.yield
    }) : () -> ()
    %dma_wait3A = arith.constant 0 : i32
    %dma_wait3A_152 = arith.constant 0 : i32
    %dma_wait3A_153 = tpu.memref_slice %arg5[%dma_wait3A_152] : memref<26752xf32, #tpu.memory_space<vmem>> -> memref<1664xf32, #tpu.memory_space<vmem>>
    %dma_wait3A_154 = tpu.memref_slice %arg2[%dma_wait3A, %mul3A_2] : memref<16x53248xf32, #tpu.memory_space<hbm>> -> memref<1x1664xf32, #tpu.memory_space<hbm>>
    %dma_wait3A_155 = tpu.memref_squeeze %dma_wait3A_154 : memref<1x1664xf32, #tpu.memory_space<hbm>> -> memref<1664xf32, #tpu.memory_space<hbm>>
    %dma_wait3A_156 = arith.constant 0 : i32
    %dma_wait3A_157 = tpu.memref_slice %arg5[%dma_wait3A_156] : memref<26752xf32, #tpu.memory_space<vmem>> -> memref<1664xf32, #tpu.memory_space<vmem>>
    %dma_wait3A_158 = tpu.memref_slice %arg2[%dma_wait3A, %mul3A_2] : memref<16x53248xf32, #tpu.memory_space<hbm>> -> memref<1x1664xf32, #tpu.memory_space<hbm>>
    %dma_wait3A_159 = tpu.memref_squeeze %dma_wait3A_158 : memref<1x1664xf32, #tpu.memory_space<hbm>> -> memref<1664xf32, #tpu.memory_space<hbm>>
    tpu.wait_dma2 semaphore(%arg10 : memref<!tpu.dma_semaphore, #tpu.memory_space<semaphore_mem>>) src(%dma_wait3A_159 : memref<1664xf32, #tpu.memory_space<hbm>>) dst(%dma_wait3A_157 : memref<1664xf32, #tpu.memory_space<vmem>>)
    %dma_wait3A_160 = arith.constant 1 : i32
    %dma_wait3A_161 = arith.constant 1672 : i32
    %dma_wait3A_162 = tpu.memref_slice %arg5[%dma_wait3A_161] : memref<26752xf32, #tpu.memory_space<vmem>> -> memref<1664xf32, #tpu.memory_space<vmem>>
    %dma_wait3A_163 = tpu.memref_slice %arg2[%dma_wait3A_160, %mul3A_2] : memref<16x53248xf32, #tpu.memory_space<hbm>> -> memref<1x1664xf32, #tpu.memory_space<hbm>>
    %dma_wait3A_164 = tpu.memref_squeeze %dma_wait3A_163 : memref<1x1664xf32, #tpu.memory_space<hbm>> -> memref<1664xf32, #tpu.memory_space<hbm>>
    %dma_wait3A_165 = arith.constant 1672 : i32
    %dma_wait3A_166 = tpu.memref_slice %arg5[%dma_wait3A_165] : memref<26752xf32, #tpu.memory_space<vmem>> -> memref<1664xf32, #tpu.memory_space<vmem>>
    %dma_wait3A_167 = tpu.memref_slice %arg2[%dma_wait3A_160, %mul3A_2] : memref<16x53248xf32, #tpu.memory_space<hbm>> -> memref<1x1664xf32, #tpu.memory_space<hbm>>
    %dma_wait3A_168 = tpu.memref_squeeze %dma_wait3A_167 : memref<1x1664xf32, #tpu.memory_space<hbm>> -> memref<1664xf32, #tpu.memory_space<hbm>>
    tpu.wait_dma2 semaphore(%arg10 : memref<!tpu.dma_semaphore, #tpu.memory_space<semaphore_mem>>) src(%dma_wait3A_168 : memref<1664xf32, #tpu.memory_space<hbm>>) dst(%dma_wait3A_166 : memref<1664xf32, #tpu.memory_space<vmem>>)
    %dma_wait3A_169 = arith.constant 2 : i32
    %dma_wait3A_170 = arith.constant 3344 : i32
    %dma_wait3A_171 = tpu.memref_slice %arg5[%dma_wait3A_170] : memref<26752xf32, #tpu.memory_space<vmem>> -> memref<1664xf32, #tpu.memory_space<vmem>>
    %dma_wait3A_172 = tpu.memref_slice %arg2[%dma_wait3A_169, %mul3A_2] : memref<16x53248xf32, #tpu.memory_space<hbm>> -> memref<1x1664xf32, #tpu.memory_space<hbm>>
    %dma_wait3A_173 = tpu.memref_squeeze %dma_wait3A_172 : memref<1x1664xf32, #tpu.memory_space<hbm>> -> memref<1664xf32, #tpu.memory_space<hbm>>
    %dma_wait3A_174 = arith.constant 3344 : i32
    %dma_wait3A_175 = tpu.memref_slice %arg5[%dma_wait3A_174] : memref<26752xf32, #tpu.memory_space<vmem>> -> memref<1664xf32, #tpu.memory_space<vmem>>
    %dma_wait3A_176 = tpu.memref_slice %arg2[%dma_wait3A_169, %mul3A_2] : memref<16x53248xf32, #tpu.memory_space<hbm>> -> memref<1x1664xf32, #tpu.memory_space<hbm>>
    %dma_wait3A_177 = tpu.memref_squeeze %dma_wait3A_176 : memref<1x1664xf32, #tpu.memory_space<hbm>> -> memref<1664xf32, #tpu.memory_space<hbm>>
    tpu.wait_dma2 semaphore(%arg10 : memref<!tpu.dma_semaphore, #tpu.memory_space<semaphore_mem>>) src(%dma_wait3A_177 : memref<1664xf32, #tpu.memory_space<hbm>>) dst(%dma_wait3A_175 : memref<1664xf32, #tpu.memory_space<vmem>>)
    %dma_wait3A_178 = arith.constant 3 : i32
    %dma_wait3A_179 = arith.constant 5016 : i32
    %dma_wait3A_180 = tpu.memref_slice %arg5[%dma_wait3A_179] : memref<26752xf32, #tpu.memory_space<vmem>> -> memref<1664xf32, #tpu.memory_space<vmem>>
    %dma_wait3A_181 = tpu.memref_slice %arg2[%dma_wait3A_178, %mul3A_2] : memref<16x53248xf32, #tpu.memory_space<hbm>> -> memref<1x1664xf32, #tpu.memory_space<hbm>>
    %dma_wait3A_182 = tpu.memref_squeeze %dma_wait3A_181 : memref<1x1664xf32, #tpu.memory_space<hbm>> -> memref<1664xf32, #tpu.memory_space<hbm>>
    %dma_wait3A_183 = arith.constant 5016 : i32
    %dma_wait3A_184 = tpu.memref_slice %arg5[%dma_wait3A_183] : memref<26752xf32, #tpu.memory_space<vmem>> -> memref<1664xf32, #tpu.memory_space<vmem>>
    %dma_wait3A_185 = tpu.memref_slice %arg2[%dma_wait3A_178, %mul3A_2] : memref<16x53248xf32, #tpu.memory_space<hbm>> -> memref<1x1664xf32, #tpu.memory_space<hbm>>
    %dma_wait3A_186 = tpu.memref_squeeze %dma_wait3A_185 : memref<1x1664xf32, #tpu.memory_space<hbm>> -> memref<1664xf32, #tpu.memory_space<hbm>>
    tpu.wait_dma2 semaphore(%arg10 : memref<!tpu.dma_semaphore, #tpu.memory_space<semaphore_mem>>) src(%dma_wait3A_186 : memref<1664xf32, #tpu.memory_space<hbm>>) dst(%dma_wait3A_184 : memref<1664xf32, #tpu.memory_space<vmem>>)
    %dma_wait3A_187 = arith.constant 4 : i32
    %dma_wait3A_188 = arith.constant 6688 : i32
    %dma_wait3A_189 = tpu.memref_slice %arg5[%dma_wait3A_188] : memref<26752xf32, #tpu.memory_space<vmem>> -> memref<1664xf32, #tpu.memory_space<vmem>>
    %dma_wait3A_190 = tpu.memref_slice %arg2[%dma_wait3A_187, %mul3A_2] : memref<16x53248xf32, #tpu.memory_space<hbm>> -> memref<1x1664xf32, #tpu.memory_space<hbm>>
    %dma_wait3A_191 = tpu.memref_squeeze %dma_wait3A_190 : memref<1x1664xf32, #tpu.memory_space<hbm>> -> memref<1664xf32, #tpu.memory_space<hbm>>
    %dma_wait3A_192 = arith.constant 6688 : i32
    %dma_wait3A_193 = tpu.memref_slice %arg5[%dma_wait3A_192] : memref<26752xf32, #tpu.memory_space<vmem>> -> memref<1664xf32, #tpu.memory_space<vmem>>
    %dma_wait3A_194 = tpu.memref_slice %arg2[%dma_wait3A_187, %mul3A_2] : memref<16x53248xf32, #tpu.memory_space<hbm>> -> memref<1x1664xf32, #tpu.memory_space<hbm>>
    %dma_wait3A_195 = tpu.memref_squeeze %dma_wait3A_194 : memref<1x1664xf32, #tpu.memory_space<hbm>> -> memref<1664xf32, #tpu.memory_space<hbm>>
    tpu.wait_dma2 semaphore(%arg10 : memref<!tpu.dma_semaphore, #tpu.memory_space<semaphore_mem>>) src(%dma_wait3A_195 : memref<1664xf32, #tpu.memory_space<hbm>>) dst(%dma_wait3A_193 : memref<1664xf32, #tpu.memory_space<vmem>>)
    %dma_wait3A_196 = arith.constant 5 : i32
    %dma_wait3A_197 = arith.constant 8360 : i32
    %dma_wait3A_198 = tpu.memref_slice %arg5[%dma_wait3A_197] : memref<26752xf32, #tpu.memory_space<vmem>> -> memref<1664xf32, #tpu.memory_space<vmem>>
    %dma_wait3A_199 = tpu.memref_slice %arg2[%dma_wait3A_196, %mul3A_2] : memref<16x53248xf32, #tpu.memory_space<hbm>> -> memref<1x1664xf32, #tpu.memory_space<hbm>>
    %dma_wait3A_200 = tpu.memref_squeeze %dma_wait3A_199 : memref<1x1664xf32, #tpu.memory_space<hbm>> -> memref<1664xf32, #tpu.memory_space<hbm>>
    %dma_wait3A_201 = arith.constant 8360 : i32
    %dma_wait3A_202 = tpu.memref_slice %arg5[%dma_wait3A_201] : memref<26752xf32, #tpu.memory_space<vmem>> -> memref<1664xf32, #tpu.memory_space<vmem>>
    %dma_wait3A_203 = tpu.memref_slice %arg2[%dma_wait3A_196, %mul3A_2] : memref<16x53248xf32, #tpu.memory_space<hbm>> -> memref<1x1664xf32, #tpu.memory_space<hbm>>
    %dma_wait3A_204 = tpu.memref_squeeze %dma_wait3A_203 : memref<1x1664xf32, #tpu.memory_space<hbm>> -> memref<1664xf32, #tpu.memory_space<hbm>>
    tpu.wait_dma2 semaphore(%arg10 : memref<!tpu.dma_semaphore, #tpu.memory_space<semaphore_mem>>) src(%dma_wait3A_204 : memref<1664xf32, #tpu.memory_space<hbm>>) dst(%dma_wait3A_202 : memref<1664xf32, #tpu.memory_space<vmem>>)
    %dma_wait3A_205 = arith.constant 6 : i32
    %dma_wait3A_206 = arith.constant 10032 : i32
    %dma_wait3A_207 = tpu.memref_slice %arg5[%dma_wait3A_206] : memref<26752xf32, #tpu.memory_space<vmem>> -> memref<1664xf32, #tpu.memory_space<vmem>>
    %dma_wait3A_208 = tpu.memref_slice %arg2[%dma_wait3A_205, %mul3A_2] : memref<16x53248xf32, #tpu.memory_space<hbm>> -> memref<1x1664xf32, #tpu.memory_space<hbm>>
    %dma_wait3A_209 = tpu.memref_squeeze %dma_wait3A_208 : memref<1x1664xf32, #tpu.memory_space<hbm>> -> memref<1664xf32, #tpu.memory_space<hbm>>
    %dma_wait3A_210 = arith.constant 10032 : i32
    %dma_wait3A_211 = tpu.memref_slice %arg5[%dma_wait3A_210] : memref<26752xf32, #tpu.memory_space<vmem>> -> memref<1664xf32, #tpu.memory_space<vmem>>
    %dma_wait3A_212 = tpu.memref_slice %arg2[%dma_wait3A_205, %mul3A_2] : memref<16x53248xf32, #tpu.memory_space<hbm>> -> memref<1x1664xf32, #tpu.memory_space<hbm>>
    %dma_wait3A_213 = tpu.memref_squeeze %dma_wait3A_212 : memref<1x1664xf32, #tpu.memory_space<hbm>> -> memref<1664xf32, #tpu.memory_space<hbm>>
    tpu.wait_dma2 semaphore(%arg10 : memref<!tpu.dma_semaphore, #tpu.memory_space<semaphore_mem>>) src(%dma_wait3A_213 : memref<1664xf32, #tpu.memory_space<hbm>>) dst(%dma_wait3A_211 : memref<1664xf32, #tpu.memory_space<vmem>>)
    %dma_wait3A_214 = arith.constant 7 : i32
    %dma_wait3A_215 = arith.constant 11704 : i32
    %dma_wait3A_216 = tpu.memref_slice %arg5[%dma_wait3A_215] : memref<26752xf32, #tpu.memory_space<vmem>> -> memref<1664xf32, #tpu.memory_space<vmem>>
    %dma_wait3A_217 = tpu.memref_slice %arg2[%dma_wait3A_214, %mul3A_2] : memref<16x53248xf32, #tpu.memory_space<hbm>> -> memref<1x1664xf32, #tpu.memory_space<hbm>>
    %dma_wait3A_218 = tpu.memref_squeeze %dma_wait3A_217 : memref<1x1664xf32, #tpu.memory_space<hbm>> -> memref<1664xf32, #tpu.memory_space<hbm>>
    %dma_wait3A_219 = arith.constant 11704 : i32
    %dma_wait3A_220 = tpu.memref_slice %arg5[%dma_wait3A_219] : memref<26752xf32, #tpu.memory_space<vmem>> -> memref<1664xf32, #tpu.memory_space<vmem>>
    %dma_wait3A_221 = tpu.memref_slice %arg2[%dma_wait3A_214, %mul3A_2] : memref<16x53248xf32, #tpu.memory_space<hbm>> -> memref<1x1664xf32, #tpu.memory_space<hbm>>
    %dma_wait3A_222 = tpu.memref_squeeze %dma_wait3A_221 : memref<1x1664xf32, #tpu.memory_space<hbm>> -> memref<1664xf32, #tpu.memory_space<hbm>>
    tpu.wait_dma2 semaphore(%arg10 : memref<!tpu.dma_semaphore, #tpu.memory_space<semaphore_mem>>) src(%dma_wait3A_222 : memref<1664xf32, #tpu.memory_space<hbm>>) dst(%dma_wait3A_220 : memref<1664xf32, #tpu.memory_space<vmem>>)
    %dma_wait3A_223 = arith.constant 8 : i32
    %dma_wait3A_224 = arith.constant 13376 : i32
    %dma_wait3A_225 = tpu.memref_slice %arg5[%dma_wait3A_224] : memref<26752xf32, #tpu.memory_space<vmem>> -> memref<1664xf32, #tpu.memory_space<vmem>>
    %dma_wait3A_226 = tpu.memref_slice %arg2[%dma_wait3A_223, %mul3A_2] : memref<16x53248xf32, #tpu.memory_space<hbm>> -> memref<1x1664xf32, #tpu.memory_space<hbm>>
    %dma_wait3A_227 = tpu.memref_squeeze %dma_wait3A_226 : memref<1x1664xf32, #tpu.memory_space<hbm>> -> memref<1664xf32, #tpu.memory_space<hbm>>
    %dma_wait3A_228 = arith.constant 13376 : i32
    %dma_wait3A_229 = tpu.memref_slice %arg5[%dma_wait3A_228] : memref<26752xf32, #tpu.memory_space<vmem>> -> memref<1664xf32, #tpu.memory_space<vmem>>
    %dma_wait3A_230 = tpu.memref_slice %arg2[%dma_wait3A_223, %mul3A_2] : memref<16x53248xf32, #tpu.memory_space<hbm>> -> memref<1x1664xf32, #tpu.memory_space<hbm>>
    %dma_wait3A_231 = tpu.memref_squeeze %dma_wait3A_230 : memref<1x1664xf32, #tpu.memory_space<hbm>> -> memref<1664xf32, #tpu.memory_space<hbm>>
    tpu.wait_dma2 semaphore(%arg10 : memref<!tpu.dma_semaphore, #tpu.memory_space<semaphore_mem>>) src(%dma_wait3A_231 : memref<1664xf32, #tpu.memory_space<hbm>>) dst(%dma_wait3A_229 : memref<1664xf32, #tpu.memory_space<vmem>>)
    %dma_wait3A_232 = arith.constant 9 : i32
    %dma_wait3A_233 = arith.constant 15048 : i32
    %dma_wait3A_234 = tpu.memref_slice %arg5[%dma_wait3A_233] : memref<26752xf32, #tpu.memory_space<vmem>> -> memref<1664xf32, #tpu.memory_space<vmem>>
    %dma_wait3A_235 = tpu.memref_slice %arg2[%dma_wait3A_232, %mul3A_2] : memref<16x53248xf32, #tpu.memory_space<hbm>> -> memref<1x1664xf32, #tpu.memory_space<hbm>>
    %dma_wait3A_236 = tpu.memref_squeeze %dma_wait3A_235 : memref<1x1664xf32, #tpu.memory_space<hbm>> -> memref<1664xf32, #tpu.memory_space<hbm>>
    %dma_wait3A_237 = arith.constant 15048 : i32
    %dma_wait3A_238 = tpu.memref_slice %arg5[%dma_wait3A_237] : memref<26752xf32, #tpu.memory_space<vmem>> -> memref<1664xf32, #tpu.memory_space<vmem>>
    %dma_wait3A_239 = tpu.memref_slice %arg2[%dma_wait3A_232, %mul3A_2] : memref<16x53248xf32, #tpu.memory_space<hbm>> -> memref<1x1664xf32, #tpu.memory_space<hbm>>
    %dma_wait3A_240 = tpu.memref_squeeze %dma_wait3A_239 : memref<1x1664xf32, #tpu.memory_space<hbm>> -> memref<1664xf32, #tpu.memory_space<hbm>>
    tpu.wait_dma2 semaphore(%arg10 : memref<!tpu.dma_semaphore, #tpu.memory_space<semaphore_mem>>) src(%dma_wait3A_240 : memref<1664xf32, #tpu.memory_space<hbm>>) dst(%dma_wait3A_238 : memref<1664xf32, #tpu.memory_space<vmem>>)
    %dma_wait3A_241 = arith.constant 10 : i32
    %dma_wait3A_242 = arith.constant 16720 : i32
    %dma_wait3A_243 = tpu.memref_slice %arg5[%dma_wait3A_242] : memref<26752xf32, #tpu.memory_space<vmem>> -> memref<1664xf32, #tpu.memory_space<vmem>>
    %dma_wait3A_244 = tpu.memref_slice %arg2[%dma_wait3A_241, %mul3A_2] : memref<16x53248xf32, #tpu.memory_space<hbm>> -> memref<1x1664xf32, #tpu.memory_space<hbm>>
    %dma_wait3A_245 = tpu.memref_squeeze %dma_wait3A_244 : memref<1x1664xf32, #tpu.memory_space<hbm>> -> memref<1664xf32, #tpu.memory_space<hbm>>
    %dma_wait3A_246 = arith.constant 16720 : i32
    %dma_wait3A_247 = tpu.memref_slice %arg5[%dma_wait3A_246] : memref<26752xf32, #tpu.memory_space<vmem>> -> memref<1664xf32, #tpu.memory_space<vmem>>
    %dma_wait3A_248 = tpu.memref_slice %arg2[%dma_wait3A_241, %mul3A_2] : memref<16x53248xf32, #tpu.memory_space<hbm>> -> memref<1x1664xf32, #tpu.memory_space<hbm>>
    %dma_wait3A_249 = tpu.memref_squeeze %dma_wait3A_248 : memref<1x1664xf32, #tpu.memory_space<hbm>> -> memref<1664xf32, #tpu.memory_space<hbm>>
    tpu.wait_dma2 semaphore(%arg10 : memref<!tpu.dma_semaphore, #tpu.memory_space<semaphore_mem>>) src(%dma_wait3A_249 : memref<1664xf32, #tpu.memory_space<hbm>>) dst(%dma_wait3A_247 : memref<1664xf32, #tpu.memory_space<vmem>>)
    %dma_wait3A_250 = arith.constant 11 : i32
    %dma_wait3A_251 = arith.constant 18392 : i32
    %dma_wait3A_252 = tpu.memref_slice %arg5[%dma_wait3A_251] : memref<26752xf32, #tpu.memory_space<vmem>> -> memref<1664xf32, #tpu.memory_space<vmem>>
    %dma_wait3A_253 = tpu.memref_slice %arg2[%dma_wait3A_250, %mul3A_2] : memref<16x53248xf32, #tpu.memory_space<hbm>> -> memref<1x1664xf32, #tpu.memory_space<hbm>>
    %dma_wait3A_254 = tpu.memref_squeeze %dma_wait3A_253 : memref<1x1664xf32, #tpu.memory_space<hbm>> -> memref<1664xf32, #tpu.memory_space<hbm>>
    %dma_wait3A_255 = arith.constant 18392 : i32
    %dma_wait3A_256 = tpu.memref_slice %arg5[%dma_wait3A_255] : memref<26752xf32, #tpu.memory_space<vmem>> -> memref<1664xf32, #tpu.memory_space<vmem>>
    %dma_wait3A_257 = tpu.memref_slice %arg2[%dma_wait3A_250, %mul3A_2] : memref<16x53248xf32, #tpu.memory_space<hbm>> -> memref<1x1664xf32, #tpu.memory_space<hbm>>
    %dma_wait3A_258 = tpu.memref_squeeze %dma_wait3A_257 : memref<1x1664xf32, #tpu.memory_space<hbm>> -> memref<1664xf32, #tpu.memory_space<hbm>>
    tpu.wait_dma2 semaphore(%arg10 : memref<!tpu.dma_semaphore, #tpu.memory_space<semaphore_mem>>) src(%dma_wait3A_258 : memref<1664xf32, #tpu.memory_space<hbm>>) dst(%dma_wait3A_256 : memref<1664xf32, #tpu.memory_space<vmem>>)
    %dma_wait3A_259 = arith.constant 12 : i32
    %dma_wait3A_260 = arith.constant 20064 : i32
    %dma_wait3A_261 = tpu.memref_slice %arg5[%dma_wait3A_260] : memref<26752xf32, #tpu.memory_space<vmem>> -> memref<1664xf32, #tpu.memory_space<vmem>>
    %dma_wait3A_262 = tpu.memref_slice %arg2[%dma_wait3A_259, %mul3A_2] : memref<16x53248xf32, #tpu.memory_space<hbm>> -> memref<1x1664xf32, #tpu.memory_space<hbm>>
    %dma_wait3A_263 = tpu.memref_squeeze %dma_wait3A_262 : memref<1x1664xf32, #tpu.memory_space<hbm>> -> memref<1664xf32, #tpu.memory_space<hbm>>
    %dma_wait3A_264 = arith.constant 20064 : i32
    %dma_wait3A_265 = tpu.memref_slice %arg5[%dma_wait3A_264] : memref<26752xf32, #tpu.memory_space<vmem>> -> memref<1664xf32, #tpu.memory_space<vmem>>
    %dma_wait3A_266 = tpu.memref_slice %arg2[%dma_wait3A_259, %mul3A_2] : memref<16x53248xf32, #tpu.memory_space<hbm>> -> memref<1x1664xf32, #tpu.memory_space<hbm>>
    %dma_wait3A_267 = tpu.memref_squeeze %dma_wait3A_266 : memref<1x1664xf32, #tpu.memory_space<hbm>> -> memref<1664xf32, #tpu.memory_space<hbm>>
    tpu.wait_dma2 semaphore(%arg10 : memref<!tpu.dma_semaphore, #tpu.memory_space<semaphore_mem>>) src(%dma_wait3A_267 : memref<1664xf32, #tpu.memory_space<hbm>>) dst(%dma_wait3A_265 : memref<1664xf32, #tpu.memory_space<vmem>>)
    %dma_wait3A_268 = arith.constant 13 : i32
    %dma_wait3A_269 = arith.constant 21736 : i32
    %dma_wait3A_270 = tpu.memref_slice %arg5[%dma_wait3A_269] : memref<26752xf32, #tpu.memory_space<vmem>> -> memref<1664xf32, #tpu.memory_space<vmem>>
    %dma_wait3A_271 = tpu.memref_slice %arg2[%dma_wait3A_268, %mul3A_2] : memref<16x53248xf32, #tpu.memory_space<hbm>> -> memref<1x1664xf32, #tpu.memory_space<hbm>>
    %dma_wait3A_272 = tpu.memref_squeeze %dma_wait3A_271 : memref<1x1664xf32, #tpu.memory_space<hbm>> -> memref<1664xf32, #tpu.memory_space<hbm>>
    %dma_wait3A_273 = arith.constant 21736 : i32
    %dma_wait3A_274 = tpu.memref_slice %arg5[%dma_wait3A_273] : memref<26752xf32, #tpu.memory_space<vmem>> -> memref<1664xf32, #tpu.memory_space<vmem>>
    %dma_wait3A_275 = tpu.memref_slice %arg2[%dma_wait3A_268, %mul3A_2] : memref<16x53248xf32, #tpu.memory_space<hbm>> -> memref<1x1664xf32, #tpu.memory_space<hbm>>
    %dma_wait3A_276 = tpu.memref_squeeze %dma_wait3A_275 : memref<1x1664xf32, #tpu.memory_space<hbm>> -> memref<1664xf32, #tpu.memory_space<hbm>>
    tpu.wait_dma2 semaphore(%arg10 : memref<!tpu.dma_semaphore, #tpu.memory_space<semaphore_mem>>) src(%dma_wait3A_276 : memref<1664xf32, #tpu.memory_space<hbm>>) dst(%dma_wait3A_274 : memref<1664xf32, #tpu.memory_space<vmem>>)
    %dma_wait3A_277 = arith.constant 14 : i32
    %dma_wait3A_278 = arith.constant 23408 : i32
    %dma_wait3A_279 = tpu.memref_slice %arg5[%dma_wait3A_278] : memref<26752xf32, #tpu.memory_space<vmem>> -> memref<1664xf32, #tpu.memory_space<vmem>>
    %dma_wait3A_280 = tpu.memref_slice %arg2[%dma_wait3A_277, %mul3A_2] : memref<16x53248xf32, #tpu.memory_space<hbm>> -> memref<1x1664xf32, #tpu.memory_space<hbm>>
    %dma_wait3A_281 = tpu.memref_squeeze %dma_wait3A_280 : memref<1x1664xf32, #tpu.memory_space<hbm>> -> memref<1664xf32, #tpu.memory_space<hbm>>
    %dma_wait3A_282 = arith.constant 23408 : i32
    %dma_wait3A_283 = tpu.memref_slice %arg5[%dma_wait3A_282] : memref<26752xf32, #tpu.memory_space<vmem>> -> memref<1664xf32, #tpu.memory_space<vmem>>
    %dma_wait3A_284 = tpu.memref_slice %arg2[%dma_wait3A_277, %mul3A_2] : memref<16x53248xf32, #tpu.memory_space<hbm>> -> memref<1x1664xf32, #tpu.memory_space<hbm>>
    %dma_wait3A_285 = tpu.memref_squeeze %dma_wait3A_284 : memref<1x1664xf32, #tpu.memory_space<hbm>> -> memref<1664xf32, #tpu.memory_space<hbm>>
    tpu.wait_dma2 semaphore(%arg10 : memref<!tpu.dma_semaphore, #tpu.memory_space<semaphore_mem>>) src(%dma_wait3A_285 : memref<1664xf32, #tpu.memory_space<hbm>>) dst(%dma_wait3A_283 : memref<1664xf32, #tpu.memory_space<vmem>>)
    %dma_wait3A_286 = arith.constant 15 : i32
    %dma_wait3A_287 = arith.constant 25080 : i32
    %dma_wait3A_288 = tpu.memref_slice %arg5[%dma_wait3A_287] : memref<26752xf32, #tpu.memory_space<vmem>> -> memref<1664xf32, #tpu.memory_space<vmem>>
    %dma_wait3A_289 = tpu.memref_slice %arg2[%dma_wait3A_286, %mul3A_2] : memref<16x53248xf32, #tpu.memory_space<hbm>> -> memref<1x1664xf32, #tpu.memory_space<hbm>>
    %dma_wait3A_290 = tpu.memref_squeeze %dma_wait3A_289 : memref<1x1664xf32, #tpu.memory_space<hbm>> -> memref<1664xf32, #tpu.memory_space<hbm>>
    %dma_wait3A_291 = arith.constant 25080 : i32
    %dma_wait3A_292 = tpu.memref_slice %arg5[%dma_wait3A_291] : memref<26752xf32, #tpu.memory_space<vmem>> -> memref<1664xf32, #tpu.memory_space<vmem>>
    %dma_wait3A_293 = tpu.memref_slice %arg2[%dma_wait3A_286, %mul3A_2] : memref<16x53248xf32, #tpu.memory_space<hbm>> -> memref<1x1664xf32, #tpu.memory_space<hbm>>
    %dma_wait3A_294 = tpu.memref_squeeze %dma_wait3A_293 : memref<1x1664xf32, #tpu.memory_space<hbm>> -> memref<1664xf32, #tpu.memory_space<hbm>>
    tpu.wait_dma2 semaphore(%arg10 : memref<!tpu.dma_semaphore, #tpu.memory_space<semaphore_mem>>) src(%dma_wait3A_294 : memref<1664xf32, #tpu.memory_space<hbm>>) dst(%dma_wait3A_292 : memref<1664xf32, #tpu.memory_space<vmem>>)
    %iota3A = tpu.iota {dimensions = array<i32: 0>} : vector<16xi32>
    %mul3A_295 = arith.constant 1672 : i32
    %mul3A_296 = vector.broadcast %mul3A_295 : i32 to vector<16xi32>
    %mul3A_297 = arith.muli %iota3A, %mul3A_296 : vector<16xi32>
    %parallel_loop3A_298 = arith.constant 0 : i32
    %parallel_loop3A_299 = arith.constant 1664 : i32
    %parallel_loop3A_300 = arith.constant 1 : i32
    scf.for %parallel_loop3A_311 = %parallel_loop3A_298 to %parallel_loop3A_299 step %parallel_loop3A_300  : i32 {
      %parallel_loop3A_312 = vector.broadcast %parallel_loop3A_311 : i32 to vector<16xi32>
      %parallel_loop3A_313 = arith.addi %mul3A_297, %parallel_loop3A_312 : vector<16xi32>
      %parallel_loop3A_314 = tpu.vector_load_idx %arg5[%parallel_loop3A_313] : memref<26752xf32, #tpu.memory_space<vmem>>[vector<16xi32>], vector<16xf32>,
      %parallel_loop3A_315 = arith.index_cast %parallel_loop3A_311 : i32 to index
      %parallel_loop3A_316 = arith.constant 0 : index
      %parallel_loop3A_317 = tpu.vector_load %arg7[%parallel_loop3A_315, %parallel_loop3A_316] {strides = array<i32>} : memref<1664x16xf32, #tpu.memory_space<vmem>>, vector<16xf32>,
      tpu.vector_store %arg7[%parallel_loop3A_315, %parallel_loop3A_316], %parallel_loop3A_314 {strides = array<i32>} : memref<1664x16xf32, #tpu.memory_space<vmem>>, vector<16xf32>,
    } {sc.loop_unroll_factor = 16 : i64, sc.parallel_access}
    %barrier3A = arith.constant 0 : index
    tpu.barrier barrier_id(%barrier3A)
    %scan3A = arith.constant 0 : i32
    %scan3A_301 = arith.constant 0 : i32
    %scan3A_302 = arith.constant 13 : i32
    %scan3A_303 = arith.addi %scan3A_301, %scan3A_302 : i32
    %scan3A_304 = arith.constant 1 : i32
    scf.for %scan3A_311 = %scan3A_301 to %scan3A_303 step %scan3A_304  : i32 {
      %mul3A_312 = arith.constant 128 : i32
      %mul3A_313 = arith.muli %scan3A_311, %mul3A_312 : i32
      "tpu.region"() ({
        %run_scoped3A = tpu.sem_alloc : memref<!tpu.dma_semaphore, #tpu.memory_space<semaphore_mem>>
        %dma_start3A_314 = arith.constant 0 : i32
        %dma_start3A_315 = tpu.memref_slice %arg7[%mul3A_313, %dma_start3A_314] : memref<1664x16xf32, #tpu.memory_space<vmem>> -> memref<128x16xf32, #tpu.memory_space<vmem>>
        %dma_start3A_316 = arith.constant 0 : i32
        %dma_start3A_317 = tpu.memref_slice %arg6[%scan3A_311, %dma_start3A_316] : memref<13x128xi32, #tpu.memory_space<vmem>> -> memref<1x128xi32, #tpu.memory_space<vmem>>
        %dma_start3A_318 = tpu.memref_squeeze %dma_start3A_317 : memref<1x128xi32, #tpu.memory_space<vmem>> -> memref<128xi32, #tpu.memory_space<vmem>>
        %dma_start3A_319 = arith.constant 0 : i32
        %dma_start3A_320 = arith.constant 0 : i32
        %dma_start3A_321 = tpu.memref_slice %arg9[%dma_start3A_319, %dma_start3A_320] : memref<2048x16xf32, #tpu.memory_space<vmem_shared>> -> memref<2048x16xf32, #tpu.memory_space<vmem_shared>>
        tpu.enqueue_indirect_dma source(%dma_start3A_315 : memref<128x16xf32, #tpu.memory_space<vmem>>) target(%dma_start3A_321 : memref<2048x16xf32, #tpu.memory_space<vmem_shared>>) offsets(%dma_start3A_318 : memref<128xi32, #tpu.memory_space<vmem>>) semaphore(%run_scoped3A : memref<!tpu.dma_semaphore, #tpu.memory_space<semaphore_mem>>) {add = true}
        %dma_wait3A_322 = arith.constant 0 : i32
        %dma_wait3A_323 = tpu.memref_slice %arg7[%mul3A_313, %dma_wait3A_322] : memref<1664x16xf32, #tpu.memory_space<vmem>> -> memref<128x16xf32, #tpu.memory_space<vmem>>
        %dma_wait3A_324 = arith.constant 0 : i32
        %dma_wait3A_325 = tpu.memref_slice %arg6[%scan3A_311, %dma_wait3A_324] : memref<13x128xi32, #tpu.memory_space<vmem>> -> memref<1x128xi32, #tpu.memory_space<vmem>>
        %dma_wait3A_326 = tpu.memref_squeeze %dma_wait3A_325 : memref<1x128xi32, #tpu.memory_space<vmem>> -> memref<128xi32, #tpu.memory_space<vmem>>
        %dma_wait3A_327 = arith.constant 0 : i32
        %dma_wait3A_328 = arith.constant 0 : i32
        %dma_wait3A_329 = tpu.memref_slice %arg9[%dma_wait3A_327, %dma_wait3A_328] : memref<2048x16xf32, #tpu.memory_space<vmem_shared>> -> memref<2048x16xf32, #tpu.memory_space<vmem_shared>>
        tpu.wait_indirect_dma semaphore(%run_scoped3A : memref<!tpu.dma_semaphore, #tpu.memory_space<semaphore_mem>>) src(%dma_wait3A_323 : memref<128x16xf32, #tpu.memory_space<vmem>>) dst(%dma_wait3A_329 : memref<2048x16xf32, #tpu.memory_space<vmem_shared>>)
        tpu.yield
      }) : () -> ()
    }
    %scan3A_305 = arith.constant 13 : i32
    %barrier3A_306 = arith.constant 0 : index
    tpu.barrier barrier_id(%barrier3A_306)
    %mul3A_307 = arith.constant 128 : i32
    %mul3A_308 = arith.muli %arg1, %mul3A_307 : i32
    %mul3A_309 = arith.constant 128 : i32
    %mul3A_310 = arith.muli %arg1, %mul3A_309 : i32
    "tpu.region"() ({
      %run_scoped3A = tpu.sem_alloc : memref<!tpu.dma_semaphore, #tpu.memory_space<semaphore_mem>>
      %dma_start3A_311 = arith.constant 0 : i32
      %dma_start3A_312 = tpu.memref_slice %arg4[%arg0, %mul3A_310, %dma_start3A_311] : memref<2x2048x16xf32, #tpu.memory_space<hbm>> -> memref<1x128x16xf32, #tpu.memory_space<hbm>>
      %dma_start3A_313 = tpu.memref_squeeze %dma_start3A_312 : memref<1x128x16xf32, #tpu.memory_space<hbm>> -> memref<128x16xf32, #tpu.memory_space<hbm>>
      %dma_start3A_314 = arith.constant 0 : i32
      %dma_start3A_315 = tpu.memref_slice %arg9[%mul3A_308, %dma_start3A_314] : memref<2048x16xf32, #tpu.memory_space<vmem_shared>> -> memref<128x16xf32, #tpu.memory_space<vmem_shared>>
      tpu.enqueue_dma source(%dma_start3A_315 : memref<128x16xf32, #tpu.memory_space<vmem_shared>>) target(%dma_start3A_313 : memref<128x16xf32, #tpu.memory_space<hbm>>) target_semaphore(%run_scoped3A : memref<!tpu.dma_semaphore, #tpu.memory_space<semaphore_mem>>)
      %dma_wait3A_316 = arith.constant 0 : i32
      %dma_wait3A_317 = tpu.memref_slice %arg4[%arg0, %mul3A_310, %dma_wait3A_316] : memref<2x2048x16xf32, #tpu.memory_space<hbm>> -> memref<1x128x16xf32, #tpu.memory_space<hbm>>
      %dma_wait3A_318 = tpu.memref_squeeze %dma_wait3A_317 : memref<1x128x16xf32, #tpu.memory_space<hbm>> -> memref<128x16xf32, #tpu.memory_space<hbm>>
      %dma_wait3A_319 = arith.constant 0 : i32
      %dma_wait3A_320 = tpu.memref_slice %arg9[%mul3A_308, %dma_wait3A_319] : memref<2048x16xf32, #tpu.memory_space<vmem_shared>> -> memref<128x16xf32, #tpu.memory_space<vmem_shared>>
      tpu.wait_dma2 semaphore(%run_scoped3A : memref<!tpu.dma_semaphore, #tpu.memory_space<semaphore_mem>>) src(%dma_wait3A_320 : memref<128x16xf32, #tpu.memory_space<vmem_shared>>) dst(%dma_wait3A_318 : memref<128x16xf32, #tpu.memory_space<hbm>>)
      tpu.yield
    }) : () -> ()
    return
  }
}

module attributes {stable_mosaic.version = 14 : i64} {
  func.func @body(%arg0: i32, %arg1: memref<8x4096xf32, #tpu.memory_space<vmem>>, %arg2: memref<8x4096xf32, #tpu.memory_space<vmem>>, %arg3: memref<128x24xf32, #tpu.memory_space<vmem>>, %arg4: memref<128x136xf32, #tpu.memory_space<vmem>>, %arg5: memref<8x128xf32, #tpu.memory_space<vmem>>, %arg6: memref<1x8xf32, #tpu.memory_space<vmem>>, %arg7: memref<16x4096xf32, #tpu.memory_space<vmem>>) attributes {dimension_semantics = [#tpu.dimension_semantics<arbitrary>], iteration_bounds = array<i64: 12>, scalar_prefetch = 0 : i64, scratch_operands = 0 : i64, tpu.core_type = #tpu.core_type<tc>, window_params = [{transform_indices = @transform_0, window_bounds = array<i64: 8, 4096>}, {transform_indices = @transform_1, window_bounds = array<i64: 8, 4096>}, {pipeline_mode = #tpu.pipeline_mode<synchronous>, transform_indices = @transform_2, window_bounds = array<i64: 128, 24>}, {pipeline_mode = #tpu.pipeline_mode<synchronous>, transform_indices = @transform_3, window_bounds = array<i64: 128, 136>}, {pipeline_mode = #tpu.pipeline_mode<synchronous>, transform_indices = @transform_4, window_bounds = array<i64: 8, 128>}, {pipeline_mode = #tpu.pipeline_mode<synchronous>, transform_indices = @transform_5, window_bounds = array<i64: 1, 8>}, {transform_indices = @transform_6, window_bounds = array<i64: 16, 4096>}]} {
    %get3A = arith.constant 0 : index
    %get3A_0 = arith.constant 0 : index
    %get3A_1 = vector.load %arg2[%get3A, %get3A_0] : memref<8x4096xf32, #tpu.memory_space<vmem>>, vector<8x4096xf32>
    %slice3A = vector.extract_strided_slice %get3A_1 {offsets = [0, 0], sizes = [1, 4096], strides = [1, 1]} : vector<8x4096xf32> to vector<1x4096xf32>
    %mul3A = arith.constant 0.111111112 : f32
    %mul3A_2 = vector.broadcast %mul3A : f32 to vector<1x4096xf32>
    %mul3A_3 = arith.mulf %slice3A, %mul3A_2 : vector<1x4096xf32>
    %get3A_4 = arith.constant 0 : index
    %get3A_5 = arith.constant 0 : index
    %get3A_6 = vector.load %arg1[%get3A_4, %get3A_5] : memref<8x4096xf32, #tpu.memory_space<vmem>>, vector<8x4096xf32>
    %mul3A_7 = vector.broadcast %mul3A_3 : vector<1x4096xf32> to vector<8x4096xf32>
    %mul3A_8 = arith.mulf %get3A_6, %mul3A_7 : vector<8x4096xf32>
    %mul3A_9 = vector.broadcast %mul3A_3 : vector<1x4096xf32> to vector<8x4096xf32>
    %mul3A_10 = arith.mulf %mul3A_8, %mul3A_9 : vector<8x4096xf32>
    %concatenate3A = tpu.concatenate %get3A_6, %mul3A_8, %mul3A_10 in 0 : vector<8x4096xf32>, vector<8x4096xf32>, vector<8x4096xf32> -> vector<24x4096xf32>
    %get3A_11 = arith.constant 0 : index
    %get3A_12 = arith.constant 0 : index
    %get3A_13 = vector.load %arg3[%get3A_11, %get3A_12] : memref<128x24xf32, #tpu.memory_space<vmem>>, vector<128x24xf32>
    %dot_general3A = arith.constant dense<0.000000e+00> : vector<128x4096xf32>
    %dot_general3A_14 = tpu.matmul %get3A_13, %concatenate3A, %dot_general3A {dimension_numbers = #tpu.dot_dimension_numbers<[1], [0], [0], [1], [0, 0, 1, 1], [], []>, transpose_lhs_hint = false} : vector<128x24xf32>, vector<24x4096xf32>, vector<128x4096xf32> -> vector<128x4096xf32>
    %mul3A_15 = arith.constant 5.000000e-01 : f32
    %mul3A_16 = vector.broadcast %mul3A_15 : f32 to vector<128x4096xf32>
    %mul3A_17 = arith.mulf %mul3A_16, %dot_general3A_14 : vector<128x4096xf32>
    %tanh3A = math.tanh %mul3A_17 : vector<128x4096xf32>
    %mul3A_18 = arith.mulf %mul3A_17, %tanh3A : vector<128x4096xf32>
    %add3A = arith.addf %mul3A_17, %mul3A_18 : vector<128x4096xf32>
    %broadcast_in_dim3A = arith.constant 1.000000e+00 : f32
    %broadcast_in_dim3A_19 = vector.broadcast %broadcast_in_dim3A : f32 to vector<8x4096xf32>
    %concatenate3A_20 = tpu.concatenate %add3A, %broadcast_in_dim3A_19 in 0 : vector<128x4096xf32>, vector<8x4096xf32> -> vector<136x4096xf32>
    %get3A_21 = arith.constant 0 : index
    %get3A_22 = arith.constant 0 : index
    %get3A_23 = vector.load %arg4[%get3A_21, %get3A_22] : memref<128x136xf32, #tpu.memory_space<vmem>>, vector<128x136xf32>
    %dot_general3A_24 = arith.constant dense<0.000000e+00> : vector<128x4096xf32>
    %dot_general3A_25 = tpu.matmul %get3A_23, %concatenate3A_20, %dot_general3A_24 {dimension_numbers = #tpu.dot_dimension_numbers<[1], [0], [0], [1], [0, 0, 1, 1], [], []>, transpose_lhs_hint = false} : vector<128x136xf32>, vector<136x4096xf32>, vector<128x4096xf32> -> vector<128x4096xf32>
    %mul3A_26 = arith.constant 5.000000e-01 : f32
    %mul3A_27 = vector.broadcast %mul3A_26 : f32 to vector<128x4096xf32>
    %mul3A_28 = arith.mulf %mul3A_27, %dot_general3A_25 : vector<128x4096xf32>
    %tanh3A_29 = math.tanh %mul3A_28 : vector<128x4096xf32>
    %mul3A_30 = arith.mulf %mul3A_28, %tanh3A_29 : vector<128x4096xf32>
    %add3A_31 = arith.addf %mul3A_28, %mul3A_30 : vector<128x4096xf32>
    %get3A_32 = arith.constant 0 : index
    %get3A_33 = arith.constant 0 : index
    %get3A_34 = vector.load %arg5[%get3A_32, %get3A_33] : memref<8x128xf32, #tpu.memory_space<vmem>>, vector<8x128xf32>
    %dot_general3A_35 = arith.constant dense<0.000000e+00> : vector<8x4096xf32>
    %dot_general3A_36 = tpu.matmul %get3A_34, %add3A_31, %dot_general3A_35 {dimension_numbers = #tpu.dot_dimension_numbers<[1], [0], [0], [1], [0, 0, 1, 1], [], []>, transpose_lhs_hint = false} : vector<8x128xf32>, vector<128x4096xf32>, vector<8x4096xf32> -> vector<8x4096xf32>
    %slice3A_37 = vector.extract_strided_slice %dot_general3A_36 {offsets = [0, 0], sizes = [1, 4096], strides = [1, 1]} : vector<8x4096xf32> to vector<1x4096xf32>
    %get3A_38 = arith.constant 0 : index
    %get3A_39 = arith.constant 5 : index
    %get3A_40 = vector.load %arg6[%get3A_38, %get3A_39] : memref<1x8xf32, #tpu.memory_space<vmem>>, vector<1x1xf32>
    %get3A_41 = vector.extract %get3A_40[0, 0] : f32 from vector<1x1xf32>
    %add3A_42 = vector.broadcast %get3A_41 : f32 to vector<1x4096xf32>
    %add3A_43 = arith.addf %slice3A_37, %add3A_42 : vector<1x4096xf32>
    %broadcast_in_dim3A_44 = arith.constant 0.000000e+00 : f32
    %broadcast_in_dim3A_45 = vector.broadcast %broadcast_in_dim3A_44 : f32 to vector<1x4096xf32>
    %get3A_46 = arith.constant 0 : index
    %get3A_47 = arith.constant 0 : index
    %get3A_48 = vector.load %arg6[%get3A_46, %get3A_47] : memref<1x8xf32, #tpu.memory_space<vmem>>, vector<1x1xf32>
    %get3A_49 = vector.extract %get3A_48[0, 0] : f32 from vector<1x1xf32>
    %eq3A = arith.constant 0.000000e+00 : f32
    %eq3A_50 = vector.broadcast %eq3A : f32 to vector<1x4096xf32>
    %eq3A_51 = arith.cmpf oeq, %slice3A, %eq3A_50 : vector<1x4096xf32>
    %jit3A = arith.constant 1.000000e+00 : f32
    %jit3A_52 = arith.constant 0.000000e+00 : f32
    %broadcast_in_dim3A_53 = vector.broadcast %jit3A : f32 to vector<1x4096xf32>
    %broadcast_in_dim3A_54 = vector.broadcast %jit3A_52 : f32 to vector<1x4096xf32>
    %select_n3A = arith.select %eq3A_51, %broadcast_in_dim3A_53, %broadcast_in_dim3A_54 : vector<1x4096xi1>, vector<1x4096xf32>
    %mul3A_55 = vector.broadcast %get3A_49 : f32 to vector<1x4096xf32>
    %mul3A_56 = arith.mulf %mul3A_55, %select_n3A : vector<1x4096xf32>
    %add3A_57 = arith.addf %broadcast_in_dim3A_45, %mul3A_56 : vector<1x4096xf32>
    %get3A_58 = arith.constant 0 : index
    %get3A_59 = arith.constant 1 : index
    %get3A_60 = vector.load %arg6[%get3A_58, %get3A_59] : memref<1x8xf32, #tpu.memory_space<vmem>>, vector<1x1xf32>
    %get3A_61 = vector.extract %get3A_60[0, 0] : f32 from vector<1x1xf32>
    %eq3A_62 = arith.constant 1.000000e+00 : f32
    %eq3A_63 = vector.broadcast %eq3A_62 : f32 to vector<1x4096xf32>
    %eq3A_64 = arith.cmpf oeq, %slice3A, %eq3A_63 : vector<1x4096xf32>
    %jit3A_65 = arith.constant 1.000000e+00 : f32
    %jit3A_66 = arith.constant 0.000000e+00 : f32
    %broadcast_in_dim3A_67 = vector.broadcast %jit3A_65 : f32 to vector<1x4096xf32>
    %broadcast_in_dim3A_68 = vector.broadcast %jit3A_66 : f32 to vector<1x4096xf32>
    %select_n3A_69 = arith.select %eq3A_64, %broadcast_in_dim3A_67, %broadcast_in_dim3A_68 : vector<1x4096xi1>, vector<1x4096xf32>
    %mul3A_70 = vector.broadcast %get3A_61 : f32 to vector<1x4096xf32>
    %mul3A_71 = arith.mulf %mul3A_70, %select_n3A_69 : vector<1x4096xf32>
    %add3A_72 = arith.addf %add3A_57, %mul3A_71 : vector<1x4096xf32>
    %get3A_73 = arith.constant 0 : index
    %get3A_74 = arith.constant 2 : index
    %get3A_75 = vector.load %arg6[%get3A_73, %get3A_74] : memref<1x8xf32, #tpu.memory_space<vmem>>, vector<1x1xf32>
    %get3A_76 = vector.extract %get3A_75[0, 0] : f32 from vector<1x1xf32>
    %eq3A_77 = arith.constant 2.000000e+00 : f32
    %eq3A_78 = vector.broadcast %eq3A_77 : f32 to vector<1x4096xf32>
    %eq3A_79 = arith.cmpf oeq, %slice3A, %eq3A_78 : vector<1x4096xf32>
    %jit3A_80 = arith.constant 1.000000e+00 : f32
    %jit3A_81 = arith.constant 0.000000e+00 : f32
    %broadcast_in_dim3A_82 = vector.broadcast %jit3A_80 : f32 to vector<1x4096xf32>
    %broadcast_in_dim3A_83 = vector.broadcast %jit3A_81 : f32 to vector<1x4096xf32>
    %select_n3A_84 = arith.select %eq3A_79, %broadcast_in_dim3A_82, %broadcast_in_dim3A_83 : vector<1x4096xi1>, vector<1x4096xf32>
    %mul3A_85 = vector.broadcast %get3A_76 : f32 to vector<1x4096xf32>
    %mul3A_86 = arith.mulf %mul3A_85, %select_n3A_84 : vector<1x4096xf32>
    %add3A_87 = arith.addf %add3A_72, %mul3A_86 : vector<1x4096xf32>
    %get3A_88 = arith.constant 0 : index
    %get3A_89 = arith.constant 3 : index
    %get3A_90 = vector.load %arg6[%get3A_88, %get3A_89] : memref<1x8xf32, #tpu.memory_space<vmem>>, vector<1x1xf32>
    %get3A_91 = vector.extract %get3A_90[0, 0] : f32 from vector<1x1xf32>
    %eq3A_92 = arith.constant 3.000000e+00 : f32
    %eq3A_93 = vector.broadcast %eq3A_92 : f32 to vector<1x4096xf32>
    %eq3A_94 = arith.cmpf oeq, %slice3A, %eq3A_93 : vector<1x4096xf32>
    %jit3A_95 = arith.constant 1.000000e+00 : f32
    %jit3A_96 = arith.constant 0.000000e+00 : f32
    %broadcast_in_dim3A_97 = vector.broadcast %jit3A_95 : f32 to vector<1x4096xf32>
    %broadcast_in_dim3A_98 = vector.broadcast %jit3A_96 : f32 to vector<1x4096xf32>
    %select_n3A_99 = arith.select %eq3A_94, %broadcast_in_dim3A_97, %broadcast_in_dim3A_98 : vector<1x4096xi1>, vector<1x4096xf32>
    %mul3A_100 = vector.broadcast %get3A_91 : f32 to vector<1x4096xf32>
    %mul3A_101 = arith.mulf %mul3A_100, %select_n3A_99 : vector<1x4096xf32>
    %add3A_102 = arith.addf %add3A_87, %mul3A_101 : vector<1x4096xf32>
    %get3A_103 = arith.constant 0 : index
    %get3A_104 = arith.constant 4 : index
    %get3A_105 = vector.load %arg6[%get3A_103, %get3A_104] : memref<1x8xf32, #tpu.memory_space<vmem>>, vector<1x1xf32>
    %get3A_106 = vector.extract %get3A_105[0, 0] : f32 from vector<1x1xf32>
    %eq3A_107 = arith.constant 4.000000e+00 : f32
    %eq3A_108 = vector.broadcast %eq3A_107 : f32 to vector<1x4096xf32>
    %eq3A_109 = arith.cmpf oeq, %slice3A, %eq3A_108 : vector<1x4096xf32>
    %jit3A_110 = arith.constant 1.000000e+00 : f32
    %jit3A_111 = arith.constant 0.000000e+00 : f32
    %broadcast_in_dim3A_112 = vector.broadcast %jit3A_110 : f32 to vector<1x4096xf32>
    %broadcast_in_dim3A_113 = vector.broadcast %jit3A_111 : f32 to vector<1x4096xf32>
    %select_n3A_114 = arith.select %eq3A_109, %broadcast_in_dim3A_112, %broadcast_in_dim3A_113 : vector<1x4096xi1>, vector<1x4096xf32>
    %mul3A_115 = vector.broadcast %get3A_106 : f32 to vector<1x4096xf32>
    %mul3A_116 = arith.mulf %mul3A_115, %select_n3A_114 : vector<1x4096xf32>
    %add3A_117 = arith.addf %add3A_102, %mul3A_116 : vector<1x4096xf32>
    %iota3A = tpu.iota {dimensions = array<i32: 1>} : vector<1x4096xi32>
    %mul3A_118 = arith.constant 4096 : i32
    %mul3A_119 = arith.muli %arg0, %mul3A_118 : i32
    %add3A_120 = arith.constant 53248 : i32
    %add3A_121 = arith.addi %mul3A_119, %add3A_120 : i32
    %add3A_122 = vector.broadcast %add3A_121 : i32 to vector<1x4096xi32>
    %add3A_123 = arith.addi %iota3A, %add3A_122 : vector<1x4096xi32>
    %lt3A = arith.constant 100000 : i32
    %lt3A_124 = vector.broadcast %lt3A : i32 to vector<1x4096xi32>
    %lt3A_125 = arith.cmpi slt, %add3A_123, %lt3A_124 : vector<1x4096xi32>
    %jit3A_126 = arith.constant 0.000000e+00 : f32
    %broadcast_in_dim3A_127 = vector.broadcast %jit3A_126 : f32 to vector<1x4096xf32>
    %select_n3A_128 = arith.select %lt3A_125, %add3A_43, %broadcast_in_dim3A_127 : vector<1x4096xi1>, vector<1x4096xf32>
    %jit3A_129 = arith.constant 0.000000e+00 : f32
    %broadcast_in_dim3A_130 = vector.broadcast %jit3A_129 : f32 to vector<1x4096xf32>
    %select_n3A_131 = arith.select %lt3A_125, %add3A_117, %broadcast_in_dim3A_130 : vector<1x4096xi1>, vector<1x4096xf32>
    %slice3A_132 = vector.extract_strided_slice %get3A_1 {offsets = [1, 0], sizes = [3, 4096], strides = [1, 1]} : vector<8x4096xf32> to vector<3x4096xf32>
    %mul3A_133 = vector.broadcast %select_n3A_128 : vector<1x4096xf32> to vector<3x4096xf32>
    %mul3A_134 = arith.mulf %mul3A_133, %slice3A_132 : vector<3x4096xf32>
    %mul3A_135 = vector.broadcast %select_n3A_131 : vector<1x4096xf32> to vector<3x4096xf32>
    %mul3A_136 = arith.mulf %mul3A_135, %slice3A_132 : vector<3x4096xf32>
    %broadcast_in_dim3A_137 = arith.constant 0.000000e+00 : f32
    %broadcast_in_dim3A_138 = vector.broadcast %broadcast_in_dim3A_137 : f32 to vector<8x4096xf32>
    %concatenate3A_139 = tpu.concatenate %mul3A_134, %select_n3A_128, %mul3A_136, %select_n3A_131, %broadcast_in_dim3A_138 in 0 : vector<3x4096xf32>, vector<1x4096xf32>, vector<3x4096xf32>, vector<1x4096xf32>, vector<8x4096xf32> -> vector<16x4096xf32>
    %swap3A = arith.constant 0 : index
    %swap3A_140 = arith.constant 0 : index
    %swap3A_141 = vector.load %arg7[%swap3A, %swap3A_140] : memref<16x4096xf32, #tpu.memory_space<vmem>>, vector<16x4096xf32>
    tpu.vector_store %arg7[%swap3A, %swap3A_140], %concatenate3A_139 {strides = array<i32>} : memref<16x4096xf32, #tpu.memory_space<vmem>>, vector<16x4096xf32>,
    return
  }
  func.func @transform_0(%arg0: i32) -> (i32, i32) {
    %add3A = arith.constant 13 : i32
    %add3A_0 = arith.addi %add3A, %arg0 : i32
    %c0_i32 = arith.constant 0 : i32
    %c0_i32_1 = arith.constant 0 : i32
    return %c0_i32, %add3A_0 : i32, i32
  }
  func.func @transform_1(%arg0: i32) -> (i32, i32) {
    %add3A = arith.constant 13 : i32
    %add3A_0 = arith.addi %add3A, %arg0 : i32
    %c0_i32 = arith.constant 0 : i32
    %c0_i32_1 = arith.constant 0 : i32
    return %c0_i32, %add3A_0 : i32, i32
  }
  func.func @transform_2(%arg0: i32) -> (i32, i32) {
    %c0_i32 = arith.constant 0 : i32
    %c0_i32_0 = arith.constant 0 : i32
    %c0_i32_1 = arith.constant 0 : i32
    return %c0_i32, %c0_i32_0 : i32, i32
  }
  func.func @transform_3(%arg0: i32) -> (i32, i32) {
    %c0_i32 = arith.constant 0 : i32
    %c0_i32_0 = arith.constant 0 : i32
    %c0_i32_1 = arith.constant 0 : i32
    return %c0_i32, %c0_i32_0 : i32, i32
  }
  func.func @transform_4(%arg0: i32) -> (i32, i32) {
    %c0_i32 = arith.constant 0 : i32
    %c0_i32_0 = arith.constant 0 : i32
    %c0_i32_1 = arith.constant 0 : i32
    return %c0_i32, %c0_i32_0 : i32, i32
  }
  func.func @transform_5(%arg0: i32) -> (i32, i32) {
    %c0_i32 = arith.constant 0 : i32
    %c0_i32_0 = arith.constant 0 : i32
    %c0_i32_1 = arith.constant 0 : i32
    return %c0_i32, %c0_i32_0 : i32, i32
  }
  func.func @transform_6(%arg0: i32) -> (i32, i32) {
    %c0_i32 = arith.constant 0 : i32
    %c0_i32_0 = arith.constant 0 : i32
    return %c0_i32, %arg0 : i32, i32
  }
}

module attributes {stable_mosaic.version = 14 : i64} {
  func.func @body(%arg0: i32, %arg1: memref<8x4096xf32, #tpu.memory_space<vmem>>, %arg2: memref<8x4096xf32, #tpu.memory_space<vmem>>, %arg3: memref<128x24xf32, #tpu.memory_space<vmem>>, %arg4: memref<128x136xf32, #tpu.memory_space<vmem>>, %arg5: memref<8x128xf32, #tpu.memory_space<vmem>>, %arg6: memref<1x8xf32, #tpu.memory_space<vmem>>, %arg7: memref<16x4096xf32, #tpu.memory_space<vmem>>) attributes {dimension_semantics = [#tpu.dimension_semantics<arbitrary>], iteration_bounds = array<i64: 13>, scalar_prefetch = 0 : i64, scratch_operands = 0 : i64, tpu.core_type = #tpu.core_type<tc>, window_params = [{transform_indices = @transform_0, window_bounds = array<i64: 8, 4096>}, {transform_indices = @transform_1, window_bounds = array<i64: 8, 4096>}, {pipeline_mode = #tpu.pipeline_mode<synchronous>, transform_indices = @transform_2, window_bounds = array<i64: 128, 24>}, {pipeline_mode = #tpu.pipeline_mode<synchronous>, transform_indices = @transform_3, window_bounds = array<i64: 128, 136>}, {pipeline_mode = #tpu.pipeline_mode<synchronous>, transform_indices = @transform_4, window_bounds = array<i64: 8, 128>}, {pipeline_mode = #tpu.pipeline_mode<synchronous>, transform_indices = @transform_5, window_bounds = array<i64: 1, 8>}, {transform_indices = @transform_6, window_bounds = array<i64: 16, 4096>}]} {
    %get3A = arith.constant 0 : index
    %get3A_0 = arith.constant 0 : index
    %get3A_1 = vector.load %arg2[%get3A, %get3A_0] : memref<8x4096xf32, #tpu.memory_space<vmem>>, vector<8x4096xf32>
    %slice3A = vector.extract_strided_slice %get3A_1 {offsets = [0, 0], sizes = [1, 4096], strides = [1, 1]} : vector<8x4096xf32> to vector<1x4096xf32>
    %mul3A = arith.constant 0.111111112 : f32
    %mul3A_2 = vector.broadcast %mul3A : f32 to vector<1x4096xf32>
    %mul3A_3 = arith.mulf %slice3A, %mul3A_2 : vector<1x4096xf32>
    %get3A_4 = arith.constant 0 : index
    %get3A_5 = arith.constant 0 : index
    %get3A_6 = vector.load %arg1[%get3A_4, %get3A_5] : memref<8x4096xf32, #tpu.memory_space<vmem>>, vector<8x4096xf32>
    %mul3A_7 = vector.broadcast %mul3A_3 : vector<1x4096xf32> to vector<8x4096xf32>
    %mul3A_8 = arith.mulf %get3A_6, %mul3A_7 : vector<8x4096xf32>
    %mul3A_9 = vector.broadcast %mul3A_3 : vector<1x4096xf32> to vector<8x4096xf32>
    %mul3A_10 = arith.mulf %mul3A_8, %mul3A_9 : vector<8x4096xf32>
    %concatenate3A = tpu.concatenate %get3A_6, %mul3A_8, %mul3A_10 in 0 : vector<8x4096xf32>, vector<8x4096xf32>, vector<8x4096xf32> -> vector<24x4096xf32>
    %get3A_11 = arith.constant 0 : index
    %get3A_12 = arith.constant 0 : index
    %get3A_13 = vector.load %arg3[%get3A_11, %get3A_12] : memref<128x24xf32, #tpu.memory_space<vmem>>, vector<128x24xf32>
    %dot_general3A = arith.constant dense<0.000000e+00> : vector<128x4096xf32>
    %dot_general3A_14 = tpu.matmul %get3A_13, %concatenate3A, %dot_general3A {dimension_numbers = #tpu.dot_dimension_numbers<[1], [0], [0], [1], [0, 0, 1, 1], [], []>, transpose_lhs_hint = false} : vector<128x24xf32>, vector<24x4096xf32>, vector<128x4096xf32> -> vector<128x4096xf32>
    %mul3A_15 = arith.constant 5.000000e-01 : f32
    %mul3A_16 = vector.broadcast %mul3A_15 : f32 to vector<128x4096xf32>
    %mul3A_17 = arith.mulf %mul3A_16, %dot_general3A_14 : vector<128x4096xf32>
    %tanh3A = math.tanh %mul3A_17 : vector<128x4096xf32>
    %mul3A_18 = arith.mulf %mul3A_17, %tanh3A : vector<128x4096xf32>
    %add3A = arith.addf %mul3A_17, %mul3A_18 : vector<128x4096xf32>
    %broadcast_in_dim3A = arith.constant 1.000000e+00 : f32
    %broadcast_in_dim3A_19 = vector.broadcast %broadcast_in_dim3A : f32 to vector<8x4096xf32>
    %concatenate3A_20 = tpu.concatenate %add3A, %broadcast_in_dim3A_19 in 0 : vector<128x4096xf32>, vector<8x4096xf32> -> vector<136x4096xf32>
    %get3A_21 = arith.constant 0 : index
    %get3A_22 = arith.constant 0 : index
    %get3A_23 = vector.load %arg4[%get3A_21, %get3A_22] : memref<128x136xf32, #tpu.memory_space<vmem>>, vector<128x136xf32>
    %dot_general3A_24 = arith.constant dense<0.000000e+00> : vector<128x4096xf32>
    %dot_general3A_25 = tpu.matmul %get3A_23, %concatenate3A_20, %dot_general3A_24 {dimension_numbers = #tpu.dot_dimension_numbers<[1], [0], [0], [1], [0, 0, 1, 1], [], []>, transpose_lhs_hint = false} : vector<128x136xf32>, vector<136x4096xf32>, vector<128x4096xf32> -> vector<128x4096xf32>
    %mul3A_26 = arith.constant 5.000000e-01 : f32
    %mul3A_27 = vector.broadcast %mul3A_26 : f32 to vector<128x4096xf32>
    %mul3A_28 = arith.mulf %mul3A_27, %dot_general3A_25 : vector<128x4096xf32>
    %tanh3A_29 = math.tanh %mul3A_28 : vector<128x4096xf32>
    %mul3A_30 = arith.mulf %mul3A_28, %tanh3A_29 : vector<128x4096xf32>
    %add3A_31 = arith.addf %mul3A_28, %mul3A_30 : vector<128x4096xf32>
    %get3A_32 = arith.constant 0 : index
    %get3A_33 = arith.constant 0 : index
    %get3A_34 = vector.load %arg5[%get3A_32, %get3A_33] : memref<8x128xf32, #tpu.memory_space<vmem>>, vector<8x128xf32>
    %dot_general3A_35 = arith.constant dense<0.000000e+00> : vector<8x4096xf32>
    %dot_general3A_36 = tpu.matmul %get3A_34, %add3A_31, %dot_general3A_35 {dimension_numbers = #tpu.dot_dimension_numbers<[1], [0], [0], [1], [0, 0, 1, 1], [], []>, transpose_lhs_hint = false} : vector<8x128xf32>, vector<128x4096xf32>, vector<8x4096xf32> -> vector<8x4096xf32>
    %slice3A_37 = vector.extract_strided_slice %dot_general3A_36 {offsets = [0, 0], sizes = [1, 4096], strides = [1, 1]} : vector<8x4096xf32> to vector<1x4096xf32>
    %get3A_38 = arith.constant 0 : index
    %get3A_39 = arith.constant 5 : index
    %get3A_40 = vector.load %arg6[%get3A_38, %get3A_39] : memref<1x8xf32, #tpu.memory_space<vmem>>, vector<1x1xf32>
    %get3A_41 = vector.extract %get3A_40[0, 0] : f32 from vector<1x1xf32>
    %add3A_42 = vector.broadcast %get3A_41 : f32 to vector<1x4096xf32>
    %add3A_43 = arith.addf %slice3A_37, %add3A_42 : vector<1x4096xf32>
    %broadcast_in_dim3A_44 = arith.constant 0.000000e+00 : f32
    %broadcast_in_dim3A_45 = vector.broadcast %broadcast_in_dim3A_44 : f32 to vector<1x4096xf32>
    %get3A_46 = arith.constant 0 : index
    %get3A_47 = arith.constant 0 : index
    %get3A_48 = vector.load %arg6[%get3A_46, %get3A_47] : memref<1x8xf32, #tpu.memory_space<vmem>>, vector<1x1xf32>
    %get3A_49 = vector.extract %get3A_48[0, 0] : f32 from vector<1x1xf32>
    %eq3A = arith.constant 0.000000e+00 : f32
    %eq3A_50 = vector.broadcast %eq3A : f32 to vector<1x4096xf32>
    %eq3A_51 = arith.cmpf oeq, %slice3A, %eq3A_50 : vector<1x4096xf32>
    %jit3A = arith.constant 1.000000e+00 : f32
    %jit3A_52 = arith.constant 0.000000e+00 : f32
    %broadcast_in_dim3A_53 = vector.broadcast %jit3A : f32 to vector<1x4096xf32>
    %broadcast_in_dim3A_54 = vector.broadcast %jit3A_52 : f32 to vector<1x4096xf32>
    %select_n3A = arith.select %eq3A_51, %broadcast_in_dim3A_53, %broadcast_in_dim3A_54 : vector<1x4096xi1>, vector<1x4096xf32>
    %mul3A_55 = vector.broadcast %get3A_49 : f32 to vector<1x4096xf32>
    %mul3A_56 = arith.mulf %mul3A_55, %select_n3A : vector<1x4096xf32>
    %add3A_57 = arith.addf %broadcast_in_dim3A_45, %mul3A_56 : vector<1x4096xf32>
    %get3A_58 = arith.constant 0 : index
    %get3A_59 = arith.constant 1 : index
    %get3A_60 = vector.load %arg6[%get3A_58, %get3A_59] : memref<1x8xf32, #tpu.memory_space<vmem>>, vector<1x1xf32>
    %get3A_61 = vector.extract %get3A_60[0, 0] : f32 from vector<1x1xf32>
    %eq3A_62 = arith.constant 1.000000e+00 : f32
    %eq3A_63 = vector.broadcast %eq3A_62 : f32 to vector<1x4096xf32>
    %eq3A_64 = arith.cmpf oeq, %slice3A, %eq3A_63 : vector<1x4096xf32>
    %jit3A_65 = arith.constant 1.000000e+00 : f32
    %jit3A_66 = arith.constant 0.000000e+00 : f32
    %broadcast_in_dim3A_67 = vector.broadcast %jit3A_65 : f32 to vector<1x4096xf32>
    %broadcast_in_dim3A_68 = vector.broadcast %jit3A_66 : f32 to vector<1x4096xf32>
    %select_n3A_69 = arith.select %eq3A_64, %broadcast_in_dim3A_67, %broadcast_in_dim3A_68 : vector<1x4096xi1>, vector<1x4096xf32>
    %mul3A_70 = vector.broadcast %get3A_61 : f32 to vector<1x4096xf32>
    %mul3A_71 = arith.mulf %mul3A_70, %select_n3A_69 : vector<1x4096xf32>
    %add3A_72 = arith.addf %add3A_57, %mul3A_71 : vector<1x4096xf32>
    %get3A_73 = arith.constant 0 : index
    %get3A_74 = arith.constant 2 : index
    %get3A_75 = vector.load %arg6[%get3A_73, %get3A_74] : memref<1x8xf32, #tpu.memory_space<vmem>>, vector<1x1xf32>
    %get3A_76 = vector.extract %get3A_75[0, 0] : f32 from vector<1x1xf32>
    %eq3A_77 = arith.constant 2.000000e+00 : f32
    %eq3A_78 = vector.broadcast %eq3A_77 : f32 to vector<1x4096xf32>
    %eq3A_79 = arith.cmpf oeq, %slice3A, %eq3A_78 : vector<1x4096xf32>
    %jit3A_80 = arith.constant 1.000000e+00 : f32
    %jit3A_81 = arith.constant 0.000000e+00 : f32
    %broadcast_in_dim3A_82 = vector.broadcast %jit3A_80 : f32 to vector<1x4096xf32>
    %broadcast_in_dim3A_83 = vector.broadcast %jit3A_81 : f32 to vector<1x4096xf32>
    %select_n3A_84 = arith.select %eq3A_79, %broadcast_in_dim3A_82, %broadcast_in_dim3A_83 : vector<1x4096xi1>, vector<1x4096xf32>
    %mul3A_85 = vector.broadcast %get3A_76 : f32 to vector<1x4096xf32>
    %mul3A_86 = arith.mulf %mul3A_85, %select_n3A_84 : vector<1x4096xf32>
    %add3A_87 = arith.addf %add3A_72, %mul3A_86 : vector<1x4096xf32>
    %get3A_88 = arith.constant 0 : index
    %get3A_89 = arith.constant 3 : index
    %get3A_90 = vector.load %arg6[%get3A_88, %get3A_89] : memref<1x8xf32, #tpu.memory_space<vmem>>, vector<1x1xf32>
    %get3A_91 = vector.extract %get3A_90[0, 0] : f32 from vector<1x1xf32>
    %eq3A_92 = arith.constant 3.000000e+00 : f32
    %eq3A_93 = vector.broadcast %eq3A_92 : f32 to vector<1x4096xf32>
    %eq3A_94 = arith.cmpf oeq, %slice3A, %eq3A_93 : vector<1x4096xf32>
    %jit3A_95 = arith.constant 1.000000e+00 : f32
    %jit3A_96 = arith.constant 0.000000e+00 : f32
    %broadcast_in_dim3A_97 = vector.broadcast %jit3A_95 : f32 to vector<1x4096xf32>
    %broadcast_in_dim3A_98 = vector.broadcast %jit3A_96 : f32 to vector<1x4096xf32>
    %select_n3A_99 = arith.select %eq3A_94, %broadcast_in_dim3A_97, %broadcast_in_dim3A_98 : vector<1x4096xi1>, vector<1x4096xf32>
    %mul3A_100 = vector.broadcast %get3A_91 : f32 to vector<1x4096xf32>
    %mul3A_101 = arith.mulf %mul3A_100, %select_n3A_99 : vector<1x4096xf32>
    %add3A_102 = arith.addf %add3A_87, %mul3A_101 : vector<1x4096xf32>
    %get3A_103 = arith.constant 0 : index
    %get3A_104 = arith.constant 4 : index
    %get3A_105 = vector.load %arg6[%get3A_103, %get3A_104] : memref<1x8xf32, #tpu.memory_space<vmem>>, vector<1x1xf32>
    %get3A_106 = vector.extract %get3A_105[0, 0] : f32 from vector<1x1xf32>
    %eq3A_107 = arith.constant 4.000000e+00 : f32
    %eq3A_108 = vector.broadcast %eq3A_107 : f32 to vector<1x4096xf32>
    %eq3A_109 = arith.cmpf oeq, %slice3A, %eq3A_108 : vector<1x4096xf32>
    %jit3A_110 = arith.constant 1.000000e+00 : f32
    %jit3A_111 = arith.constant 0.000000e+00 : f32
    %broadcast_in_dim3A_112 = vector.broadcast %jit3A_110 : f32 to vector<1x4096xf32>
    %broadcast_in_dim3A_113 = vector.broadcast %jit3A_111 : f32 to vector<1x4096xf32>
    %select_n3A_114 = arith.select %eq3A_109, %broadcast_in_dim3A_112, %broadcast_in_dim3A_113 : vector<1x4096xi1>, vector<1x4096xf32>
    %mul3A_115 = vector.broadcast %get3A_106 : f32 to vector<1x4096xf32>
    %mul3A_116 = arith.mulf %mul3A_115, %select_n3A_114 : vector<1x4096xf32>
    %add3A_117 = arith.addf %add3A_102, %mul3A_116 : vector<1x4096xf32>
    %iota3A = tpu.iota {dimensions = array<i32: 1>} : vector<1x4096xi32>
    %mul3A_118 = arith.constant 4096 : i32
    %mul3A_119 = arith.muli %arg0, %mul3A_118 : i32
    %add3A_120 = arith.constant 0 : i32
    %add3A_121 = arith.addi %mul3A_119, %add3A_120 : i32
    %add3A_122 = vector.broadcast %add3A_121 : i32 to vector<1x4096xi32>
    %add3A_123 = arith.addi %iota3A, %add3A_122 : vector<1x4096xi32>
    %lt3A = arith.constant 100000 : i32
    %lt3A_124 = vector.broadcast %lt3A : i32 to vector<1x4096xi32>
    %lt3A_125 = arith.cmpi slt, %add3A_123, %lt3A_124 : vector<1x4096xi32>
    %jit3A_126 = arith.constant 0.000000e+00 : f32
    %broadcast_in_dim3A_127 = vector.broadcast %jit3A_126 : f32 to vector<1x4096xf32>
    %select_n3A_128 = arith.select %lt3A_125, %add3A_43, %broadcast_in_dim3A_127 : vector<1x4096xi1>, vector<1x4096xf32>
    %jit3A_129 = arith.constant 0.000000e+00 : f32
    %broadcast_in_dim3A_130 = vector.broadcast %jit3A_129 : f32 to vector<1x4096xf32>
    %select_n3A_131 = arith.select %lt3A_125, %add3A_117, %broadcast_in_dim3A_130 : vector<1x4096xi1>, vector<1x4096xf32>
    %slice3A_132 = vector.extract_strided_slice %get3A_1 {offsets = [1, 0], sizes = [3, 4096], strides = [1, 1]} : vector<8x4096xf32> to vector<3x4096xf32>
    %mul3A_133 = vector.broadcast %select_n3A_128 : vector<1x4096xf32> to vector<3x4096xf32>
    %mul3A_134 = arith.mulf %mul3A_133, %slice3A_132 : vector<3x4096xf32>
    %mul3A_135 = vector.broadcast %select_n3A_131 : vector<1x4096xf32> to vector<3x4096xf32>
    %mul3A_136 = arith.mulf %mul3A_135, %slice3A_132 : vector<3x4096xf32>
    %broadcast_in_dim3A_137 = arith.constant 0.000000e+00 : f32
    %broadcast_in_dim3A_138 = vector.broadcast %broadcast_in_dim3A_137 : f32 to vector<8x4096xf32>
    %concatenate3A_139 = tpu.concatenate %mul3A_134, %select_n3A_128, %mul3A_136, %select_n3A_131, %broadcast_in_dim3A_138 in 0 : vector<3x4096xf32>, vector<1x4096xf32>, vector<3x4096xf32>, vector<1x4096xf32>, vector<8x4096xf32> -> vector<16x4096xf32>
    %swap3A = arith.constant 0 : index
    %swap3A_140 = arith.constant 0 : index
    %swap3A_141 = vector.load %arg7[%swap3A, %swap3A_140] : memref<16x4096xf32, #tpu.memory_space<vmem>>, vector<16x4096xf32>
    tpu.vector_store %arg7[%swap3A, %swap3A_140], %concatenate3A_139 {strides = array<i32>} : memref<16x4096xf32, #tpu.memory_space<vmem>>, vector<16x4096xf32>,
    return
  }
  func.func @transform_0(%arg0: i32) -> (i32, i32) {
    %add3A = arith.constant 0 : i32
    %add3A_0 = arith.addi %add3A, %arg0 : i32
    %c0_i32 = arith.constant 0 : i32
    %c0_i32_1 = arith.constant 0 : i32
    return %c0_i32, %add3A_0 : i32, i32
  }
  func.func @transform_1(%arg0: i32) -> (i32, i32) {
    %add3A = arith.constant 0 : i32
    %add3A_0 = arith.addi %add3A, %arg0 : i32
    %c0_i32 = arith.constant 0 : i32
    %c0_i32_1 = arith.constant 0 : i32
    return %c0_i32, %add3A_0 : i32, i32
  }
  func.func @transform_2(%arg0: i32) -> (i32, i32) {
    %c0_i32 = arith.constant 0 : i32
    %c0_i32_0 = arith.constant 0 : i32
    %c0_i32_1 = arith.constant 0 : i32
    return %c0_i32, %c0_i32_0 : i32, i32
  }
  func.func @transform_3(%arg0: i32) -> (i32, i32) {
    %c0_i32 = arith.constant 0 : i32
    %c0_i32_0 = arith.constant 0 : i32
    %c0_i32_1 = arith.constant 0 : i32
    return %c0_i32, %c0_i32_0 : i32, i32
  }
  func.func @transform_4(%arg0: i32) -> (i32, i32) {
    %c0_i32 = arith.constant 0 : i32
    %c0_i32_0 = arith.constant 0 : i32
    %c0_i32_1 = arith.constant 0 : i32
    return %c0_i32, %c0_i32_0 : i32, i32
  }
  func.func @transform_5(%arg0: i32) -> (i32, i32) {
    %c0_i32 = arith.constant 0 : i32
    %c0_i32_0 = arith.constant 0 : i32
    %c0_i32_1 = arith.constant 0 : i32
    return %c0_i32, %c0_i32_0 : i32, i32
  }
  func.func @transform_6(%arg0: i32) -> (i32, i32) {
    %c0_i32 = arith.constant 0 : i32
    %c0_i32_0 = arith.constant 0 : i32
    return %c0_i32, %arg0 : i32, i32
  }
}

module attributes {stable_mosaic.version = 14 : i64} {
  func.func @_combine_body(%arg0: memref<2x2048x16xf32, #tpu.memory_space<vmem>>, %arg1: memref<2x2048x16xf32, #tpu.memory_space<vmem>>, %arg2: memref<2048x1xf32, #tpu.memory_space<vmem>>) attributes {dimension_semantics = [], scalar_prefetch = 0 : i64, scratch_operands = 0 : i64, tpu.core_type = #tpu.core_type<tc>} {
    %get3A = arith.constant 0 : index
    %get3A_0 = arith.constant 0 : index
    %get3A_1 = arith.constant 0 : index
    %get3A_2 = vector.load %arg0[%get3A, %get3A_0, %get3A_1] : memref<2x2048x16xf32, #tpu.memory_space<vmem>>, vector<1x2048x16xf32>
    %get3A_3 = vector.shape_cast %get3A_2 : vector<1x2048x16xf32> to vector<2048x16xf32>
    %get3A_4 = arith.constant 1 : index
    %get3A_5 = arith.constant 0 : index
    %get3A_6 = arith.constant 0 : index
    %get3A_7 = vector.load %arg0[%get3A_4, %get3A_5, %get3A_6] : memref<2x2048x16xf32, #tpu.memory_space<vmem>>, vector<1x2048x16xf32>
    %get3A_8 = vector.shape_cast %get3A_7 : vector<1x2048x16xf32> to vector<2048x16xf32>
    %add3A = arith.addf %get3A_3, %get3A_8 : vector<2048x16xf32>
    %get3A_9 = arith.constant 0 : index
    %get3A_10 = arith.constant 0 : index
    %get3A_11 = arith.constant 0 : index
    %get3A_12 = vector.load %arg1[%get3A_9, %get3A_10, %get3A_11] : memref<2x2048x16xf32, #tpu.memory_space<vmem>>, vector<1x2048x16xf32>
    %get3A_13 = vector.shape_cast %get3A_12 : vector<1x2048x16xf32> to vector<2048x16xf32>
    %add3A_14 = arith.addf %add3A, %get3A_13 : vector<2048x16xf32>
    %get3A_15 = arith.constant 1 : index
    %get3A_16 = arith.constant 0 : index
    %get3A_17 = arith.constant 0 : index
    %get3A_18 = vector.load %arg1[%get3A_15, %get3A_16, %get3A_17] : memref<2x2048x16xf32, #tpu.memory_space<vmem>>, vector<1x2048x16xf32>
    %get3A_19 = vector.shape_cast %get3A_18 : vector<1x2048x16xf32> to vector<2048x16xf32>
    %add3A_20 = arith.addf %add3A_14, %get3A_19 : vector<2048x16xf32>
    %slice3A = vector.extract_strided_slice %add3A_20 {offsets = [0, 0], sizes = [2048, 3], strides = [1, 1]} : vector<2048x16xf32> to vector<2048x3xf32>
    %slice3A_21 = vector.extract_strided_slice %add3A_20 {offsets = [0, 3], sizes = [2048, 1], strides = [1, 1]} : vector<2048x16xf32> to vector<2048x1xf32>
    %slice3A_22 = vector.extract_strided_slice %add3A_20 {offsets = [0, 4], sizes = [2048, 3], strides = [1, 1]} : vector<2048x16xf32> to vector<2048x3xf32>
    %slice3A_23 = vector.extract_strided_slice %add3A_20 {offsets = [0, 7], sizes = [2048, 1], strides = [1, 1]} : vector<2048x16xf32> to vector<2048x1xf32>
    %add3A_24 = arith.constant 9.99999996E-13 : f32
    %add3A_25 = vector.broadcast %add3A_24 : f32 to vector<2048x1xf32>
    %add3A_26 = arith.addf %slice3A_23, %add3A_25 : vector<2048x1xf32>
    %div3A = vector.broadcast %add3A_26 : vector<2048x1xf32> to vector<2048x3xf32>
    %div3A_27 = arith.divf %slice3A_22, %div3A : vector<2048x3xf32>
    %mul3A = vector.broadcast %slice3A_21 : vector<2048x1xf32> to vector<2048x3xf32>
    %mul3A_28 = arith.mulf %div3A_27, %mul3A : vector<2048x3xf32>
    %sub3A = arith.subf %slice3A, %mul3A_28 : vector<2048x3xf32>
    %mul3A_29 = arith.mulf %sub3A, %sub3A : vector<2048x3xf32>
    %reduce_sum3A = arith.constant dense<0.000000e+00> : vector<2048xf32>
    %reduce_sum3A_30 = vector.multi_reduction <add>, %mul3A_29, %reduce_sum3A [1] : vector<2048x3xf32> to vector<2048xf32>
    %broadcast_in_dim3A = vector.shape_cast %reduce_sum3A_30 : vector<2048xf32> to vector<2048x1xf32>
    %sqrt3A = math.sqrt %broadcast_in_dim3A : vector<2048x1xf32>
    %swap3A = arith.constant 0 : index
    %swap3A_31 = arith.constant 0 : index
    %swap3A_32 = vector.load %arg2[%swap3A, %swap3A_31] : memref<2048x1xf32, #tpu.memory_space<vmem>>, vector<2048x1xf32>
    tpu.vector_store %arg2[%swap3A, %swap3A_31], %sqrt3A {strides = array<i32>} : memref<2048x1xf32, #tpu.memory_space<vmem>>, vector<2048x1xf32>,
    return
  }
}

</mosaic_0001>

<sc_bundles>
// kernel: kernel.10.cloned.1.call-start
scs
__scs_entry_jumppad:
0x0: {  	(pc) =	sbr.rel $0x88, $3  }
0x1: {  	(tag) =	ssettag $0x0;
	lr =	simm.s32 $0x1  }
0x2: {  	[smem:$0x3F94] =	sst lr;
	_ =	strace $0xD0000000  }
0x3: {  	_ = 	snop  }
0x4: {  	_ = 	snop  }
0x5: {  	_ = 	snop  }
0x6: {  	_ = 	snop  }
0x7: {  	_ = 	snop  }
__scs_overlays_trampoline_lowered:
0x8: {  	[smem:$0x3FA3] =	sst s0  }
0x9: {  	[smem:$0x3FA4] =	sst s1  }
0xa: {  	[smem:$0x3FA5] =	sst s2  }
0xb: {  	[smem:$0x3FA6] =	sst s3  }
0xc: {  	[smem:$0x3FA7] =	sst s4  }
0xd: {  	[smem:$0x3FA8] =	sst s5  }
0xe: {  	[smem:$0x3FA9] =	sst s6  }
0xf: {  	[smem:$0x3FAA] =	sst s7  }
0x10: {  	[smem:$0x3FAB] =	sst s8  }
0x11: {  	[smem:$0x3FAC] =	sst s9;
	s0 =	simm.s32 @!p0 $0x0  }
0x12: {  	s1 =	sld [smem:$0x3F92];
	s0 =	simm.s32 @p0 $0x1  }
0x13: {  	[smem:$0x3FAD] =	sst s0;
	s0 =	simm.s32 @!p1 $0x0  }
0x14: {  	s2 =	sld [smem:$0x3F91];
	s0 =	simm.s32 @p1 $0x1  }
0x15: {  	[smem:$0x3FAE] =	sst s0;
	s0 =	simm.s32 @!p2 $0x0  }
0x16: {  	s3 =	sld [smem:$0x3FDB];
	s0 =	simm.s32 @p2 $0x1  }
0x17: {  	s4 =	simm.s32 $0x1BF5;
	[smem:$0x3FB0] =	sst s0  }
0x18: {  	s0 =	sld [smem:$0x3F93];
	_ =	swait.ge [sflag:s4], $0x0  }
0x19: {  	s7 =	sld [smem:$0x3F94]  }
0x1a: {  	s8 =	sadd.s32 $0xFFFFE003, lr  }
0x1b: {  	s9 =	sadd.s32 $0xFFFFFEF7, lr;
	s5 =	simm.s32 $0xFFFFFFFF;
	p2 =	slt.u32 s8, $0xFFFFF086  }
0x1c: {  	p1 =	slt.u32 s9, $0xF7A;
	s5 =	simm.s32 @!p2 $0x0  }
0x1d: {  	s5 =	simm.s32 @p1 $0x1;
	p0 =	seq.s32 s7, s2  }
0x1e: {  	s7 =	smul.u32 @!p0 $0xF7A, s2;
	p2 =	seq.s32 @!p0 s5, $0x0  }
0x1f: {  	s9 =	smul.u32 $0xF7A, s1;
	s8 =	simm.s32 @!p0 $0x1BF5;
	p2 =	por !p2, p0  }
0x20: {  	[sflag:s8] =	ssyncset.s32 @!p0 $0xFFFFF086;
	s6 =	sadd.s32 @!p0 s3, s7;
	s7 =	simm.s32 @!p0 $0x108  }
0x21: {  	s3 =	sadd.s32 s3, s9;
	s6 =	sadd.s32 @!p0 $0x88, s6;
	s7 =	simm.s32 @p2 $0x1082  }
0x22: {  	[simem:s7], [sflag:s8] =	dma.local @!p0 [hbm:s6], $0xF7A  }
0x23: {  	s9 =	sor.u32 $0xD0000000, s2;
	s6 =	simm.s32 $0x108;
	_ =	swait.ge @!p0 [sflag:s8], $0x0  }
0x24: {  	s3 =	sadd.s32 $0x88, s3;
	s6 =	simm.s32 @!p1 $0x1082;
	[sflag:s4] =	ssyncset.s32 $0xFFFFF086  }
0x25: {  	[simem:s6], [sflag:s4] =	dma.local [hbm:s3], $0xF7A  }
0x26: {  	[smem:$0x3F94] =	sst s1;
	(tag) =	ssettag s2;
	_ =	strace s9  }
0x27: {  	s1 =	sld [smem:$0x3FA4]  }
0x28: {  	s2 =	sld [smem:$0x3FA5]  }
0x29: {  	s4 =	sld [smem:$0x3FA7]  }
0x2a: {  	p0 =	seq.s32 s5, $0x0;
	s5 =	sld [smem:$0x3FA8]  }
0x2b: {  	s6 =	sld [smem:$0x3FA9]  }
0x2c: {  	s7 =	sld [smem:$0x3FAA]  }
0x2d: {  	s3 =	simm.s32 $0x108;
	s8 =	sld [smem:$0x3FAB]  }
0x2e: {  	s3 =	simm.s32 @!p0 $0x1082;
	s9 =	sld [smem:$0x3FAC]  }
0x2f: {  	lr =	sadd.s32 s0, s3;
	s0 =	sld [smem:$0x3FA3]  }
0x30: {  	s3 =	sld [smem:$0x3FA6]  }
0x31: {  	[smem:$0x3FAF] =	sst s10  }
0x32: {  	s10 =	sld [smem:$0x3FAD];
	_ =	sdelay $0x3  }
0x33: {  	p0 =	seq.s32 s10, $0x1;
	s10 =	sld [smem:$0x3FAF];
	_ =	sdelay $0x3  }
0x34: {  	[smem:$0x3FAF] =	sst s10  }
0x35: {  	s10 =	sld [smem:$0x3FAE];
	_ =	sdelay $0x3  }
0x36: {  	p1 =	seq.s32 s10, $0x1;
	s10 =	sld [smem:$0x3FAF];
	_ =	sdelay $0x3  }
0x37: {  	[smem:$0x3FAF] =	sst s10  }
0x38: {  	s10 =	sld [smem:$0x3FB0]  }
0x39: {  	_ = 	snop;
	(pc) =	sbr.ind lr, $3  }
0x3a: {  	_ = 	snop  }
0x3b: {  	_ = 	snop  }
0x3c: {  	p2 =	seq.s32 s10, $0x1;
	s10 =	sld [smem:$0x3FAF]  }
0x3d: {  	_ =	shalt  }
0x3e: {  	_ =	shalt  }
0x3f: {  	_ =	shalt  }
0x40: {  	_ =	shalt  }
0x41: {  	_ =	shalt  }
0x42: {  	_ =	shalt  }
0x43: {  	_ =	shalt  }
0x44: {  	_ =	shalt  }
0x45: {  	_ =	shalt  }
0x46: {  	_ =	shalt  }
0x47: {  	_ =	shalt  }
0x48: {  	_ =	shalt  }
0x49: {  	_ =	shalt  }
0x4a: {  	_ =	shalt  }
0x4b: {  	_ =	shalt  }
0x4c: {  	_ =	shalt  }
0x4d: {  	_ =	shalt  }
0x4e: {  	_ =	shalt  }
0x4f: {  	_ =	shalt  }
0x50: {  	_ =	shalt  }
0x51: {  	_ =	shalt  }
0x52: {  	_ =	shalt  }
0x53: {  	_ =	shalt  }
0x54: {  	_ =	shalt  }
0x55: {  	_ =	shalt  }
0x56: {  	_ =	shalt  }
0x57: {  	_ =	shalt  }
0x58: {  	_ =	shalt  }
0x59: {  	_ =	shalt  }
0x5a: {  	_ =	shalt  }
0x5b: {  	_ =	shalt  }
0x5c: {  	_ =	shalt  }
0x5d: {  	_ =	shalt  }
0x5e: {  	_ =	shalt  }
0x5f: {  	_ =	shalt  }
0x60: {  	_ =	shalt  }
0x61: {  	_ =	shalt  }
0x62: {  	_ =	shalt  }
0x63: {  	_ =	shalt  }
0x64: {  	_ =	shalt  }
0x65: {  	_ =	shalt  }
0x66: {  	_ =	shalt  }
0x67: {  	_ =	shalt  }
0x68: {  	_ =	shalt  }
0x69: {  	_ =	shalt  }
0x6a: {  	_ =	shalt  }
0x6b: {  	_ =	shalt  }
0x6c: {  	_ =	shalt  }
0x6d: {  	_ =	shalt  }
0x6e: {  	_ =	shalt  }
0x6f: {  	_ =	shalt  }
0x70: {  	_ =	shalt  }
0x71: {  	_ =	shalt  }
0x72: {  	_ =	shalt  }
0x73: {  	_ =	shalt  }
0x74: {  	_ =	shalt  }
0x75: {  	_ =	shalt  }
0x76: {  	_ =	shalt  }
0x77: {  	_ =	shalt  }
0x78: {  	_ =	shalt  }
0x79: {  	_ =	shalt  }
0x7a: {  	_ =	shalt  }
0x7b: {  	_ =	shalt  }
0x7c: {  	_ =	shalt  }
0x7d: {  	_ =	shalt  }
0x7e: {  	_ =	shalt  }
0x7f: {  	_ =	shalt  }
0x80: {  	_ =	shalt  }
0x81: {  	_ =	shalt  }
0x82: {  	_ =	shalt  }
0x83: {  	_ =	shalt  }
0x84: {  	_ =	shalt  }
0x85: {  	_ =	shalt  }
0x86: {  	_ =	shalt  }
0x87: {  	_ =	shalt  }
.Lfunc_end0:
.L_simem_size_0:
called_computation.1_lowered:
.L_overlay_start_0:
0x88: {  	s2 =	sld [smem:$0x3FD9]  }
0x89: {  	s3 =	sld [smem:$0x3FFE];
	_ =	sdelay $0x1  }
0x8a: {  	s1 =	srdreg.scid  }
0x8b: {  	s0 =	sand.u32 $0x1, s1  }
0x8c: {  	s16 =	sshll.u32 s0, $0xA;
	s2 =	sadd.s32 s3, s2  }
0x8d: {  	s2 =	sadd.s32 s2, s16  }
0x8e: {  	[smem:$0x3FBB] =	sst s2  }
0x8f: {  	_ = 	snop  }
0x90: {  	(tm) =	ssettm $0x1  }
0x91: {  	s17 =	sld [smem:$0x3FFB];
	_ =	sdelay $0x3  }
0x92: {  	_ =	strace s17  }
0x93: {  	s2 =	sld [smem:$0x3FFC];
	_ =	sdelay $0x3  }
0x94: {  	_ =	strace s2  }
0x95: {  	s2 =	sld [smem:$0x3FFD];
	_ =	sdelay $0x3  }
0x96: {  	_ =	strace s2  }
0x97: {  	_ =	strace $0x8FFFFFFF  }
0x98: {  	s18 =	sld [smem:$0x3FDB];
	_ =	sdelay $0x1  }
0x99: {  	s19 =	simm.s32 $_scs_section_size  }
0x9a: {  	s4 =	simm.s32 $_size__tile_overlayer_lowered;
	s5 =	simm.s32 $_tile_overlayer_lowered  }
0x9b: {  	s22 =	simm.s32 $0x1BFF;
	s21 =	sshll.u32 s5, $0x1;
	s2 =	sadd.s32 s19, s18  }
0x9c: {  	s6 =	simm.s32 $0x0;
	s20 =	sshll.u32 s4, $0x1;
	s4 =	sadd.s32 s21, s2  }
0x9d: {  	[timem:s6], [sflag:s22] =	dma.local [hbm:s4], s20  }
0x9e: {  	_ =	swait.ge [sflag:s22], s20  }
0x9f: {  	s3 =	ssub.s32 $0x0, s20;
	[sflag:s22] =	ssyncset.done $0x0  }
0xa0: {  	[sflag:s22] =	ssyncadd.s32 s3;
	_ =	sdelay $0x1  }
0xa1: {  	s23 =	simm.s32 $0x1B8B  }
0xa2: {  	_ =	swait.ge [sflag:s23], $0x1  }
0xa3: {  	[sflag:s23] =	ssyncset.done $0x0  }
0xa4: {  	s25 =	simm.s32 $0x1B8E;
	s24 =	sld [smem:$0x3FFE];
	[sflag:s23] =	ssyncadd.s32 $0xFFFFFFFF  }
0xa5: {  	s26 =	simm.s32 $execute0_lowered;
	[smem:$0x3FD2] =	sst s25  }
0xa6: {  	s4 =	sshll.u32 s26, $0x1;
	_ =	strace $0x80000046;
	[dreg:$0x1] =	wrdreg $0xFFFFFFFF  }
0xa7: {  	s28 =	simm.s32 $_size_execute0_lowered;
	s2 =	sadd.s32 s2, s4;
	[dreg:$0x0] =	wrdreg $0x0  }
0xa8: {  	s4 =	sshll.u32 s28, $0x1;
	[dreg:$0x2] =	wrdreg s2  }
0xa9: {  	[dreg:$0x3] =	wrdreg s4  }
0xaa: {  	[dreg:$0x4] =	wrdreg $0xC0  }
0xab: {  	_ =	task [dreg:s6], $0x5FFFF  }
0xac: {  	[dreg:$0x1] =	wrdreg $0xFFFFFFFF  }
0xad: {  	[dreg:$0x0] =	wrdreg $0x60  }
0xae: {  	[dreg:$0x2] =	wrdreg s24  }
0xaf: {  	[dreg:$0x3] =	wrdreg $0xCE800  }
0xb0: {  	[dreg:$0x4] =	wrdreg $0xA  }
0xb1: {  	_ =	task.clear_ibuf [dreg:s6], $0x5FFFF;
	_ =	strace $0x90000046  }
0xb2: {  	s29 =	simm.s32 $0xA;
	_ =	strace $0x80000048  }
0xb3: {  	_ =	swait.ge [sflag:s29], $0x1  }
0xb4: {  	[sflag:s29] =	ssyncadd.s32 $0xFFFFFFFF  }
0xb5: {  	_ =	strace $0x90000048  }
0xb6: {  	_ =	sfence  }
0xb7: {  	s30 =	sld [smem:$0x0];
	_ =	sdelay $0x2  }
0xb8: {  	s31 =	sshll.u32 s1, $0xD;
	s1 =	sshrl.u32 s1, $0x2  }
0xb9: {  	s3 =	sand.u32 $0x4000, s31;
	s1 =	sadd.s32 s1, s30  }
0xba: {  	s0 =	sor.u32 s3, s0;
	s1 =	sshll.u32 s1, $0x11  }
0xbb: {  	s0 =	sor.u32 s1, s0  }
0xbc: {  	s0 =	sadd.s32 $0x8F2B, s0  }
0xbd: {  	[sflag:s0] =	ssyncadd.remote.s32 $0x1  }
0xbe: {  	_ =	sfence.sel $0xFFFF  }
0xbf: {  	[dreg:$0x0] =	wrdreg $0xFFFFFFFF;
	(pc) =	sbr.abs _section_cstart, $3  }
0xc0: {  	[dreg:$0x1] =	wrdreg $0xFFFFFFFF  }
0xc1: {  	_ =	task.clear_ibuf [dreg:s6], $0x2FFFF;
	_ =	strace $0x9FFFFFFF  }
0xc2: {  	(tm) =	ssettm $0x7FFFFFFF  }
0xc3: {  	_ =	shalt  }
tec
execute0_lowered:
.L_overlay_start_1:
0x0: {  	(tag) =	ssettag $0x1  }
0x1: {  	s0 =	srdreg.scid;
	s1 =	rddreg [dreg:$0x0]  }
0x2: {  	s6 =	stileid.u32;
	s2 =	rddreg [dreg:$0x1]  }
0x3: {  	s24 =	simm.s32 $0x6080;
	s25 =	simm.s32 $0x2;
	s29 =	simm.s32 $0x1  }
0x4: {  	s30 =	simm.s32 $0x80;
	s0 =	sand.u32 $0x1, s0;
	s3 =	sshll.u32 s6, $0x1  }
0x5: {  	s21 =	sshll.u32 s6, $0xB;
	s4 =	sor.u32 s0, s3;
	s3 =	simm.s32 $0x0  }
0x6: {  	s26 =	sshll.u32 s0, $0xF;
	s0 =	ssub.s32 $0x2, s0;
	s5 =	smul.u32 $0x600, s4  }
0x7: {  	[smem:$0x7FF] =	sst s3;
	s4 =	smul.u32 $0xC0, s4;
	s28 =	sor.u32 s21, s26  }
0x8: {  	s31 =	sshrl.u32 s0, $0x1;
	s21 =	sadd.s32 s21, s2;
	s26 =	simm.s32 $0x0  }
0x9: {  	_ =	strace $0x80000047;
	s0 =	ssub.s32 s0, s31;
	s5 =	sshrl.u32 s5, $0x3  }
0xa: {  	s4 =	sadd.s32 s4, s1;
	s20 =	sadd.s32 s5, s1;
	s5 =	sshrl.u32 s28, $0x3  }
0xb: {  	s23 =	smax.u32 s0, $0x1;
	s4 =	sadd.s32 $0x19000, s4;
	s1 =	sadd.s32 s5, s1  }
0xc: {  	[dreg:$0x3] =	wrdreg s4;
	s5 =	sadd.s32 $0x1000, s20;
	s6 =	sadd.s32 $0x2800, s20  }
0xd: {  	s7 =	sadd.s32 $0x4000, s20;
	s8 =	sadd.s32 $0x5800, s20;
	s9 =	sadd.s32 $0x7000, s20  }
0xe: {  	s10 =	sadd.s32 $0x8800, s20;
	s11 =	sadd.s32 $0xA000, s20;
	s12 =	sadd.s32 $0xB800, s20  }
0xf: {  	v1 =	vlaneseq.u32;
	s13 =	sadd.s32 $0xD000, s20;
	s14 =	sadd.s32 $0xE800, s20;
	s15 =	sadd.s32 $0x10000, s20  }
0x10: {  	v1 =	vmul.u32 $0x608, v1;
	s16 =	sadd.s32 $0x11800, s20;
	s17 =	sadd.s32 $0x13000, s20;
	s18 =	sadd.s32 $0x14800, s20  }
0x11: {  	v0 =	vimm.f32 $0.0e+00;
	s19 =	sadd.s32 $0x16000, s20;
	s20 =	sadd.s32 $0x17800, s20;
	s22 =	sadd.s32 $0x1A800, s1  }
.LBB2_1:
0x12: {  	s0 =	rddreg [dreg:$0x3]  }
0x13: {  	[tilespmem:s24], [sflag:$0x2] =	stream.linear.gather [hbm4b:s0+s3], $0x600, $0x38;
	[tilespmem:$0xD680] =	vst v63  }
0x14: {  	_ =	swait.ge [sflag:s25], $0x600  }
0x15: {  	[sflag:s25] =	ssyncset.done $0x0  }
0x16: {  	[sflag:s25] =	ssyncadd.s32 $0xFFFFFA00  }
0x17: {  	[tilespmem:s3], [sflag:$0x1] =	stream.linear.gather [hbm4b:s5+s3], $0x600, $0x38;
	[tilespmem:$0xD680] =	vst v63  }
0x18: {  	s1 =	simm.s32 $0x608  }
0x19: {  	[tilespmem:s1], [sflag:$0x1] =	stream.linear.gather [hbm4b:s6+s3], $0x600, $0x38;
	[tilespmem:$0xD680] =	vst v63  }
0x1a: {  	s4 =	simm.s32 $0xC10  }
0x1b: {  	[tilespmem:s4], [sflag:$0x1] =	stream.linear.gather [hbm4b:s7+s3], $0x600, $0x38;
	[tilespmem:$0xD680] =	vst v63  }
0x1c: {  	s31 =	simm.s32 $0x1218  }
0x1d: {  	[tilespmem:s31], [sflag:$0x1] =	stream.linear.gather [hbm4b:s8+s3], $0x600, $0x38;
	[tilespmem:$0xD680] =	vst v63  }
0x1e: {  	s1 =	simm.s32 $0x1820  }
0x1f: {  	[tilespmem:s1], [sflag:$0x1] =	stream.linear.gather [hbm4b:s9+s3], $0x600, $0x38;
	[tilespmem:$0xD680] =	vst v63  }
0x20: {  	s4 =	simm.s32 $0x1E28  }
0x21: {  	[tilespmem:s4], [sflag:$0x1] =	stream.linear.gather [hbm4b:s10+s3], $0x600, $0x38;
	[tilespmem:$0xD680] =	vst v63  }
0x22: {  	s31 =	simm.s32 $0x2430  }
0x23: {  	[tilespmem:s31], [sflag:$0x1] =	stream.linear.gather [hbm4b:s11+s3], $0x600, $0x38;
	[tilespmem:$0xD680] =	vst v63  }
0x24: {  	s1 =	simm.s32 $0x2A38  }
0x25: {  	[tilespmem:s1], [sflag:$0x1] =	stream.linear.gather [hbm4b:s12+s3], $0x600, $0x38;
	[tilespmem:$0xD680] =	vst v63  }
0x26: {  	s4 =	simm.s32 $0x3040  }
0x27: {  	[tilespmem:s4], [sflag:$0x1] =	stream.linear.gather [hbm4b:s13+s3], $0x600, $0x38;
	[tilespmem:$0xD680] =	vst v63  }
0x28: {  	s31 =	simm.s32 $0x3648  }
0x29: {  	[tilespmem:s31], [sflag:$0x1] =	stream.linear.gather [hbm4b:s14+s3], $0x600, $0x38;
	[tilespmem:$0xD680] =	vst v63  }
0x2a: {  	s1 =	simm.s32 $0x3C50  }
0x2b: {  	[tilespmem:s1], [sflag:$0x1] =	stream.linear.gather [hbm4b:s15+s3], $0x600, $0x38;
	[tilespmem:$0xD680] =	vst v63  }
0x2c: {  	s4 =	simm.s32 $0x4258  }
0x2d: {  	[tilespmem:s4], [sflag:$0x1] =	stream.linear.gather [hbm4b:s16+s3], $0x600, $0x38;
	[tilespmem:$0xD680] =	vst v63  }
0x2e: {  	s31 =	simm.s32 $0x4860  }
0x2f: {  	[tilespmem:s31], [sflag:$0x1] =	stream.linear.gather [hbm4b:s17+s3], $0x600, $0x38;
	[tilespmem:$0xD680] =	vst v63  }
0x30: {  	s1 =	simm.s32 $0x4E68  }
0x31: {  	[tilespmem:s1], [sflag:$0x1] =	stream.linear.gather [hbm4b:s18+s3], $0x600, $0x38;
	[tilespmem:$0xD680] =	vst v63  }
0x32: {  	s4 =	simm.s32 $0x5470  }
0x33: {  	[tilespmem:s4], [sflag:$0x1] =	stream.linear.gather [hbm4b:s19+s3], $0x600, $0x38;
	[tilespmem:$0xD680] =	vst v63  }
0x34: {  	s31 =	simm.s32 $0x5A78;
	s1 =	simm.s32 $0xC6C0  }
0x35: {  	[tilespmem:s31], [sflag:$0x1] =	stream.linear.gather [hbm4b:s20+s3], $0x600, $0x38;
	[tilespmem:$0xD680] =	vst v63  }
0x36: {  	[tilespmem:s1+$0xFFFFFFC0] =	vst v0  }
0x37: {  	[tilespmem:s1+$0x30] =	vst v0  }
0x38: {  	[tilespmem:s1+$0x20] =	vst v0  }
0x39: {  	[tilespmem:s1+$0x10] =	vst v0  }
0x3a: {  	[tilespmem:s1+$0x0] =	vst v0  }
0x3b: {  	[tilespmem:s1+$0xFFFFFFF0] =	vst v0  }
0x3c: {  	s28 =	simm.s32 $0x0;
	[tilespmem:s1+$0xFFFFFFE0] =	vst v0  }
.LBB2_2:
0x3d: {  	s28 =	sadd.s32 $0x8, s28;
	[tilespmem:s1+$0xFFFFFFD0] =	vst v0;
	s1 =	sadd.s32 $0x80, s1  }
0x3e: {  	[tilespmem:s1+$0xFFFFFFC0] =	vst v0;
	p0 =	slt.u32 s28, $0x78  }
0x3f: {  	[tilespmem:s1+$0x30] =	vst v0  }
.Ltmp0:
0x40: {  	[tilespmem:s1+$0x20] =	vst v0;
	(pc) =	sbr.rel @p0 .LBB2_2-.Ltmp0, $4  }
0x41: {  	[tilespmem:s1+$0x10] =	vst v0  }
0x42: {  	[tilespmem:s1+$0x0] =	vst v0  }
0x43: {  	[tilespmem:s1+$0xFFFFFFF0] =	vst v0  }
0x44: {  	[tilespmem:s1+$0xFFFFFFE0] =	vst v0  }
0x45: {  	[tilespmem:s1+$0xFFFFFFD0] =	vst v0;
	s0 =	simm.s32 $0xC680  }
0x46: {  	[spmem:s21] =	stream.linear.scatter [tilespmem:s0], [sflag:$0x2], $0x800, $0x38;
	[tilespmem:$0xD680] =	vst v63  }
0x47: {  	_ =	swait.ge [sflag:s25], $0x800  }
0x48: {  	[sflag:s25] =	ssyncset.done $0x0  }
0x49: {  	[sflag:s25] =	ssyncadd.s32 $0xFFFFF800  }
0x4a: {  	_ =	swait.ge [sflag:s29], $0x600  }
0x4b: {  	[sflag:s29] =	ssyncset.done $0x0  }
0x4c: {  	[sflag:s29] =	ssyncadd.s32 $0xFFFFFA00  }
0x4d: {  	_ =	swait.ge [sflag:s29], $0x600  }
0x4e: {  	[sflag:s29] =	ssyncset.done $0x0  }
0x4f: {  	[sflag:s29] =	ssyncadd.s32 $0xFFFFFA00  }
0x50: {  	_ =	swait.ge [sflag:s29], $0x600  }
0x51: {  	[sflag:s29] =	ssyncset.done $0x0  }
0x52: {  	[sflag:s29] =	ssyncadd.s32 $0xFFFFFA00  }
0x53: {  	_ =	swait.ge [sflag:s29], $0x600  }
0x54: {  	[sflag:s29] =	ssyncset.done $0x0  }
0x55: {  	[sflag:s29] =	ssyncadd.s32 $0xFFFFFA00  }
0x56: {  	_ =	swait.ge [sflag:s29], $0x600  }
0x57: {  	[sflag:s29] =	ssyncset.done $0x0  }
0x58: {  	[sflag:s29] =	ssyncadd.s32 $0xFFFFFA00  }
0x59: {  	_ =	swait.ge [sflag:s29], $0x600  }
0x5a: {  	[sflag:s29] =	ssyncset.done $0x0  }
0x5b: {  	[sflag:s29] =	ssyncadd.s32 $0xFFFFFA00  }
0x5c: {  	_ =	swait.ge [sflag:s29], $0x600  }
0x5d: {  	[sflag:s29] =	ssyncset.done $0x0  }
0x5e: {  	[sflag:s29] =	ssyncadd.s32 $0xFFFFFA00  }
0x5f: {  	_ =	swait.ge [sflag:s29], $0x600  }
0x60: {  	[sflag:s29] =	ssyncset.done $0x0  }
0x61: {  	[sflag:s29] =	ssyncadd.s32 $0xFFFFFA00  }
0x62: {  	_ =	swait.ge [sflag:s29], $0x600  }
0x63: {  	[sflag:s29] =	ssyncset.done $0x0  }
0x64: {  	[sflag:s29] =	ssyncadd.s32 $0xFFFFFA00  }
0x65: {  	_ =	swait.ge [sflag:s29], $0x600  }
0x66: {  	[sflag:s29] =	ssyncset.done $0x0  }
0x67: {  	[sflag:s29] =	ssyncadd.s32 $0xFFFFFA00  }
0x68: {  	_ =	swait.ge [sflag:s29], $0x600  }
0x69: {  	[sflag:s29] =	ssyncset.done $0x0  }
0x6a: {  	[sflag:s29] =	ssyncadd.s32 $0xFFFFFA00  }
0x6b: {  	_ =	swait.ge [sflag:s29], $0x600  }
0x6c: {  	[sflag:s29] =	ssyncset.done $0x0  }
0x6d: {  	[sflag:s29] =	ssyncadd.s32 $0xFFFFFA00  }
0x6e: {  	_ =	swait.ge [sflag:s29], $0x600  }
0x6f: {  	[sflag:s29] =	ssyncset.done $0x0  }
0x70: {  	[sflag:s29] =	ssyncadd.s32 $0xFFFFFA00  }
0x71: {  	_ =	swait.ge [sflag:s29], $0x600  }
0x72: {  	[sflag:s29] =	ssyncset.done $0x0  }
0x73: {  	[sflag:s29] =	ssyncadd.s32 $0xFFFFFA00  }
0x74: {  	s1 =	simm.s32 $0xF;
	_ =	swait.ge [sflag:s29], $0x600  }
0x75: {  	s4 =	simm.s32 $0x1;
	v2 =	vadd.s32 s1, v1;
	[sflag:s29] =	ssyncset.done $0x0  }
0x76: {  	v3 =	vadd.s32 s4, v1;
	s1 =	simm.s32 $0x2;
	[sflag:s29] =	ssyncadd.s32 $0xFFFFFA00  }
0x77: {  	s4 =	simm.s32 $0x3;
	v4 =	vadd.s32 s1, v1;
	_ =	swait.ge [sflag:s29], $0x600  }
0x78: {  	v5 =	vadd.s32 s4, v1;
	s1 =	simm.s32 $0x4;
	[sflag:s29] =	ssyncset.done $0x0  }
0x79: {  	s4 =	simm.s32 $0x5;
	v6 =	vadd.s32 s1, v1;
	[sflag:s29] =	ssyncadd.s32 $0xFFFFFA00  }
0x7a: {  	v7 =	vadd.s32 s4, v1;
	s1 =	simm.s32 $0x6;
	v8 =	vld.idx.msk [tilespmem:v2+s3+$0x0], $0xffff  }
0x7b: {  	s4 =	simm.s32 $0x7;
	v9 =	vld.idx.msk [tilespmem:v3+s3+$0x0], $0xffff;
	v2 =	vadd.s32 s1, v1  }
0x7c: {  	v10 =	vld.idx.msk [tilespmem:v4+s3+$0x0], $0xffff;
	v4 =	vadd.s32 s4, v1;
	s1 =	simm.s32 $0x8  }
0x7d: {  	v11 =	vld.idx.msk [tilespmem:v5+s3+$0x0], $0xffff;
	s4 =	simm.s32 $0x9;
	v5 =	vadd.s32 s1, v1  }
0x7e: {  	v13 =	vld.idx.msk [tilespmem:v6+s3+$0x0], $0xffff;
	v6 =	vadd.s32 s4, v1;
	s1 =	simm.s32 $0xA  }
0x7f: {  	s28 =	simm.s32 $0x6700;
	v3 =	vld.idx.msk [tilespmem:v7+s3+$0x0], $0xffff;
	s4 =	simm.s32 $0xB;
	v7 =	vadd.s32 s1, v1  }
0x80: {  	s0 =	simm.s32 $0xC;
	v2 =	vld.idx.msk [tilespmem:v2+s3+$0x0], $0xffff;
	[tilespmem:s28+$0xFFFFFF90] =	vst v9;
	v9 =	vadd.s32 s4, v1  }
0x81: {  	v12 =	vadd.s32 s0, v1;
	s1 =	simm.s32 $0xD;
	[tilespmem:s28+$0x70] =	vst v8;
	v4 =	vld.idx.msk [tilespmem:v4+s3+$0x0], $0xffff  }
0x82: {  	[tilespmem:s28+$0xFFFFFFA0] =	vst v10;
	v10 =	vadd.s32 s1, v1;
	s1 =	simm.s32 $0xE;
	v5 =	vld.idx.msk [tilespmem:v5+s3+$0x0], $0xffff  }
0x83: {  	s4 =	simm.s32 $0x0;
	[tilespmem:s28+$0xFFFFFFB0] =	vst v11;
	v6 =	vld.idx.msk [tilespmem:v6+s3+$0x0], $0xffff;
	v11 =	vadd.s32 s1, v1  }
0x84: {  	s31 =	simm.s32 $0x10;
	s0 =	simm.s32 $0x1F;
	[tilespmem:s28+$0xFFFFFFC0] =	vst v13;
	s1 =	simm.s32 $0x20;
	v8 =	vadd.s32 s4, v1;
	v7 =	vld.idx.msk [tilespmem:v7+s3+$0x0], $0xffff  }
.LBB2_4:
0x85: {  	p0 =	slt.u32 s1, $0x5F0;
	s4 =	sadd.s32 $0x1, s31;
	v13 =	vadd.s32 s0, v1;
	[tilespmem:s28+$0xFFFFFFD0] =	vst v3;
	v3 =	vld.idx.msk [tilespmem:v9+s3+$0x0], $0xffff  }
0x86: {  	s0 =	sadd.s32 $0x2, s31;
	v9 =	vadd.s32 s4, v1;
	[tilespmem:s28+$0xFFFFFFE0] =	vst v2;
	v2 =	vld.idx.msk [tilespmem:v12+s3+$0x0], $0xffff  }
0x87: {  	v12 =	vadd.s32 s0, v1;
	s0 =	sadd.s32 $0x3, s31;
	[tilespmem:s28+$0xFFFFFFF0] =	vst v4;
	v4 =	vld.idx.msk [tilespmem:v10+s3+$0x0], $0xffff  }
0x88: {  	v10 =	vadd.s32 s0, v1;
	s0 =	sadd.s32 $0x4, s31;
	[tilespmem:s28+$0x0] =	vst v5;
	v5 =	vld.idx.msk [tilespmem:v11+s3+$0x0], $0xffff  }
0x89: {  	v11 =	vadd.s32 s0, v1;
	s0 =	sadd.s32 $0x5, s31;
	v8 =	vld.idx.msk [tilespmem:v8+s3+$0x0], $0xffff;
	[tilespmem:s28+$0x10] =	vst v6  }
0x8a: {  	v6 =	vadd.s32 s0, v1;
	s0 =	sadd.s32 $0x6, s31;
	v13 =	vld.idx.msk [tilespmem:v13+s3+$0x0], $0xffff;
	[tilespmem:s28+$0x20] =	vst v7  }
0x8b: {  	v7 =	vld.idx.msk [tilespmem:v9+s3+$0x0], $0xffff;
	v9 =	vadd.s32 s0, v1;
	s0 =	sadd.s32 $0x7, s31;
	[tilespmem:s28+$0x30] =	vst v3  }
0x8c: {  	v14 =	vld.idx.msk [tilespmem:v12+s3+$0x0], $0xffff;
	v12 =	vadd.s32 s0, v1;
	s0 =	sadd.s32 $0x8, s31;
	[tilespmem:s28+$0x40] =	vst v2  }
0x8d: {  	v15 =	vld.idx.msk [tilespmem:v10+s3+$0x0], $0xffff;
	v10 =	vadd.s32 s0, v1;
	s0 =	sadd.s32 $0x9, s31;
	[tilespmem:s28+$0x50] =	vst v4  }
0x8e: {  	v16 =	vld.idx.msk [tilespmem:v11+s3+$0x0], $0xffff;
	v11 =	vadd.s32 s0, v1;
	s0 =	sadd.s32 $0xA, s31;
	[tilespmem:s28+$0x60] =	vst v5  }
0x8f: {  	v3 =	vld.idx.msk [tilespmem:v6+s3+$0x0], $0xffff;
	v17 =	vadd.s32 s0, v1;
	s0 =	sadd.s32 $0xB, s31;
	[tilespmem:s28+$0xFFFFFF80] =	vst v8;
	s28 =	sadd.s32 $0x100, s28  }
.Ltmp1:
0x90: {  	v2 =	vld.idx.msk [tilespmem:v9+s3+$0x0], $0xffff;
	v9 =	vadd.s32 s0, v1;
	s0 =	sadd.s32 $0xC, s31;
	[tilespmem:s28+$0x70] =	vst v13;
	(pc) =	sbr.rel @p0 .LBB2_4-.Ltmp1, $4  }
0x91: {  	[tilespmem:s28+$0xFFFFFF90] =	vst v7;
	v4 =	vld.idx.msk [tilespmem:v12+s3+$0x0], $0xffff;
	v12 =	vadd.s32 s0, v1;
	s0 =	sadd.s32 $0xD, s31  }
0x92: {  	[tilespmem:s28+$0xFFFFFFA0] =	vst v14;
	v5 =	vld.idx.msk [tilespmem:v10+s3+$0x0], $0xffff;
	v10 =	vadd.s32 s0, v1;
	s0 =	sadd.s32 $0xE, s31  }
0x93: {  	[tilespmem:s28+$0xFFFFFFB0] =	vst v15;
	v6 =	vld.idx.msk [tilespmem:v11+s3+$0x0], $0xffff;
	v11 =	vadd.s32 s0, v1  }
0x94: {  	v8 =	vadd.s32 s31, v1;
	s31 =	smov.u32 s1;
	s0 =	sadd.s32 $0xF, s1;
	s1 =	sadd.s32 $0x10, s1;
	[tilespmem:s28+$0xFFFFFFC0] =	vst v16;
	v7 =	vld.idx.msk [tilespmem:v17+s3+$0x0], $0xffff  }
0x95: {  	_ =	sdelay $0x2  }
0x96: {  	[tilespmem:s28+$0xFFFFFFD0] =	vst v3  }
0x97: {  	v3 =	vadd.s32 s0, v1;
	v9 =	vld.idx.msk [tilespmem:v9+s3+$0x0], $0xffff;
	[tilespmem:s28+$0xFFFFFFE0] =	vst v2  }
0x98: {  	s1 =	sadd.s32 $0x1, s31;
	v12 =	vld.idx.msk [tilespmem:v12+s3+$0x0], $0xffff;
	v60 =	vadd.s32 s31, v1;
	[tilespmem:s28+$0xFFFFFFF0] =	vst v4  }
0x99: {  	s4 =	sadd.s32 $0x2, s31;
	v10 =	vld.idx.msk [tilespmem:v10+s3+$0x0], $0xffff;
	v2 =	vadd.s32 s1, v1;
	[tilespmem:s28+$0x0] =	vst v5  }
0x9a: {  	v11 =	vld.idx.msk [tilespmem:v11+s3+$0x0], $0xffff;
	v46 =	vadd.s32 s4, v1;
	s1 =	sadd.s32 $0x3, s31;
	[tilespmem:s28+$0x10] =	vst v6  }
0x9b: {  	v8 =	vld.idx.msk [tilespmem:v8+s3+$0x0], $0xffff;
	s4 =	sadd.s32 $0x4, s31;
	v47 =	vadd.s32 s1, v1;
	[tilespmem:s28+$0x20] =	vst v7  }
0x9c: {  	v48 =	vadd.s32 s4, v1;
	s1 =	sadd.s32 $0x5, s31;
	s4 =	sadd.s32 $0x6, s31;
	v3 =	vld.idx.msk [tilespmem:v3+s3+$0x0], $0xffff;
	[tilespmem:s28+$0x30] =	vst v9  }
0x9d: {  	v49 =	vadd.s32 s1, v1;
	v50 =	vadd.s32 s4, v1;
	s4 =	sadd.s32 $0x8, s31;
	[tilespmem:s28+$0x40] =	vst v12;
	v63 =	vld.idx.msk [tilespmem:v60+s3+$0x0], $0xffff  }
0x9e: {  	s1 =	sadd.s32 $0x7, s31;
	v52 =	vadd.s32 s4, v1;
	[tilespmem:s28+$0x50] =	vst v10;
	v2 =	vld.idx.msk [tilespmem:v2+s3+$0x0], $0xffff  }
0x9f: {  	v51 =	vadd.s32 s1, v1;
	s1 =	sadd.s32 $0x9, s31;
	[tilespmem:s28+$0x60] =	vst v11;
	v4 =	vld.idx.msk [tilespmem:v46+s3+$0x0], $0xffff  }
0xa0: {  	v53 =	vadd.s32 s1, v1;
	[tilespmem:s28+$0xFFFFFF80] =	vst v8;
	s1 =	sadd.s32 $0x100, s28;
	v5 =	vld.idx.msk [tilespmem:v47+s3+$0x0], $0xffff  }
0xa1: {  	s4 =	sadd.s32 $0xA, s31;
	v6 =	vld.idx.msk [tilespmem:v48+s3+$0x0], $0xffff;
	[tilespmem:s1+$0x70] =	vst v3  }
0xa2: {  	v54 =	vadd.s32 s4, v1;
	s4 =	sadd.s32 $0xB, s31;
	s28 =	sadd.s32 $0xC, s31;
	v7 =	vld.idx.msk [tilespmem:v49+s3+$0x0], $0xffff;
	[tilespmem:s1+$0xFFFFFF80] =	vst v63  }
0xa3: {  	v55 =	vadd.s32 s4, v1;
	v56 =	vadd.s32 s28, v1;
	s28 =	sadd.s32 $0xE, s31;
	v57 =	vld.idx.msk [tilespmem:v52+s3+$0x0], $0xffff;
	[tilespmem:s1+$0xFFFFFF90] =	vst v2  }
0xa4: {  	v59 =	vadd.s32 s28, v1;
	v3 =	vld.idx.msk [tilespmem:v50+s3+$0x0], $0xffff;
	[tilespmem:s1+$0xFFFFFFA0] =	vst v4  }
0xa5: {  	s4 =	sadd.s32 $0xD, s31;
	v11 =	vld.idx.msk [tilespmem:v53+s3+$0x0], $0xffff;
	[tilespmem:s1+$0xFFFFFFB0] =	vst v5  }
0xa6: {  	v58 =	vadd.s32 s4, v1;
	v2 =	vld.idx.msk [tilespmem:v51+s3+$0x0], $0xffff;
	[tilespmem:s1+$0xFFFFFFC0] =	vst v6  }
0xa7: {  	v8 =	vld.idx.msk [tilespmem:v54+s3+$0x0], $0xffff;
	[tilespmem:s1+$0xFFFFFFD0] =	vst v7  }
0xa8: {  	v61 =	vld.idx.msk [tilespmem:v55+s3+$0x0], $0xffff;
	[tilespmem:s1+$0x0] =	vst v57  }
0xa9: {  	v62 =	vld.idx.msk [tilespmem:v59+s3+$0x0], $0xffff;
	[tilespmem:s1+$0xFFFFFFE0] =	vst v3  }
0xaa: {  	v3 =	vld.idx.msk [tilespmem:v56+s3+$0x0], $0xffff;
	[tilespmem:s1+$0x10] =	vst v11  }
0xab: {  	[tilespmem:s1+$0xFFFFFFF0] =	vst v2;
	v2 =	vld.idx.msk [tilespmem:v58+s3+$0x0], $0xffff  }
0xac: {  	[tilespmem:s1+$0x20] =	vst v8  }
0xad: {  	[tilespmem:s1+$0x30] =	vst v61  }
0xae: {  	[tilespmem:s1+$0x60] =	vst v62  }
0xaf: {  	[tilespmem:s1+$0x40] =	vst v3  }
0xb0: {  	[tilespmem:s1+$0x50] =	vst v2  }
0xb1: {  	s31 =	simm.s32 $0x6680;
	[bflag:$0x0] =	sbarrier.arrive $0xFFFF  }
0xb2: {  	[spmem:s2] =	stream.indirect.scatter.add.f32 [tilespmem:s31], [sflag:$0x2], $0x10, s24, s30, $0xb8;
	[tilespmem:$0xD680] =	vst v63  }
0xb3: {  	_ =	swait.ge [sflag:s25], $0x800  }
0xb4: {  	[sflag:s25] =	ssyncset.done $0x0  }
0xb5: {  	s4 =	simm.s32 $0x6E80;
	s1 =	simm.s32 $0x6100;
	[sflag:s25] =	ssyncadd.s32 $0xFFFFF800  }
0xb6: {  	[spmem:s2] =	stream.indirect.scatter.add.f32 [tilespmem:s4], [sflag:$0x2], $0x10, s1, s30, $0xb8;
	[tilespmem:$0xD680] =	vst v63  }
0xb7: {  	_ =	swait.ge [sflag:s25], $0x800  }
0xb8: {  	[sflag:s25] =	ssyncset.done $0x0  }
0xb9: {  	s28 =	simm.s32 $0x6180;
	s31 =	simm.s32 $0x7680;
	[sflag:s25] =	ssyncadd.s32 $0xFFFFF800  }
0xba: {  	[spmem:s2] =	stream.indirect.scatter.add.f32 [tilespmem:s31], [sflag:$0x2], $0x10, s28, s30, $0xb8;
	[tilespmem:$0xD680] =	vst v63  }
0xbb: {  	_ =	swait.ge [sflag:s25], $0x800  }
0xbc: {  	[sflag:s25] =	ssyncset.done $0x0  }
0xbd: {  	s1 =	simm.s32 $0x6200;
	s4 =	simm.s32 $0x7E80;
	[sflag:s25] =	ssyncadd.s32 $0xFFFFF800  }
0xbe: {  	[spmem:s2] =	stream.indirect.scatter.add.f32 [tilespmem:s4], [sflag:$0x2], $0x10, s1, s30, $0xb8;
	[tilespmem:$0xD680] =	vst v63  }
0xbf: {  	_ =	swait.ge [sflag:s25], $0x800  }
0xc0: {  	[sflag:s25] =	ssyncset.done $0x0  }
0xc1: {  	s28 =	simm.s32 $0x6280;
	s31 =	simm.s32 $0x8680;
	[sflag:s25] =	ssyncadd.s32 $0xFFFFF800  }
0xc2: {  	[spmem:s2] =	stream.indirect.scatter.add.f32 [tilespmem:s31], [sflag:$0x2], $0x10, s28, s30, $0xb8;
	[tilespmem:$0xD680] =	vst v63  }
0xc3: {  	_ =	swait.ge [sflag:s25], $0x800  }
0xc4: {  	[sflag:s25] =	ssyncset.done $0x0  }
0xc5: {  	s1 =	simm.s32 $0x6300;
	s4 =	simm.s32 $0x8E80;
	[sflag:s25] =	ssyncadd.s32 $0xFFFFF800  }
0xc6: {  	[spmem:s2] =	stream.indirect.scatter.add.f32 [tilespmem:s4], [sflag:$0x2], $0x10, s1, s30, $0xb8;
	[tilespmem:$0xD680] =	vst v63  }
0xc7: {  	_ =	swait.ge [sflag:s25], $0x800  }
0xc8: {  	[sflag:s25] =	ssyncset.done $0x0  }
0xc9: {  	s28 =	simm.s32 $0x6380;
	s31 =	simm.s32 $0x9680;
	[sflag:s25] =	ssyncadd.s32 $0xFFFFF800  }
0xca: {  	[spmem:s2] =	stream.indirect.scatter.add.f32 [tilespmem:s31], [sflag:$0x2], $0x10, s28, s30, $0xb8;
	[tilespmem:$0xD680] =	vst v63  }
0xcb: {  	_ =	swait.ge [sflag:s25], $0x800  }
0xcc: {  	[sflag:s25] =	ssyncset.done $0x0  }
0xcd: {  	s1 =	simm.s32 $0x6400;
	s4 =	simm.s32 $0x9E80;
	[sflag:s25] =	ssyncadd.s32 $0xFFFFF800  }
0xce: {  	[spmem:s2] =	stream.indirect.scatter.add.f32 [tilespmem:s4], [sflag:$0x2], $0x10, s1, s30, $0xb8;
	[tilespmem:$0xD680] =	vst v63  }
0xcf: {  	_ =	swait.ge [sflag:s25], $0x800  }
0xd0: {  	[sflag:s25] =	ssyncset.done $0x0  }
0xd1: {  	s28 =	simm.s32 $0x6480;
	s31 =	simm.s32 $0xA680;
	[sflag:s25] =	ssyncadd.s32 $0xFFFFF800  }
0xd2: {  	[spmem:s2] =	stream.indirect.scatter.add.f32 [tilespmem:s31], [sflag:$0x2], $0x10, s28, s30, $0xb8;
	[tilespmem:$0xD680] =	vst v63  }
0xd3: {  	_ =	swait.ge [sflag:s25], $0x800  }
0xd4: {  	[sflag:s25] =	ssyncset.done $0x0  }
0xd5: {  	s1 =	simm.s32 $0x6500;
	s4 =	simm.s32 $0xAE80;
	[sflag:s25] =	ssyncadd.s32 $0xFFFFF800  }
0xd6: {  	[spmem:s2] =	stream.indirect.scatter.add.f32 [tilespmem:s4], [sflag:$0x2], $0x10, s1, s30, $0xb8;
	[tilespmem:$0xD680] =	vst v63  }
0xd7: {  	_ =	swait.ge [sflag:s25], $0x800  }
0xd8: {  	[sflag:s25] =	ssyncset.done $0x0  }
0xd9: {  	s28 =	simm.s32 $0x6580;
	s31 =	simm.s32 $0xB680;
	[sflag:s25] =	ssyncadd.s32 $0xFFFFF800  }
0xda: {  	[spmem:s2] =	stream.indirect.scatter.add.f32 [tilespmem:s31], [sflag:$0x2], $0x10, s28, s30, $0xb8;
	[tilespmem:$0xD680] =	vst v63  }
0xdb: {  	_ =	swait.ge [sflag:s25], $0x800  }
0xdc: {  	[sflag:s25] =	ssyncset.done $0x0  }
0xdd: {  	s1 =	simm.s32 $0x6600;
	s4 =	simm.s32 $0xBE80;
	[sflag:s25] =	ssyncadd.s32 $0xFFFFF800  }
0xde: {  	[spmem:s2] =	stream.indirect.scatter.add.f32 [tilespmem:s4], [sflag:$0x2], $0x10, s1, s30, $0xb8;
	[tilespmem:$0xD680] =	vst v63  }
0xdf: {  	s26 =	sadd.s32 $0x1, s26;
	_ =	swait.ge [sflag:s25], $0x800  }
0xe0: {  	p0 =	sne.s32 s26, s23;
	s28 =	stileid.u32;
	[sflag:s25] =	ssyncset.done $0x0  }
0xe1: {  	s31 =	sshrl.u32 s21, $0x3;
	s0 =	sshll.u32 s28, $0x6;
	[sflag:s25] =	ssyncadd.s32 $0xFFFFF800  }
.Ltmp2:
0xe2: {  	s0 =	sor.u32 $0x1C02, s0;
	[bflag:$0x0] =	sbarrier.arrive $0xFFFF;
	(pc) =	sbr.rel @p0 .LBB2_1-.Ltmp2, $4  }
0xe3: {  	[hbm:s22], [sflag:s0] =	dma.local [spmem:s31], $0x100  }
0xe4: {  	_ =	swait.ge [sflag:s25], $0x100  }
0xe5: {  	[sflag:s25] =	ssyncset.done $0x0  }
0xe6: {  	[sflag:s25] =	ssyncadd.s32 $0xFFFFFF00  }
0xe7: {  	_ =	sfence.sel $0x180000  }
0xe8: {  	[bflag:$0x0] =	sbarrier.arrive $0xFFFF  }
0xe9: {  	_ =	strace $0x90000047  }
0xea: {  	s0 =	stileid.u32;
	[bflag:$0x2] =	sbarrier.arrive $0xFFFF  }
0xeb: {  	p0 =	sne.s32 s0, $0x0;
	s0 =	rddreg [dreg:$0x2]  }
0xec: {  	s0 =	sadd.s32 @!p0 $0x100000, s0  }
0xed: {  	[sflag:s0] =	ssyncadd.tile.s32 @!p0 $0x1;
	_ =	shalt  }
.Lfunc_end2:
_tile_overlayer_lowered:
.L_overlay_start_2:
0xee: {  	(tag) =	ssettag $0x2  }
0xef: {  	s0 =	rddreg [dreg:$0x0];
	s2 =	stileid.u32  }
0xf0: {  	s1 =	rddreg [dreg:$0x1];
	p0 =	sne.s32 s2, $0x0  }
0xf1: {  	s3 =	rddreg [dreg:$0x2];
	[bflag:$0x3] =	sbarrier.arrive $0xFFFF;
	s2 =	simm.s32 @!p0 $0x1C02  }
0xf2: {  	[timem:s3], [sflag:s2] =	dma.local @!p0 [hbm:s0], s1  }
0xf3: {  	s0 =	simm.s32 @!p0 $0x2  }
0xf4: {  	_ =	swait.ge @!p0 [sflag:s0], s1  }
0xf5: {  	s1 =	ssub.s32 @!p0 $0x0, s1;
	[sflag:s0] =	ssyncset.done @!p0 $0x0  }
0xf6: {  	[sflag:s0] =	ssyncadd.s32 @!p0 s1  }
0xf7: {  	[bflag:$0x3] =	sbarrier.arrive $0xFFFF  }
0xf8: {  	_ =	shalt  }

// kernel: kernel.7.cloned.1.call-start
scs
__scs_entry_jumppad:
0x0: {  	(pc) =	sbr.rel $0x88, $3  }
0x1: {  	(tag) =	ssettag $0x0;
	lr =	simm.s32 $0x1  }
0x2: {  	[smem:$0x3F94] =	sst lr;
	_ =	strace $0xD0000000  }
0x3: {  	_ = 	snop  }
0x4: {  	_ = 	snop  }
0x5: {  	_ = 	snop  }
0x6: {  	_ = 	snop  }
0x7: {  	_ = 	snop  }
__scs_overlays_trampoline_lowered:
0x8: {  	[smem:$0x3FA3] =	sst s0  }
0x9: {  	[smem:$0x3FA4] =	sst s1  }
0xa: {  	[smem:$0x3FA5] =	sst s2  }
0xb: {  	[smem:$0x3FA6] =	sst s3  }
0xc: {  	[smem:$0x3FA7] =	sst s4  }
0xd: {  	[smem:$0x3FA8] =	sst s5  }
0xe: {  	[smem:$0x3FA9] =	sst s6  }
0xf: {  	[smem:$0x3FAA] =	sst s7  }
0x10: {  	[smem:$0x3FAB] =	sst s8  }
0x11: {  	[smem:$0x3FAC] =	sst s9;
	s0 =	simm.s32 @!p0 $0x0  }
0x12: {  	s1 =	sld [smem:$0x3F92];
	s0 =	simm.s32 @p0 $0x1  }
0x13: {  	[smem:$0x3FAD] =	sst s0;
	s0 =	simm.s32 @!p1 $0x0  }
0x14: {  	s2 =	sld [smem:$0x3F91];
	s0 =	simm.s32 @p1 $0x1  }
0x15: {  	[smem:$0x3FAE] =	sst s0;
	s0 =	simm.s32 @!p2 $0x0  }
0x16: {  	s3 =	sld [smem:$0x3FDB];
	s0 =	simm.s32 @p2 $0x1  }
0x17: {  	s4 =	simm.s32 $0x1BF5;
	[smem:$0x3FB0] =	sst s0  }
0x18: {  	s0 =	sld [smem:$0x3F93];
	_ =	swait.ge [sflag:s4], $0x0  }
0x19: {  	s7 =	sld [smem:$0x3F94]  }
0x1a: {  	s8 =	sadd.s32 $0xFFFFE003, lr  }
0x1b: {  	s9 =	sadd.s32 $0xFFFFFEF7, lr;
	s5 =	simm.s32 $0xFFFFFFFF;
	p2 =	slt.u32 s8, $0xFFFFF086  }
0x1c: {  	p1 =	slt.u32 s9, $0xF7A;
	s5 =	simm.s32 @!p2 $0x0  }
0x1d: {  	s5 =	simm.s32 @p1 $0x1;
	p0 =	seq.s32 s7, s2  }
0x1e: {  	s7 =	smul.u32 @!p0 $0xF7A, s2;
	p2 =	seq.s32 @!p0 s5, $0x0  }
0x1f: {  	s9 =	smul.u32 $0xF7A, s1;
	s8 =	simm.s32 @!p0 $0x1BF5;
	p2 =	por !p2, p0  }
0x20: {  	[sflag:s8] =	ssyncset.s32 @!p0 $0xFFFFF086;
	s6 =	sadd.s32 @!p0 s3, s7;
	s7 =	simm.s32 @!p0 $0x108  }
0x21: {  	s3 =	sadd.s32 s3, s9;
	s6 =	sadd.s32 @!p0 $0x88, s6;
	s7 =	simm.s32 @p2 $0x1082  }
0x22: {  	[simem:s7], [sflag:s8] =	dma.local @!p0 [hbm:s6], $0xF7A  }
0x23: {  	s9 =	sor.u32 $0xD0000000, s2;
	s6 =	simm.s32 $0x108;
	_ =	swait.ge @!p0 [sflag:s8], $0x0  }
0x24: {  	s3 =	sadd.s32 $0x88, s3;
	s6 =	simm.s32 @!p1 $0x1082;
	[sflag:s4] =	ssyncset.s32 $0xFFFFF086  }
0x25: {  	[simem:s6], [sflag:s4] =	dma.local [hbm:s3], $0xF7A  }
0x26: {  	[smem:$0x3F94] =	sst s1;
	(tag) =	ssettag s2;
	_ =	strace s9  }
0x27: {  	s1 =	sld [smem:$0x3FA4]  }
0x28: {  	s2 =	sld [smem:$0x3FA5]  }
0x29: {  	s4 =	sld [smem:$0x3FA7]  }
0x2a: {  	p0 =	seq.s32 s5, $0x0;
	s5 =	sld [smem:$0x3FA8]  }
0x2b: {  	s6 =	sld [smem:$0x3FA9]  }
0x2c: {  	s7 =	sld [smem:$0x3FAA]  }
0x2d: {  	s3 =	simm.s32 $0x108;
	s8 =	sld [smem:$0x3FAB]  }
0x2e: {  	s3 =	simm.s32 @!p0 $0x1082;
	s9 =	sld [smem:$0x3FAC]  }
0x2f: {  	lr =	sadd.s32 s0, s3;
	s0 =	sld [smem:$0x3FA3]  }
0x30: {  	s3 =	sld [smem:$0x3FA6]  }
0x31: {  	[smem:$0x3FAF] =	sst s10  }
0x32: {  	s10 =	sld [smem:$0x3FAD];
	_ =	sdelay $0x3  }
0x33: {  	p0 =	seq.s32 s10, $0x1;
	s10 =	sld [smem:$0x3FAF];
	_ =	sdelay $0x3  }
0x34: {  	[smem:$0x3FAF] =	sst s10  }
0x35: {  	s10 =	sld [smem:$0x3FAE];
	_ =	sdelay $0x3  }
0x36: {  	p1 =	seq.s32 s10, $0x1;
	s10 =	sld [smem:$0x3FAF];
	_ =	sdelay $0x3  }
0x37: {  	[smem:$0x3FAF] =	sst s10  }
0x38: {  	s10 =	sld [smem:$0x3FB0]  }
0x39: {  	_ = 	snop;
	(pc) =	sbr.ind lr, $3  }
0x3a: {  	_ = 	snop  }
0x3b: {  	_ = 	snop  }
0x3c: {  	p2 =	seq.s32 s10, $0x1;
	s10 =	sld [smem:$0x3FAF]  }
0x3d: {  	_ =	shalt  }
0x3e: {  	_ =	shalt  }
0x3f: {  	_ =	shalt  }
0x40: {  	_ =	shalt  }
0x41: {  	_ =	shalt  }
0x42: {  	_ =	shalt  }
0x43: {  	_ =	shalt  }
0x44: {  	_ =	shalt  }
0x45: {  	_ =	shalt  }
0x46: {  	_ =	shalt  }
0x47: {  	_ =	shalt  }
0x48: {  	_ =	shalt  }
0x49: {  	_ =	shalt  }
0x4a: {  	_ =	shalt  }
0x4b: {  	_ =	shalt  }
0x4c: {  	_ =	shalt  }
0x4d: {  	_ =	shalt  }
0x4e: {  	_ =	shalt  }
0x4f: {  	_ =	shalt  }
0x50: {  	_ =	shalt  }
0x51: {  	_ =	shalt  }
0x52: {  	_ =	shalt  }
0x53: {  	_ =	shalt  }
0x54: {  	_ =	shalt  }
0x55: {  	_ =	shalt  }
0x56: {  	_ =	shalt  }
0x57: {  	_ =	shalt  }
0x58: {  	_ =	shalt  }
0x59: {  	_ =	shalt  }
0x5a: {  	_ =	shalt  }
0x5b: {  	_ =	shalt  }
0x5c: {  	_ =	shalt  }
0x5d: {  	_ =	shalt  }
0x5e: {  	_ =	shalt  }
0x5f: {  	_ =	shalt  }
0x60: {  	_ =	shalt  }
0x61: {  	_ =	shalt  }
0x62: {  	_ =	shalt  }
0x63: {  	_ =	shalt  }
0x64: {  	_ =	shalt  }
0x65: {  	_ =	shalt  }
0x66: {  	_ =	shalt  }
0x67: {  	_ =	shalt  }
0x68: {  	_ =	shalt  }
0x69: {  	_ =	shalt  }
0x6a: {  	_ =	shalt  }
0x6b: {  	_ =	shalt  }
0x6c: {  	_ =	shalt  }
0x6d: {  	_ =	shalt  }
0x6e: {  	_ =	shalt  }
0x6f: {  	_ =	shalt  }
0x70: {  	_ =	shalt  }
0x71: {  	_ =	shalt  }
0x72: {  	_ =	shalt  }
0x73: {  	_ =	shalt  }
0x74: {  	_ =	shalt  }
0x75: {  	_ =	shalt  }
0x76: {  	_ =	shalt  }
0x77: {  	_ =	shalt  }
0x78: {  	_ =	shalt  }
0x79: {  	_ =	shalt  }
0x7a: {  	_ =	shalt  }
0x7b: {  	_ =	shalt  }
0x7c: {  	_ =	shalt  }
0x7d: {  	_ =	shalt  }
0x7e: {  	_ =	shalt  }
0x7f: {  	_ =	shalt  }
0x80: {  	_ =	shalt  }
0x81: {  	_ =	shalt  }
0x82: {  	_ =	shalt  }
0x83: {  	_ =	shalt  }
0x84: {  	_ =	shalt  }
0x85: {  	_ =	shalt  }
0x86: {  	_ =	shalt  }
0x87: {  	_ =	shalt  }
.Lfunc_end0:
.L_simem_size_0:
called_computation_lowered:
.L_overlay_start_0:
0x88: {  	s2 =	sld [smem:$0x3FD9]  }
0x89: {  	s3 =	sld [smem:$0x3FFE];
	_ =	sdelay $0x1  }
0x8a: {  	s1 =	srdreg.scid  }
0x8b: {  	s0 =	sand.u32 $0x1, s1  }
0x8c: {  	s15 =	sshll.u32 s0, $0xA;
	s2 =	sadd.s32 s3, s2  }
0x8d: {  	s2 =	sadd.s32 s2, s15  }
0x8e: {  	[smem:$0x3FBB] =	sst s2  }
0x8f: {  	_ = 	snop  }
0x90: {  	s2 =	sld [smem:$0x3FD0];
	_ =	sdelay $0x2  }
0x91: {  	s16 =	simm.s32 $0xB;
	s4 =	simm.s32 $0x10  }
0x92: {  	[smem:s4], [sflag:s16] =	dma.local [hbm:s2], $0x1  }
0x93: {  	_ =	swait.eq [sflag:s16], $0x1  }
0x94: {  	[sflag:s16] =	ssyncset.done $0x0  }
0x95: {  	[sflag:s16] =	ssyncadd.s32 $0xFFFFFFFF  }
0x96: {  	s17 =	sld [smem:$0x11];
	(tm) =	ssettm $0x1  }
0x97: {  	s18 =	sld [smem:$0x3FFB];
	_ =	sdelay $0x3  }
0x98: {  	_ =	strace s18  }
0x99: {  	s2 =	sld [smem:$0x3FFC];
	_ =	sdelay $0x3  }
0x9a: {  	_ =	strace s2  }
0x9b: {  	s2 =	sld [smem:$0x3FFD];
	_ =	sdelay $0x3  }
0x9c: {  	_ =	strace s2  }
0x9d: {  	_ =	strace $0x8FFFFFFF  }
0x9e: {  	s19 =	sld [smem:$0x3FDB];
	_ =	sdelay $0x1  }
0x9f: {  	s20 =	simm.s32 $_scs_section_size  }
0xa0: {  	s5 =	simm.s32 $_size__tile_overlayer_lowered;
	s6 =	simm.s32 $_tile_overlayer_lowered  }
0xa1: {  	s7 =	simm.s32 $0x1BFF;
	s21 =	sshll.u32 s6, $0x1;
	s4 =	sadd.s32 s20, s19  }
0xa2: {  	s22 =	simm.s32 $0x0;
	s5 =	sshll.u32 s5, $0x1;
	s6 =	sadd.s32 s21, s4  }
0xa3: {  	[timem:s22], [sflag:s7] =	dma.local [hbm:s6], s5  }
0xa4: {  	_ =	swait.ge [sflag:s7], s5  }
0xa5: {  	s5 =	ssub.s32 $0x0, s5;
	[sflag:s7] =	ssyncset.done $0x0  }
0xa6: {  	[sflag:s7] =	ssyncadd.s32 s5;
	_ =	sdelay $0x1  }
0xa7: {  	s23 =	simm.s32 $0x1B8B  }
0xa8: {  	_ =	swait.ge [sflag:s23], $0x1  }
0xa9: {  	[sflag:s23] =	ssyncset.done $0x0  }
0xaa: {  	[sflag:s23] =	ssyncadd.s32 $0xFFFFFFFF  }
0xab: {  	s5 =	sld [smem:$0x0]  }
0xac: {  	s6 =	sand.u32 $0xFFFFFFFE, s1  }
0xad: {  	p0 =	sne.s32 s1, s6  }
0xae: {  	s6 =	sshll.u32 @p0 s6, $0xE  }
0xaf: {  	s6 =	sadd.s32 @p0 $0x11B8D, s6;
	s7 =	sshll.u32 @p0 s5, $0x11  }
0xb0: {  	s6 =	sor.u32 @p0 s7, s6  }
0xb1: {  	[sflag:s6] =	ssyncadd.remote.s32 @p0 $0x1;
	_ =	sdelay $0x1  }
0xb2: {  	s6 =	simm.s32 @p0 $0x1B8D  }
0xb3: {  	_ =	swait.eq @p0 [sflag:s6], $0x1  }
0xb4: {  	[sflag:s6] =	ssyncadd.s32 @p0 $0xFFFFFFFF  }
0xb5: {  	s7 =	sshll.u32 @!p0 s1, $0xE  }
0xb6: {  	s7 =	sor.u32 @!p0 $0x4000, s7;
	s6 =	simm.s32 @!p0 $0x1B8D  }
0xb7: {  	s5 =	sshll.u32 @!p0 s5, $0x11;
	s7 =	sadd.s32 @!p0 $0x11B8D, s7;
	_ =	swait.eq @!p0 [sflag:s6], $0x1  }
0xb8: {  	s5 =	sor.u32 @!p0 s5, s7;
	[sflag:s6] =	ssyncadd.s32 @!p0 $0xFFFFFFFF  }
0xb9: {  	s25 =	simm.s32 $0x1B8E;
	s24 =	sld [smem:$0x3FFE];
	[sflag:s5] =	ssyncadd.remote.s32 @!p0 $0x1  }
0xba: {  	s26 =	simm.s32 $execute0_lowered;
	[smem:$0x3FD2] =	sst s25  }
0xbb: {  	s6 =	sshll.u32 s26, $0x1;
	_ =	strace $0x80000049;
	[dreg:$0x1] =	wrdreg $0xFFFFFFFF  }
0xbc: {  	s28 =	simm.s32 $_size_execute0_lowered;
	s4 =	sadd.s32 s4, s6;
	[dreg:$0x0] =	wrdreg $0x0  }
0xbd: {  	s6 =	sshll.u32 s28, $0x1;
	[dreg:$0x2] =	wrdreg s4  }
0xbe: {  	[dreg:$0x3] =	wrdreg s6  }
0xbf: {  	[dreg:$0x4] =	wrdreg $0xC0  }
0xc0: {  	_ =	task [dreg:s22], $0x5FFFF  }
0xc1: {  	[dreg:$0x1] =	wrdreg $0xFFFFFFFF  }
0xc2: {  	[dreg:$0x0] =	wrdreg $0x60  }
0xc3: {  	[dreg:$0x2] =	wrdreg s24  }
0xc4: {  	[dreg:$0x3] =	wrdreg s17  }
0xc5: {  	[dreg:$0x4] =	wrdreg $0xDF000  }
0xc6: {  	[dreg:$0x5] =	wrdreg $0x9  }
0xc7: {  	_ =	task.clear_ibuf [dreg:s22], $0x6FFFF;
	_ =	strace $0x90000049  }
0xc8: {  	s29 =	simm.s32 $0x9;
	_ =	strace $0x8000004B  }
0xc9: {  	_ =	swait.ge [sflag:s29], $0x1  }
0xca: {  	[sflag:s29] =	ssyncadd.s32 $0xFFFFFFFF  }
0xcb: {  	_ =	strace $0x9000004B  }
0xcc: {  	_ =	sfence  }
0xcd: {  	s30 =	sld [smem:$0x0];
	_ =	sdelay $0x2  }
0xce: {  	s31 =	sshll.u32 s1, $0xD;
	s1 =	sshrl.u32 s1, $0x2  }
0xcf: {  	s4 =	sand.u32 $0x4000, s31;
	s1 =	sadd.s32 s1, s30  }
0xd0: {  	s0 =	sor.u32 s4, s0;
	s1 =	sshll.u32 s1, $0x11  }
0xd1: {  	s0 =	sor.u32 s1, s0  }
0xd2: {  	s0 =	sadd.s32 $0x8F2B, s0  }
0xd3: {  	[sflag:s0] =	ssyncadd.remote.s32 $0x1  }
0xd4: {  	_ =	sfence.sel $0xFFFF  }
0xd5: {  	[dreg:$0x0] =	wrdreg $0xFFFFFFFF;
	(pc) =	sbr.abs _section_cstart, $3  }
0xd6: {  	[dreg:$0x1] =	wrdreg $0xFFFFFFFF  }
0xd7: {  	_ =	task.clear_ibuf [dreg:s22], $0x2FFFF;
	_ =	strace $0x9FFFFFFF  }
0xd8: {  	(tm) =	ssettm $0x7FFFFFFF  }
0xd9: {  	_ =	shalt  }
tec
execute0_lowered:
.L_overlay_start_1:
0x0: {  	(tag) =	ssettag $0x1  }
0x1: {  	s0 =	rddreg [dreg:$0x0];
	s1 =	srdreg.scid  }
0x2: {  	s18 =	stileid.u32;
	s22 =	rddreg [dreg:$0x1]  }
0x3: {  	s2 =	rddreg [dreg:$0x2];
	s24 =	simm.s32 $0x6880;
	s25 =	simm.s32 $0x2  }
0x4: {  	s29 =	simm.s32 $0x1;
	s30 =	simm.s32 $0x80;
	s31 =	simm.s32 $0x0  }
0x5: {  	s1 =	sand.u32 $0x1, s1;
	s3 =	sshll.u32 s18, $0x1;
	s21 =	sshll.u32 s18, $0xB  }
0x6: {  	s4 =	sor.u32 s1, s3;
	s3 =	simm.s32 $0x0;
	s6 =	ssub.s32 $0x2, s1  }
0x7: {  	s1 =	sshll.u32 s1, $0xF;
	s5 =	smul.u32 $0x680, s4;
	[smem:$0x7FF] =	sst s3  }
0x8: {  	s4 =	smul.u32 $0xD0, s4;
	s7 =	sshrl.u32 s6, $0x1;
	s1 =	sor.u32 s21, s1  }
0x9: {  	s21 =	sadd.s32 s21, s2;
	_ =	strace $0x8000004A;
	s23 =	ssub.s32 s6, s7  }
0xa: {  	s28 =	sshrl.u32 s1, $0x3;
	s5 =	sshrl.u32 s5, $0x3;
	s4 =	sadd.s32 s4, s0  }
0xb: {  	s22 =	sadd.s32 s22, s28;
	s0 =	sadd.s32 s5, s0;
	s4 =	sadd.s32 $0x1C800, s4  }
0xc: {  	s23 =	smax.u32 s23, $0x1;
	[dreg:$0x4] =	wrdreg s4;
	s5 =	sadd.s32 $0x1E200, s0  }
0xd: {  	s6 =	sadd.s32 $0x1FC00, s0;
	s7 =	sadd.s32 $0x21600, s0;
	s8 =	sadd.s32 $0x23000, s0  }
0xe: {  	s9 =	sadd.s32 $0x24A00, s0;
	s10 =	sadd.s32 $0x26400, s0;
	s11 =	sadd.s32 $0x27E00, s0  }
0xf: {  	v1 =	vlaneseq.u32;
	s12 =	sadd.s32 $0x29800, s0;
	s13 =	sadd.s32 $0x2B200, s0;
	s14 =	sadd.s32 $0x2CC00, s0  }
0x10: {  	v1 =	vmul.u32 $0x688, v1;
	s15 =	sadd.s32 $0x2E600, s0;
	s16 =	sadd.s32 $0x30000, s0;
	s17 =	sadd.s32 $0x31A00, s0  }
0x11: {  	v0 =	vimm.f32 $0.0e+00;
	s18 =	sadd.s32 $0x33400, s0;
	s19 =	sadd.s32 $0x34E00, s0;
	s20 =	sadd.s32 $0x36800, s0  }
.LBB2_1:
0x12: {  	s0 =	rddreg [dreg:$0x4]  }
0x13: {  	[tilespmem:s24], [sflag:$0x2] =	stream.linear.gather [hbm4b:s0+s3], $0x680, $0x38;
	[tilespmem:$0xE700] =	vst v63  }
0x14: {  	_ =	swait.ge [sflag:s25], $0x680  }
0x15: {  	[sflag:s25] =	ssyncset.done $0x0  }
0x16: {  	[sflag:s25] =	ssyncadd.s32 $0xFFFFF980  }
0x17: {  	[tilespmem:s3], [sflag:$0x1] =	stream.linear.gather [hbm4b:s5+s3], $0x680, $0x38;
	[tilespmem:$0xE700] =	vst v63  }
0x18: {  	s4 =	simm.s32 $0x688  }
0x19: {  	[tilespmem:s4], [sflag:$0x1] =	stream.linear.gather [hbm4b:s6+s3], $0x680, $0x38;
	[tilespmem:$0xE700] =	vst v63  }
0x1a: {  	s26 =	simm.s32 $0xD10  }
0x1b: {  	[tilespmem:s26], [sflag:$0x1] =	stream.linear.gather [hbm4b:s7+s3], $0x680, $0x38;
	[tilespmem:$0xE700] =	vst v63  }
0x1c: {  	s28 =	simm.s32 $0x1398  }
0x1d: {  	[tilespmem:s28], [sflag:$0x1] =	stream.linear.gather [hbm4b:s8+s3], $0x680, $0x38;
	[tilespmem:$0xE700] =	vst v63  }
0x1e: {  	s1 =	simm.s32 $0x1A20  }
0x1f: {  	[tilespmem:s1], [sflag:$0x1] =	stream.linear.gather [hbm4b:s9+s3], $0x680, $0x38;
	[tilespmem:$0xE700] =	vst v63  }
0x20: {  	s4 =	simm.s32 $0x20A8  }
0x21: {  	[tilespmem:s4], [sflag:$0x1] =	stream.linear.gather [hbm4b:s10+s3], $0x680, $0x38;
	[tilespmem:$0xE700] =	vst v63  }
0x22: {  	s26 =	simm.s32 $0x2730  }
0x23: {  	[tilespmem:s26], [sflag:$0x1] =	stream.linear.gather [hbm4b:s11+s3], $0x680, $0x38;
	[tilespmem:$0xE700] =	vst v63  }
0x24: {  	s28 =	simm.s32 $0x2DB8  }
0x25: {  	[tilespmem:s28], [sflag:$0x1] =	stream.linear.gather [hbm4b:s12+s3], $0x680, $0x38;
	[tilespmem:$0xE700] =	vst v63  }
0x26: {  	s1 =	simm.s32 $0x3440  }
0x27: {  	[tilespmem:s1], [sflag:$0x1] =	stream.linear.gather [hbm4b:s13+s3], $0x680, $0x38;
	[tilespmem:$0xE700] =	vst v63  }
0x28: {  	s4 =	simm.s32 $0x3AC8  }
0x29: {  	[tilespmem:s4], [sflag:$0x1] =	stream.linear.gather [hbm4b:s14+s3], $0x680, $0x38;
	[tilespmem:$0xE700] =	vst v63  }
0x2a: {  	s26 =	simm.s32 $0x4150  }
0x2b: {  	[tilespmem:s26], [sflag:$0x1] =	stream.linear.gather [hbm4b:s15+s3], $0x680, $0x38;
	[tilespmem:$0xE700] =	vst v63  }
0x2c: {  	s28 =	simm.s32 $0x47D8  }
0x2d: {  	[tilespmem:s28], [sflag:$0x1] =	stream.linear.gather [hbm4b:s16+s3], $0x680, $0x38;
	[tilespmem:$0xE700] =	vst v63  }
0x2e: {  	s1 =	simm.s32 $0x4E60  }
0x2f: {  	[tilespmem:s1], [sflag:$0x1] =	stream.linear.gather [hbm4b:s17+s3], $0x680, $0x38;
	[tilespmem:$0xE700] =	vst v63  }
0x30: {  	s4 =	simm.s32 $0x54E8  }
0x31: {  	[tilespmem:s4], [sflag:$0x1] =	stream.linear.gather [hbm4b:s18+s3], $0x680, $0x38;
	[tilespmem:$0xE700] =	vst v63  }
0x32: {  	s26 =	simm.s32 $0x5B70  }
0x33: {  	[tilespmem:s26], [sflag:$0x1] =	stream.linear.gather [hbm4b:s19+s3], $0x680, $0x38;
	[tilespmem:$0xE700] =	vst v63  }
0x34: {  	s0 =	simm.s32 $0xD740;
	s28 =	simm.s32 $0x61F8  }
0x35: {  	[tilespmem:s28], [sflag:$0x1] =	stream.linear.gather [hbm4b:s20+s3], $0x680, $0x38;
	[tilespmem:$0xE700] =	vst v63  }
0x36: {  	[tilespmem:s0+$0xFFFFFFC0] =	vst v0  }
0x37: {  	[tilespmem:s0+$0x30] =	vst v0  }
0x38: {  	[tilespmem:s0+$0x20] =	vst v0  }
0x39: {  	[tilespmem:s0+$0x10] =	vst v0  }
0x3a: {  	[tilespmem:s0+$0x0] =	vst v0  }
0x3b: {  	[tilespmem:s0+$0xFFFFFFF0] =	vst v0  }
0x3c: {  	s1 =	simm.s32 $0x0;
	[tilespmem:s0+$0xFFFFFFE0] =	vst v0  }
.LBB2_2:
0x3d: {  	s1 =	sadd.s32 $0x8, s1;
	[tilespmem:s0+$0xFFFFFFD0] =	vst v0;
	s0 =	sadd.s32 $0x80, s0  }
0x3e: {  	[tilespmem:s0+$0xFFFFFFC0] =	vst v0;
	p0 =	slt.u32 s1, $0x78  }
0x3f: {  	[tilespmem:s0+$0x30] =	vst v0  }
.Ltmp0:
0x40: {  	[tilespmem:s0+$0x20] =	vst v0;
	(pc) =	sbr.rel @p0 .LBB2_2-.Ltmp0, $4  }
0x41: {  	[tilespmem:s0+$0x10] =	vst v0  }
0x42: {  	[tilespmem:s0+$0x0] =	vst v0  }
0x43: {  	[tilespmem:s0+$0xFFFFFFF0] =	vst v0  }
0x44: {  	[tilespmem:s0+$0xFFFFFFE0] =	vst v0  }
0x45: {  	[tilespmem:s0+$0xFFFFFFD0] =	vst v0;
	s1 =	simm.s32 $0xD700  }
0x46: {  	[spmem:s21] =	stream.linear.scatter [tilespmem:s1], [sflag:$0x2], $0x800, $0x38;
	[tilespmem:$0xE700] =	vst v63  }
0x47: {  	_ =	swait.ge [sflag:s25], $0x800  }
0x48: {  	[sflag:s25] =	ssyncset.done $0x0  }
0x49: {  	[sflag:s25] =	ssyncadd.s32 $0xFFFFF800  }
0x4a: {  	_ =	swait.ge [sflag:s29], $0x680  }
0x4b: {  	[sflag:s29] =	ssyncset.done $0x0  }
0x4c: {  	[sflag:s29] =	ssyncadd.s32 $0xFFFFF980  }
0x4d: {  	_ =	swait.ge [sflag:s29], $0x680  }
0x4e: {  	[sflag:s29] =	ssyncset.done $0x0  }
0x4f: {  	[sflag:s29] =	ssyncadd.s32 $0xFFFFF980  }
0x50: {  	_ =	swait.ge [sflag:s29], $0x680  }
0x51: {  	[sflag:s29] =	ssyncset.done $0x0  }
0x52: {  	[sflag:s29] =	ssyncadd.s32 $0xFFFFF980  }
0x53: {  	_ =	swait.ge [sflag:s29], $0x680  }
0x54: {  	[sflag:s29] =	ssyncset.done $0x0  }
0x55: {  	[sflag:s29] =	ssyncadd.s32 $0xFFFFF980  }
0x56: {  	_ =	swait.ge [sflag:s29], $0x680  }
0x57: {  	[sflag:s29] =	ssyncset.done $0x0  }
0x58: {  	[sflag:s29] =	ssyncadd.s32 $0xFFFFF980  }
0x59: {  	_ =	swait.ge [sflag:s29], $0x680  }
0x5a: {  	[sflag:s29] =	ssyncset.done $0x0  }
0x5b: {  	[sflag:s29] =	ssyncadd.s32 $0xFFFFF980  }
0x5c: {  	_ =	swait.ge [sflag:s29], $0x680  }
0x5d: {  	[sflag:s29] =	ssyncset.done $0x0  }
0x5e: {  	[sflag:s29] =	ssyncadd.s32 $0xFFFFF980  }
0x5f: {  	_ =	swait.ge [sflag:s29], $0x680  }
0x60: {  	[sflag:s29] =	ssyncset.done $0x0  }
0x61: {  	[sflag:s29] =	ssyncadd.s32 $0xFFFFF980  }
0x62: {  	_ =	swait.ge [sflag:s29], $0x680  }
0x63: {  	[sflag:s29] =	ssyncset.done $0x0  }
0x64: {  	[sflag:s29] =	ssyncadd.s32 $0xFFFFF980  }
0x65: {  	_ =	swait.ge [sflag:s29], $0x680  }
0x66: {  	[sflag:s29] =	ssyncset.done $0x0  }
0x67: {  	[sflag:s29] =	ssyncadd.s32 $0xFFFFF980  }
0x68: {  	_ =	swait.ge [sflag:s29], $0x680  }
0x69: {  	[sflag:s29] =	ssyncset.done $0x0  }
0x6a: {  	[sflag:s29] =	ssyncadd.s32 $0xFFFFF980  }
0x6b: {  	_ =	swait.ge [sflag:s29], $0x680  }
0x6c: {  	[sflag:s29] =	ssyncset.done $0x0  }
0x6d: {  	[sflag:s29] =	ssyncadd.s32 $0xFFFFF980  }
0x6e: {  	_ =	swait.ge [sflag:s29], $0x680  }
0x6f: {  	[sflag:s29] =	ssyncset.done $0x0  }
0x70: {  	[sflag:s29] =	ssyncadd.s32 $0xFFFFF980  }
0x71: {  	_ =	swait.ge [sflag:s29], $0x680  }
0x72: {  	[sflag:s29] =	ssyncset.done $0x0  }
0x73: {  	[sflag:s29] =	ssyncadd.s32 $0xFFFFF980  }
0x74: {  	s4 =	simm.s32 $0xF;
	_ =	swait.ge [sflag:s29], $0x680  }
0x75: {  	s1 =	simm.s32 $0x1;
	v2 =	vadd.s32 s4, v1;
	[sflag:s29] =	ssyncset.done $0x0  }
0x76: {  	s26 =	simm.s32 $0x2;
	v3 =	vadd.s32 s1, v1;
	[sflag:s29] =	ssyncadd.s32 $0xFFFFF980  }
0x77: {  	v4 =	vadd.s32 s26, v1;
	s1 =	simm.s32 $0x3;
	_ =	swait.ge [sflag:s29], $0x680  }
0x78: {  	s4 =	simm.s32 $0x4;
	v5 =	vadd.s32 s1, v1;
	[sflag:s29] =	ssyncset.done $0x0  }
0x79: {  	s26 =	simm.s32 $0x5;
	v6 =	vadd.s32 s4, v1;
	[sflag:s29] =	ssyncadd.s32 $0xFFFFF980  }
0x7a: {  	v7 =	vadd.s32 s26, v1;
	s1 =	simm.s32 $0x6;
	v8 =	vld.idx.msk [tilespmem:v2+s3+$0x0], $0xffff  }
0x7b: {  	s4 =	simm.s32 $0x7;
	v9 =	vld.idx.msk [tilespmem:v3+s3+$0x0], $0xffff;
	v2 =	vadd.s32 s1, v1  }
0x7c: {  	s26 =	simm.s32 $0x8;
	v10 =	vld.idx.msk [tilespmem:v4+s3+$0x0], $0xffff;
	v4 =	vadd.s32 s4, v1  }
0x7d: {  	v11 =	vld.idx.msk [tilespmem:v5+s3+$0x0], $0xffff;
	v5 =	vadd.s32 s26, v1;
	s1 =	simm.s32 $0x9  }
0x7e: {  	v13 =	vld.idx.msk [tilespmem:v6+s3+$0x0], $0xffff;
	s4 =	simm.s32 $0xA;
	v6 =	vadd.s32 s1, v1  }
0x7f: {  	v3 =	vld.idx.msk [tilespmem:v7+s3+$0x0], $0xffff;
	s26 =	simm.s32 $0xB;
	s1 =	simm.s32 $0x6F80;
	v7 =	vadd.s32 s4, v1  }
0x80: {  	s0 =	simm.s32 $0xC;
	v2 =	vld.idx.msk [tilespmem:v2+s3+$0x0], $0xffff;
	[tilespmem:s1+$0xFFFFFF90] =	vst v9;
	v9 =	vadd.s32 s26, v1  }
0x81: {  	v12 =	vadd.s32 s0, v1;
	[tilespmem:s1+$0x70] =	vst v8;
	v4 =	vld.idx.msk [tilespmem:v4+s3+$0x0], $0xffff;
	s26 =	simm.s32 $0xD  }
0x82: {  	[tilespmem:s1+$0xFFFFFFA0] =	vst v10;
	v5 =	vld.idx.msk [tilespmem:v5+s3+$0x0], $0xffff;
	v10 =	vadd.s32 s26, v1;
	s26 =	simm.s32 $0xE  }
0x83: {  	s4 =	simm.s32 $0x0;
	[tilespmem:s1+$0xFFFFFFB0] =	vst v11;
	v6 =	vld.idx.msk [tilespmem:v6+s3+$0x0], $0xffff;
	v11 =	vadd.s32 s26, v1  }
0x84: {  	s28 =	simm.s32 $0x1F;
	s0 =	simm.s32 $0x10;
	v8 =	vadd.s32 s4, v1;
	[tilespmem:s1+$0xFFFFFFC0] =	vst v13;
	v7 =	vld.idx.msk [tilespmem:v7+s3+$0x0], $0xffff;
	s26 =	simm.s32 $0x20  }
.LBB2_4:
0x85: {  	p0 =	slt.u32 s26, $0x670;
	s4 =	sadd.s32 $0x1, s0;
	v13 =	vadd.s32 s28, v1;
	[tilespmem:s1+$0xFFFFFFD0] =	vst v3;
	v3 =	vld.idx.msk [tilespmem:v9+s3+$0x0], $0xffff  }
0x86: {  	v9 =	vadd.s32 s4, v1;
	s4 =	sadd.s32 $0x2, s0;
	[tilespmem:s1+$0xFFFFFFE0] =	vst v2;
	v2 =	vld.idx.msk [tilespmem:v12+s3+$0x0], $0xffff  }
0x87: {  	v12 =	vadd.s32 s4, v1;
	s4 =	sadd.s32 $0x3, s0;
	[tilespmem:s1+$0xFFFFFFF0] =	vst v4;
	v4 =	vld.idx.msk [tilespmem:v10+s3+$0x0], $0xffff  }
0x88: {  	v10 =	vadd.s32 s4, v1;
	s4 =	sadd.s32 $0x4, s0;
	[tilespmem:s1+$0x0] =	vst v5;
	v5 =	vld.idx.msk [tilespmem:v11+s3+$0x0], $0xffff  }
0x89: {  	v11 =	vadd.s32 s4, v1;
	s4 =	sadd.s32 $0x5, s0;
	v8 =	vld.idx.msk [tilespmem:v8+s3+$0x0], $0xffff;
	[tilespmem:s1+$0x10] =	vst v6  }
0x8a: {  	v6 =	vadd.s32 s4, v1;
	s4 =	sadd.s32 $0x6, s0;
	v13 =	vld.idx.msk [tilespmem:v13+s3+$0x0], $0xffff;
	[tilespmem:s1+$0x20] =	vst v7  }
0x8b: {  	v7 =	vld.idx.msk [tilespmem:v9+s3+$0x0], $0xffff;
	v9 =	vadd.s32 s4, v1;
	s4 =	sadd.s32 $0x7, s0;
	[tilespmem:s1+$0x30] =	vst v3  }
0x8c: {  	v14 =	vld.idx.msk [tilespmem:v12+s3+$0x0], $0xffff;
	v12 =	vadd.s32 s4, v1;
	s4 =	sadd.s32 $0x8, s0;
	[tilespmem:s1+$0x40] =	vst v2  }
0x8d: {  	v15 =	vld.idx.msk [tilespmem:v10+s3+$0x0], $0xffff;
	v10 =	vadd.s32 s4, v1;
	s4 =	sadd.s32 $0x9, s0;
	[tilespmem:s1+$0x50] =	vst v4  }
0x8e: {  	v16 =	vld.idx.msk [tilespmem:v11+s3+$0x0], $0xffff;
	v11 =	vadd.s32 s4, v1;
	s4 =	sadd.s32 $0xA, s0;
	[tilespmem:s1+$0x60] =	vst v5  }
0x8f: {  	v3 =	vld.idx.msk [tilespmem:v6+s3+$0x0], $0xffff;
	v17 =	vadd.s32 s4, v1;
	s4 =	sadd.s32 $0xB, s0;
	[tilespmem:s1+$0xFFFFFF80] =	vst v8;
	s1 =	sadd.s32 $0x100, s1  }
.Ltmp1:
0x90: {  	v2 =	vld.idx.msk [tilespmem:v9+s3+$0x0], $0xffff;
	v9 =	vadd.s32 s4, v1;
	s4 =	sadd.s32 $0xC, s0;
	[tilespmem:s1+$0x70] =	vst v13;
	(pc) =	sbr.rel @p0 .LBB2_4-.Ltmp1, $4  }
0x91: {  	[tilespmem:s1+$0xFFFFFF90] =	vst v7;
	v4 =	vld.idx.msk [tilespmem:v12+s3+$0x0], $0xffff;
	v12 =	vadd.s32 s4, v1;
	s4 =	sadd.s32 $0xD, s0  }
0x92: {  	[tilespmem:s1+$0xFFFFFFA0] =	vst v14;
	v5 =	vld.idx.msk [tilespmem:v10+s3+$0x0], $0xffff;
	v10 =	vadd.s32 s4, v1;
	s4 =	sadd.s32 $0xE, s0  }
0x93: {  	[tilespmem:s1+$0xFFFFFFB0] =	vst v15;
	v6 =	vld.idx.msk [tilespmem:v11+s3+$0x0], $0xffff;
	v11 =	vadd.s32 s4, v1  }
0x94: {  	s28 =	sadd.s32 $0xF, s26;
	v8 =	vadd.s32 s0, v1;
	s0 =	smov.u32 s26;
	s26 =	sadd.s32 $0x10, s26;
	[tilespmem:s1+$0xFFFFFFC0] =	vst v16;
	v7 =	vld.idx.msk [tilespmem:v17+s3+$0x0], $0xffff  }
0x95: {  	_ =	sdelay $0x2  }
0x96: {  	[tilespmem:s1+$0xFFFFFFD0] =	vst v3  }
0x97: {  	v3 =	vadd.s32 s28, v1;
	v9 =	vld.idx.msk [tilespmem:v9+s3+$0x0], $0xffff;
	[tilespmem:s1+$0xFFFFFFE0] =	vst v2  }
0x98: {  	s4 =	sadd.s32 $0x1, s0;
	v12 =	vld.idx.msk [tilespmem:v12+s3+$0x0], $0xffff;
	v60 =	vadd.s32 s0, v1;
	[tilespmem:s1+$0xFFFFFFF0] =	vst v4  }
0x99: {  	s28 =	sadd.s32 $0x2, s0;
	v10 =	vld.idx.msk [tilespmem:v10+s3+$0x0], $0xffff;
	v2 =	vadd.s32 s4, v1;
	[tilespmem:s1+$0x0] =	vst v5  }
0x9a: {  	s26 =	sadd.s32 $0x3, s0;
	v11 =	vld.idx.msk [tilespmem:v11+s3+$0x0], $0xffff;
	v46 =	vadd.s32 s28, v1;
	[tilespmem:s1+$0x10] =	vst v6  }
0x9b: {  	v8 =	vld.idx.msk [tilespmem:v8+s3+$0x0], $0xffff;
	v47 =	vadd.s32 s26, v1;
	s28 =	sadd.s32 $0x4, s0;
	[tilespmem:s1+$0x20] =	vst v7  }
0x9c: {  	s26 =	sadd.s32 $0x5, s0;
	v48 =	vadd.s32 s28, v1;
	s28 =	sadd.s32 $0x6, s0;
	v3 =	vld.idx.msk [tilespmem:v3+s3+$0x0], $0xffff;
	[tilespmem:s1+$0x30] =	vst v9  }
0x9d: {  	v49 =	vadd.s32 s26, v1;
	s26 =	sadd.s32 $0x7, s0;
	v50 =	vadd.s32 s28, v1;
	s28 =	sadd.s32 $0x8, s0;
	[tilespmem:s1+$0x40] =	vst v12;
	v63 =	vld.idx.msk [tilespmem:v60+s3+$0x0], $0xffff  }
0x9e: {  	v51 =	vadd.s32 s26, v1;
	s26 =	sadd.s32 $0x9, s0;
	v52 =	vadd.s32 s28, v1;
	[tilespmem:s1+$0x50] =	vst v10;
	v2 =	vld.idx.msk [tilespmem:v2+s3+$0x0], $0xffff  }
0x9f: {  	v53 =	vadd.s32 s26, v1;
	[tilespmem:s1+$0x60] =	vst v11;
	v4 =	vld.idx.msk [tilespmem:v46+s3+$0x0], $0xffff  }
0xa0: {  	[tilespmem:s1+$0xFFFFFF80] =	vst v8;
	s1 =	sadd.s32 $0x100, s1;
	v5 =	vld.idx.msk [tilespmem:v47+s3+$0x0], $0xffff  }
0xa1: {  	s28 =	sadd.s32 $0xA, s0;
	v6 =	vld.idx.msk [tilespmem:v48+s3+$0x0], $0xffff;
	[tilespmem:s1+$0x70] =	vst v3  }
0xa2: {  	s26 =	sadd.s32 $0xB, s0;
	v54 =	vadd.s32 s28, v1;
	s28 =	sadd.s32 $0xC, s0;
	v7 =	vld.idx.msk [tilespmem:v49+s3+$0x0], $0xffff;
	[tilespmem:s1+$0xFFFFFF80] =	vst v63  }
0xa3: {  	v55 =	vadd.s32 s26, v1;
	v56 =	vadd.s32 s28, v1;
	s28 =	sadd.s32 $0xE, s0;
	v57 =	vld.idx.msk [tilespmem:v52+s3+$0x0], $0xffff;
	[tilespmem:s1+$0xFFFFFF90] =	vst v2  }
0xa4: {  	v59 =	vadd.s32 s28, v1;
	v11 =	vld.idx.msk [tilespmem:v53+s3+$0x0], $0xffff;
	[tilespmem:s1+$0xFFFFFFA0] =	vst v4  }
0xa5: {  	s26 =	sadd.s32 $0xD, s0;
	v3 =	vld.idx.msk [tilespmem:v50+s3+$0x0], $0xffff;
	[tilespmem:s1+$0xFFFFFFB0] =	vst v5  }
0xa6: {  	v58 =	vadd.s32 s26, v1;
	v2 =	vld.idx.msk [tilespmem:v51+s3+$0x0], $0xffff;
	[tilespmem:s1+$0xFFFFFFC0] =	vst v6  }
0xa7: {  	v8 =	vld.idx.msk [tilespmem:v54+s3+$0x0], $0xffff;
	[tilespmem:s1+$0xFFFFFFD0] =	vst v7  }
0xa8: {  	v61 =	vld.idx.msk [tilespmem:v55+s3+$0x0], $0xffff;
	[tilespmem:s1+$0x0] =	vst v57  }
0xa9: {  	v62 =	vld.idx.msk [tilespmem:v59+s3+$0x0], $0xffff;
	[tilespmem:s1+$0x10] =	vst v11  }
0xaa: {  	[tilespmem:s1+$0xFFFFFFE0] =	vst v3;
	v3 =	vld.idx.msk [tilespmem:v56+s3+$0x0], $0xffff  }
0xab: {  	[tilespmem:s1+$0xFFFFFFF0] =	vst v2;
	v2 =	vld.idx.msk [tilespmem:v58+s3+$0x0], $0xffff  }
0xac: {  	[tilespmem:s1+$0x20] =	vst v8  }
0xad: {  	[tilespmem:s1+$0x30] =	vst v61  }
0xae: {  	[tilespmem:s1+$0x60] =	vst v62  }
0xaf: {  	[tilespmem:s1+$0x40] =	vst v3  }
0xb0: {  	[tilespmem:s1+$0x50] =	vst v2  }
0xb1: {  	s4 =	simm.s32 $0x6F00;
	[bflag:$0x0] =	sbarrier.arrive $0xFFFF  }
0xb2: {  	[spmem:s2] =	stream.indirect.scatter.add.f32 [tilespmem:s4], [sflag:$0x2], $0x10, s24, s30, $0xb8;
	[tilespmem:$0xE700] =	vst v63  }
0xb3: {  	_ =	swait.ge [sflag:s25], $0x800  }
0xb4: {  	[sflag:s25] =	ssyncset.done $0x0  }
0xb5: {  	s26 =	simm.s32 $0x6900;
	s28 =	simm.s32 $0x7700;
	[sflag:s25] =	ssyncadd.s32 $0xFFFFF800  }
0xb6: {  	[spmem:s2] =	stream.indirect.scatter.add.f32 [tilespmem:s28], [sflag:$0x2], $0x10, s26, s30, $0xb8;
	[tilespmem:$0xE700] =	vst v63  }
0xb7: {  	_ =	swait.ge [sflag:s25], $0x800  }
0xb8: {  	[sflag:s25] =	ssyncset.done $0x0  }
0xb9: {  	s1 =	simm.s32 $0x6980;
	s4 =	simm.s32 $0x7F00;
	[sflag:s25] =	ssyncadd.s32 $0xFFFFF800  }
0xba: {  	[spmem:s2] =	stream.indirect.scatter.add.f32 [tilespmem:s4], [sflag:$0x2], $0x10, s1, s30, $0xb8;
	[tilespmem:$0xE700] =	vst v63  }
0xbb: {  	_ =	swait.ge [sflag:s25], $0x800  }
0xbc: {  	[sflag:s25] =	ssyncset.done $0x0  }
0xbd: {  	s26 =	simm.s32 $0x6A00;
	s28 =	simm.s32 $0x8700;
	[sflag:s25] =	ssyncadd.s32 $0xFFFFF800  }
0xbe: {  	[spmem:s2] =	stream.indirect.scatter.add.f32 [tilespmem:s28], [sflag:$0x2], $0x10, s26, s30, $0xb8;
	[tilespmem:$0xE700] =	vst v63  }
0xbf: {  	_ =	swait.ge [sflag:s25], $0x800  }
0xc0: {  	[sflag:s25] =	ssyncset.done $0x0  }
0xc1: {  	s1 =	simm.s32 $0x6A80;
	s4 =	simm.s32 $0x8F00;
	[sflag:s25] =	ssyncadd.s32 $0xFFFFF800  }
0xc2: {  	[spmem:s2] =	stream.indirect.scatter.add.f32 [tilespmem:s4], [sflag:$0x2], $0x10, s1, s30, $0xb8;
	[tilespmem:$0xE700] =	vst v63  }
0xc3: {  	_ =	swait.ge [sflag:s25], $0x800  }
0xc4: {  	[sflag:s25] =	ssyncset.done $0x0  }
0xc5: {  	s26 =	simm.s32 $0x6B00;
	s28 =	simm.s32 $0x9700;
	[sflag:s25] =	ssyncadd.s32 $0xFFFFF800  }
0xc6: {  	[spmem:s2] =	stream.indirect.scatter.add.f32 [tilespmem:s28], [sflag:$0x2], $0x10, s26, s30, $0xb8;
	[tilespmem:$0xE700] =	vst v63  }
0xc7: {  	_ =	swait.ge [sflag:s25], $0x800  }
0xc8: {  	[sflag:s25] =	ssyncset.done $0x0  }
0xc9: {  	s1 =	simm.s32 $0x6B80;
	s4 =	simm.s32 $0x9F00;
	[sflag:s25] =	ssyncadd.s32 $0xFFFFF800  }
0xca: {  	[spmem:s2] =	stream.indirect.scatter.add.f32 [tilespmem:s4], [sflag:$0x2], $0x10, s1, s30, $0xb8;
	[tilespmem:$0xE700] =	vst v63  }
0xcb: {  	_ =	swait.ge [sflag:s25], $0x800  }
0xcc: {  	[sflag:s25] =	ssyncset.done $0x0  }
0xcd: {  	s26 =	simm.s32 $0x6C00;
	s28 =	simm.s32 $0xA700;
	[sflag:s25] =	ssyncadd.s32 $0xFFFFF800  }
0xce: {  	[spmem:s2] =	stream.indirect.scatter.add.f32 [tilespmem:s28], [sflag:$0x2], $0x10, s26, s30, $0xb8;
	[tilespmem:$0xE700] =	vst v63  }
0xcf: {  	_ =	swait.ge [sflag:s25], $0x800  }
0xd0: {  	[sflag:s25] =	ssyncset.done $0x0  }
0xd1: {  	s1 =	simm.s32 $0x6C80;
	s4 =	simm.s32 $0xAF00;
	[sflag:s25] =	ssyncadd.s32 $0xFFFFF800  }
0xd2: {  	[spmem:s2] =	stream.indirect.scatter.add.f32 [tilespmem:s4], [sflag:$0x2], $0x10, s1, s30, $0xb8;
	[tilespmem:$0xE700] =	vst v63  }
0xd3: {  	_ =	swait.ge [sflag:s25], $0x800  }
0xd4: {  	[sflag:s25] =	ssyncset.done $0x0  }
0xd5: {  	s26 =	simm.s32 $0x6D00;
	s28 =	simm.s32 $0xB700;
	[sflag:s25] =	ssyncadd.s32 $0xFFFFF800  }
0xd6: {  	[spmem:s2] =	stream.indirect.scatter.add.f32 [tilespmem:s28], [sflag:$0x2], $0x10, s26, s30, $0xb8;
	[tilespmem:$0xE700] =	vst v63  }
0xd7: {  	_ =	swait.ge [sflag:s25], $0x800  }
0xd8: {  	[sflag:s25] =	ssyncset.done $0x0  }
0xd9: {  	s1 =	simm.s32 $0x6D80;
	s4 =	simm.s32 $0xBF00;
	[sflag:s25] =	ssyncadd.s32 $0xFFFFF800  }
0xda: {  	[spmem:s2] =	stream.indirect.scatter.add.f32 [tilespmem:s4], [sflag:$0x2], $0x10, s1, s30, $0xb8;
	[tilespmem:$0xE700] =	vst v63  }
0xdb: {  	_ =	swait.ge [sflag:s25], $0x800  }
0xdc: {  	[sflag:s25] =	ssyncset.done $0x0  }
0xdd: {  	s26 =	simm.s32 $0x6E00;
	s28 =	simm.s32 $0xC700;
	[sflag:s25] =	ssyncadd.s32 $0xFFFFF800  }
0xde: {  	[spmem:s2] =	stream.indirect.scatter.add.f32 [tilespmem:s28], [sflag:$0x2], $0x10, s26, s30, $0xb8;
	[tilespmem:$0xE700] =	vst v63  }
0xdf: {  	_ =	swait.ge [sflag:s25], $0x800  }
0xe0: {  	[sflag:s25] =	ssyncset.done $0x0  }
0xe1: {  	s1 =	simm.s32 $0x6E80;
	s4 =	simm.s32 $0xCF00;
	[sflag:s25] =	ssyncadd.s32 $0xFFFFF800  }
0xe2: {  	[spmem:s2] =	stream.indirect.scatter.add.f32 [tilespmem:s4], [sflag:$0x2], $0x10, s1, s30, $0xb8;
	[tilespmem:$0xE700] =	vst v63  }
0xe3: {  	s31 =	sadd.s32 $0x1, s31;
	_ =	swait.ge [sflag:s25], $0x800  }
0xe4: {  	p0 =	sne.s32 s31, s23;
	s26 =	stileid.u32;
	[sflag:s25] =	ssyncset.done $0x0  }
0xe5: {  	s28 =	sshrl.u32 s21, $0x3;
	s0 =	sshll.u32 s26, $0x6;
	[sflag:s25] =	ssyncadd.s32 $0xFFFFF800  }
.Ltmp2:
0xe6: {  	s0 =	sor.u32 $0x1C02, s0;
	[bflag:$0x0] =	sbarrier.arrive $0xFFFF;
	(pc) =	sbr.rel @p0 .LBB2_1-.Ltmp2, $4  }
0xe7: {  	[hbm:s22], [sflag:s0] =	dma.local [spmem:s28], $0x100  }
0xe8: {  	_ =	swait.ge [sflag:s25], $0x100  }
0xe9: {  	[sflag:s25] =	ssyncset.done $0x0  }
0xea: {  	[sflag:s25] =	ssyncadd.s32 $0xFFFFFF00  }
0xeb: {  	_ =	sfence.sel $0x180000  }
0xec: {  	[bflag:$0x0] =	sbarrier.arrive $0xFFFF  }
0xed: {  	_ =	strace $0x9000004A  }
0xee: {  	s0 =	stileid.u32;
	[bflag:$0x2] =	sbarrier.arrive $0xFFFF  }
0xef: {  	p0 =	sne.s32 s0, $0x0;
	s0 =	rddreg [dreg:$0x3]  }
0xf0: {  	s0 =	sadd.s32 @!p0 $0x100000, s0  }
0xf1: {  	[sflag:s0] =	ssyncadd.tile.s32 @!p0 $0x1;
	_ =	shalt  }
.Lfunc_end2:
_tile_overlayer_lowered:
.L_overlay_start_2:
0xf2: {  	(tag) =	ssettag $0x2  }
0xf3: {  	s0 =	rddreg [dreg:$0x0];
	s2 =	stileid.u32  }
0xf4: {  	s1 =	rddreg [dreg:$0x1];
	p0 =	sne.s32 s2, $0x0  }
0xf5: {  	s3 =	rddreg [dreg:$0x2];
	[bflag:$0x3] =	sbarrier.arrive $0xFFFF;
	s2 =	simm.s32 @!p0 $0x1C02  }
0xf6: {  	[timem:s3], [sflag:s2] =	dma.local @!p0 [hbm:s0], s1  }
0xf7: {  	s0 =	simm.s32 @!p0 $0x2  }
0xf8: {  	_ =	swait.ge @!p0 [sflag:s0], s1  }
0xf9: {  	s1 =	ssub.s32 @!p0 $0x0, s1;
	[sflag:s0] =	ssyncset.done @!p0 $0x0  }
0xfa: {  	[sflag:s0] =	ssyncadd.s32 @!p0 s1  }
0xfb: {  	[bflag:$0x3] =	sbarrier.arrive $0xFFFF  }
0xfc: {  	_ =	shalt  }

</sc_bundles>
